<compile_context>
chip_gen: v7x
topology: tpu7x:2x2x1
jax: 0.10.2.dev20260603
libtpu: 0.0.44.dev20260713+nightly
codegen_flags: <defaults>
</compile_context>

<pallas_src>
import functools

import jax
import jax.numpy as jnp
from jax import lax
from jax.experimental import pallas as pl
from jax.experimental.pallas import tpu as pltpu
from jax.experimental.pallas import tpu_sc as plsc

N = 10000
NP = 10240
E = 160000
EP = 163840
NC, NS = 2, 16
KD = 128
K = 64
W = 40
NRING = 4
DC = 128
STRIPE = NP // NS


def _mesh():
  return plsc.VectorSubcoreMesh(
      core_axis_name="c", subcore_axis_name="s", num_cores=NC, num_subcores=NS)


NBLK_DEG = EP // NS // KD
DEG_GRP = 8


@functools.partial(
    pl.kernel,
    out_type=jax.ShapeDtypeStruct((NP,), jnp.float32),
    mesh=_mesh(),
    scratch_types=[
        pltpu.VMEM((NBLK_DEG, KD), jnp.int32),
        pltpu.VMEM((KD,), jnp.float32),
        pltpu.VMEM_SHARED((NP,), jnp.float32),
        pltpu.SemaphoreType.DMA,
    ],
)
def _deg_kernel(dst_hbm, ones_hbm, zeros_hbm, out_hbm, dst_v, ones_v, acc_sh,
                sem):
  c = lax.axis_index("c")
  s = lax.axis_index("s")

  @pl.when(c == 0)
  def _():
    pltpu.sync_copy(dst_hbm.at[s], dst_v)
    pltpu.sync_copy(ones_hbm, ones_v)
    pltpu.sync_copy(zeros_hbm.at[pl.ds(s * STRIPE, STRIPE)],
                    acc_sh.at[pl.ds(s * STRIPE, STRIPE)])
    plsc.subcore_barrier()

    def body(g, carry):
      j = g * DEG_GRP
      for b in range(DEG_GRP):
        pltpu.async_copy(ones_v, acc_sh.at[dst_v.at[j + b]], sem, add=True)
      for b in range(DEG_GRP):
        pltpu.make_async_copy(ones_v, acc_sh.at[dst_v.at[j + b]], sem).wait()
      return carry

    lax.fori_loop(0, NBLK_DEG // DEG_GRP, body, 0)
    plsc.subcore_barrier()
    pltpu.sync_copy(acc_sh.at[pl.ds(s * STRIPE, STRIPE)],
                    out_hbm.at[pl.ds(s * STRIPE, STRIPE)])


NBLK = EP // NS // K


def _make_scatter(C):
  cpersc = C // NC

  @functools.partial(
      pl.kernel,
      out_type=jax.ShapeDtypeStruct((C, NP, DC), jnp.float32),
      mesh=_mesh(),
      scratch_types=[
          pltpu.VMEM((W, K), jnp.int32),
          pltpu.VMEM((W, K), jnp.int32),
          [pltpu.VMEM((K, DC), jnp.float32) for _ in range(NRING)],
          [pltpu.SemaphoreType.DMA for _ in range(NRING)],
          [pltpu.SemaphoreType.DMA for _ in range(NRING)],
          pltpu.VMEM_SHARED((NP, DC), jnp.float32),
      ],
  )
  def _scatter_kernel(u_hbm, src_hbm, dst_hbm, out_hbm,
                      src_v, dst_v, bufs, gsems, ssems, acc_sh):
    c = lax.axis_index("c")
    s = lax.axis_index("s")
    row0 = s * STRIPE
    for i in range(cpersc):
      chunk = c * cpersc + i
      pltpu.sync_copy(u_hbm.at[chunk, pl.ds(row0, STRIPE)],
                      acc_sh.at[pl.ds(row0, STRIPE)])
      plsc.subcore_barrier()
      table = u_hbm.at[chunk]

      def window(w, carry):
        pltpu.sync_copy(src_hbm.at[s, pl.ds(w * W, W)], src_v)
        pltpu.sync_copy(dst_hbm.at[s, pl.ds(w * W, W)], dst_v)
        for b in range(NRING):
          pltpu.async_copy(table.at[src_v.at[b]], bufs[b], gsems[b])

        def body(jj, carry2):
          j = jj * NRING
          for b in range(NRING):
            pltpu.make_async_copy(table.at[src_v.at[j + b]], bufs[b],
                                  gsems[b]).wait()
            pltpu.async_copy(bufs[b], acc_sh.at[dst_v.at[j + b]], ssems[b],
                             add=True)
          for b in range(NRING):
            pltpu.make_async_copy(bufs[b], acc_sh.at[dst_v.at[j + b]],
                                  ssems[b]).wait()

            @pl.when(j + NRING + b < W)
            def _():
              pltpu.async_copy(table.at[src_v.at[j + NRING + b]], bufs[b],
                               gsems[b])

          return carry2

        lax.fori_loop(0, W // NRING, body, 0)
        return carry

      lax.fori_loop(0, NBLK // W, window, 0)
      plsc.subcore_barrier()
      pltpu.sync_copy(acc_sh.at[pl.ds(row0, STRIPE)],
                      out_hbm.at[chunk, pl.ds(row0, STRIPE)])

  return _scatter_kernel


_scatter4 = _make_scatter(4)
_scatter2 = _make_scatter(2)


RB = 1024


def _mm1_body(x_ref, w_ref, deg_ref, o_ref):
  h = jnp.dot(x_ref[...].astype(jnp.bfloat16), w_ref[...],
              preferred_element_type=jnp.float32)
  dis = lax.rsqrt(deg_ref[...] + 1.0)
  for k in range(4):
    o_ref[k] = dis * h[:, k * DC:(k + 1) * DC]


def _mm1_call(x_pad, W1, deg):
  return pl.pallas_call(
      _mm1_body,
      grid=(NP // RB,),
      in_specs=[
          pl.BlockSpec((RB, 256), lambda r: (r, 0)),
          pl.BlockSpec((256, 4 * DC), lambda r: (0, 0)),
          pl.BlockSpec((RB, 1), lambda r: (r, 0)),
      ],
      out_specs=pl.BlockSpec((4, RB, DC), lambda r: (0, r, 0)),
      out_shape=jax.ShapeDtypeStruct((4, NP, DC), jnp.float32),
  )(x_pad, W1, deg)


def _mm2_body(acc1_ref, deg_ref, b1_ref, w2_ref, o_ref):
  dis = lax.rsqrt(deg_ref[...] + 1.0)
  acc = jnp.zeros((o_ref.shape[1], DC), jnp.float32)
  for k in range(4):
    y = jnp.maximum(dis * acc1_ref[k] + b1_ref[k, 0], 0.0)
    acc += jnp.dot(y.astype(jnp.bfloat16), w2_ref[0, k],
                   preferred_element_type=jnp.float32)
  o_ref[0] = dis * acc


def _mm2_call(acc1, deg, b1c, W2c):
  return pl.pallas_call(
      _mm2_body,
      grid=(NP // RB, 2),
      in_specs=[
          pl.BlockSpec((4, RB, DC), lambda r, c: (0, r, 0)),
          pl.BlockSpec((RB, 1), lambda r, c: (r, 0)),
          pl.BlockSpec((4, 1, DC), lambda r, c: (0, 0, 0)),
          pl.BlockSpec((1, 4, DC, DC), lambda r, c: (c, 0, 0, 0)),
      ],
      out_specs=pl.BlockSpec((1, RB, DC), lambda r, c: (c, r, 0)),
      out_shape=jax.ShapeDtypeStruct((2, NP, DC), jnp.float32),
  )(acc1, deg, b1c, W2c)


RBF = 400


def _fin_body(acc2_ref, deg_ref, b2_ref, o_ref):
  dis = lax.rsqrt(deg_ref[...] + 1.0)
  for c in range(2):
    o_ref[:, c * DC:(c + 1) * DC] = dis * acc2_ref[c] + b2_ref[c, 0]


def _fin_call(acc2, deg, b2c):
  return pl.pallas_call(
      _fin_body,
      grid=(N // RBF,),
      in_specs=[
          pl.BlockSpec((2, RBF, DC), lambda r: (0, r, 0)),
          pl.BlockSpec((RBF, 1), lambda r: (r, 0)),
          pl.BlockSpec((2, 1, DC), lambda r: (0, 0, 0)),
      ],
      out_specs=pl.BlockSpec((RBF, 2 * DC), lambda r: (r, 0)),
      out_shape=jax.ShapeDtypeStruct((N, 256), jnp.float32),
  )(acc2, deg, b2c)


@jax.jit
def _run(x, edge_index, W1, b1, W2, b2):
  src = edge_index[0].astype(jnp.int32)
  dst = edge_index[1].astype(jnp.int32)
  assert NBLK % W == 0 and W % NRING == 0 and EP % (NC * NS * KD) == 0
  pad = 10000 + (jnp.arange(EP - E, dtype=jnp.int32) % 16)
  src_p = jnp.concatenate([src, pad])
  dst_p = jnp.concatenate([dst, pad])
  src16 = src_p.reshape(NS, NBLK, K)
  dst16 = dst_p.reshape(NS, NBLK, K)
  dst16d = dst_p.reshape(NS, NBLK_DEG, KD)
  ones_k = jnp.ones((KD,), jnp.float32)
  zeros1 = jnp.zeros((NP,), jnp.float32)

  deg = _deg_kernel(dst16d, ones_k, zeros1).reshape(NP, 1)
  u1 = _mm1_call(x, W1.astype(jnp.bfloat16), deg)
  acc1 = _scatter4(u1, src16, dst16)
  w2c = W2.reshape(4, DC, 2, DC).transpose(2, 0, 1, 3).astype(jnp.bfloat16)
  u2 = _mm2_call(acc1, deg, b1.reshape(4, 1, DC), w2c)
  acc2 = _scatter2(u2, src16, dst16)
  return _fin_call(acc2, deg, b2.reshape(2, 1, DC))


def kernel(x, edge_index, W1, b1, W2, b2):
  return _run(x, edge_index, W1, b1, W2, b2)

# --- scband reference (transcript-rebuilt; emitter-appended) ---
"""Pipeline reference for scband-gcnencoder-43843026157646 (READ-ONLY COPY).

The authoritative reference and input builder live on the scoring server;
editing this copy changes nothing except your own understanding.
"""

import jax, jax.numpy as jnp
import numpy as np

N_NODES = 10000
N_EDGES = 160000
IN_CH = 256
OUT_CH = 256
HID = 2 * OUT_CH


def gcn_conv(x, edge_index, W, b):
    num_nodes = x.shape[0]
    src = edge_index[0]
    dst = edge_index[1]
    # add self-loops (PyG GCNConv default add_self_loops=True)
    loop = jnp.arange(num_nodes, dtype=src.dtype)
    src = jnp.concatenate([src, loop])
    dst = jnp.concatenate([dst, loop])
    # symmetric normalization D^{-1/2} (A+I) D^{-1/2}
    deg = jnp.zeros((num_nodes,), dtype=x.dtype).at[dst].add(1.0)
    deg_inv_sqrt = jnp.where(deg > 0, 1.0 / jnp.sqrt(deg), 0.0)
    norm = deg_inv_sqrt[src] * deg_inv_sqrt[dst]
    h = x @ W
    msg = h[src] * norm[:, None]
    out = jnp.zeros((num_nodes, h.shape[1]), dtype=x.dtype).at[dst].add(msg)
    return out + b


def setup_inputs(seed: int = 0) -> dict:
    key = jax.random.key(seed)
    k1, k2, k3, k4, k5, k6 = jax.random.split(key, 6)
    x = jax.random.normal(k1, (N_NODES, IN_CH), dtype=jnp.float32)
    edge_index = jax.random.randint(k2, (2, N_EDGES), 0, N_NODES, dtype=jnp.int64)
    # Glorot init like PyG GCNConv
    s1 = float(np.sqrt(6.0 / (IN_CH + HID)))
    W1 = jax.random.uniform(k3, (IN_CH, HID), dtype=jnp.float32, minval=-s1, maxval=s1)
    b1 = jnp.zeros((HID,), dtype=jnp.float32)
    s2 = float(np.sqrt(6.0 / (HID + OUT_CH)))
    W2 = jax.random.uniform(k4, (HID, OUT_CH), dtype=jnp.float32, minval=-s2, maxval=s2)
    b2 = jnp.zeros((OUT_CH,), dtype=jnp.float32)
    return {"x": x, "edge_index": edge_index, "W1": W1, "b1": b1, "W2": W2, "b2": b2}


def reference(x, edge_index, W1, b1, W2, b2):
    # conv1 -> relu -> dropout (identity in eval) -> conv2
    h = gcn_conv(x, edge_index, W1, b1)
    h = jax.nn.relu(h)
    # dropout p=0.1 treated as identity (eval mode / deterministic reference)
    out = gcn_conv(h, edge_index, W2, b2)
    return out

if __name__ == "__main__":
    import jax
    _d = setup_inputs()
    print(jax.jit(kernel)(*tuple(_d.values())))

</pallas_src>

<mosaic_0001>
#map = affine_map<(d0, d1) -> (0, 0, 0)>
#map1 = affine_map<(d0, d1) -> (0)>
module attributes {stable_mosaic.version = 14 : i64} {
  func.func @_deg_kernel(%arg0: i32, %arg1: i32, %arg2: memref<16x80x128xi32, #tpu.memory_space<hbm>>, %arg3: memref<128xf32, #tpu.memory_space<hbm>>, %arg4: memref<10240xf32, #tpu.memory_space<hbm>>, %arg5: memref<10240xf32, #tpu.memory_space<hbm>>, %arg6: memref<80x128xi32, #tpu.memory_space<vmem>>, %arg7: memref<128xf32, #tpu.memory_space<vmem>>, %arg8: memref<10240xf32, #tpu.memory_space<vmem_shared>>, %arg9: memref<!tpu.dma_semaphore, #tpu.memory_space<semaphore_mem>>) attributes {dimension_semantics = [#tpu.dimension_semantics<core_parallel>, #tpu.dimension_semantics<subcore_parallel>], iteration_bounds = array<i64: 2, 16>, scalar_prefetch = 0 : i64, scratch_operands = 4 : i64, tpu.core_type = #tpu.core_type<sc_vector_subcore>, window_params = [{transform_indices = #map}, {transform_indices = #map1}, {transform_indices = #map1}, {transform_indices = #map1}]} {
    %eq3A = arith.constant 0 : i32
    %eq3A_0 = arith.cmpi eq, %arg0, %eq3A : i32
    %convert_element_type3A = arith.extui %eq3A_0 : i1 to i32
    %cond3A = arith.constant 0 : i32
    %cond3A_1 = arith.cmpi ne, %convert_element_type3A, %cond3A : i32
    scf.if %cond3A_1 {
      "tpu.region"() ({
        %run_scoped3A = tpu.sem_alloc : memref<!tpu.dma_semaphore, #tpu.memory_space<semaphore_mem>>
        %dma_start3A = arith.constant 0 : i32
        %dma_start3A_15 = arith.constant 0 : i32
        %dma_start3A_16 = tpu.memref_slice %arg2[%arg1, %dma_start3A, %dma_start3A_15] : memref<16x80x128xi32, #tpu.memory_space<hbm>> -> memref<1x80x128xi32, #tpu.memory_space<hbm>>
        %dma_start3A_17 = tpu.memref_squeeze %dma_start3A_16 : memref<1x80x128xi32, #tpu.memory_space<hbm>> -> memref<80x128xi32, #tpu.memory_space<hbm>>
        %dma_start3A_18 = arith.constant 0 : i32
        %dma_start3A_19 = arith.constant 0 : i32
        %dma_start3A_20 = tpu.memref_slice %arg2[%arg1, %dma_start3A_18, %dma_start3A_19] : memref<16x80x128xi32, #tpu.memory_space<hbm>> -> memref<1x80x128xi32, #tpu.memory_space<hbm>>
        %dma_start3A_21 = tpu.memref_squeeze %dma_start3A_20 : memref<1x80x128xi32, #tpu.memory_space<hbm>> -> memref<80x128xi32, #tpu.memory_space<hbm>>
        tpu.enqueue_dma source(%dma_start3A_21 : memref<80x128xi32, #tpu.memory_space<hbm>>) target(%arg6 : memref<80x128xi32, #tpu.memory_space<vmem>>) target_semaphore(%run_scoped3A : memref<!tpu.dma_semaphore, #tpu.memory_space<semaphore_mem>>)
        %dma_wait3A = arith.constant 0 : i32
        %dma_wait3A_22 = arith.constant 0 : i32
        %dma_wait3A_23 = tpu.memref_slice %arg2[%arg1, %dma_wait3A, %dma_wait3A_22] : memref<16x80x128xi32, #tpu.memory_space<hbm>> -> memref<1x80x128xi32, #tpu.memory_space<hbm>>
        %dma_wait3A_24 = tpu.memref_squeeze %dma_wait3A_23 : memref<1x80x128xi32, #tpu.memory_space<hbm>> -> memref<80x128xi32, #tpu.memory_space<hbm>>
        %dma_wait3A_25 = arith.constant 0 : i32
        %dma_wait3A_26 = arith.constant 0 : i32
        %dma_wait3A_27 = tpu.memref_slice %arg2[%arg1, %dma_wait3A_25, %dma_wait3A_26] : memref<16x80x128xi32, #tpu.memory_space<hbm>> -> memref<1x80x128xi32, #tpu.memory_space<hbm>>
        %dma_wait3A_28 = tpu.memref_squeeze %dma_wait3A_27 : memref<1x80x128xi32, #tpu.memory_space<hbm>> -> memref<80x128xi32, #tpu.memory_space<hbm>>
        tpu.wait_dma2 semaphore(%run_scoped3A : memref<!tpu.dma_semaphore, #tpu.memory_space<semaphore_mem>>) src(%dma_wait3A_28 : memref<80x128xi32, #tpu.memory_space<hbm>>) dst(%arg6 : memref<80x128xi32, #tpu.memory_space<vmem>>)
        tpu.yield
      }) : () -> ()
      "tpu.region"() ({
        %run_scoped3A = tpu.sem_alloc : memref<!tpu.dma_semaphore, #tpu.memory_space<semaphore_mem>>
        tpu.enqueue_dma source(%arg3 : memref<128xf32, #tpu.memory_space<hbm>>) target(%arg7 : memref<128xf32, #tpu.memory_space<vmem>>) target_semaphore(%run_scoped3A : memref<!tpu.dma_semaphore, #tpu.memory_space<semaphore_mem>>)
        tpu.wait_dma2 semaphore(%run_scoped3A : memref<!tpu.dma_semaphore, #tpu.memory_space<semaphore_mem>>) src(%arg3 : memref<128xf32, #tpu.memory_space<hbm>>) dst(%arg7 : memref<128xf32, #tpu.memory_space<vmem>>)
        tpu.yield
      }) : () -> ()
      %mul3A = arith.constant 640 : i32
      %mul3A_2 = arith.muli %arg1, %mul3A : i32
      %mul3A_3 = arith.constant 640 : i32
      %mul3A_4 = arith.muli %arg1, %mul3A_3 : i32
      "tpu.region"() ({
        %run_scoped3A = tpu.sem_alloc : memref<!tpu.dma_semaphore, #tpu.memory_space<semaphore_mem>>
        %dma_start3A = tpu.memref_slice %arg8[%mul3A_4] : memref<10240xf32, #tpu.memory_space<vmem_shared>> -> memref<640xf32, #tpu.memory_space<vmem_shared>>
        %dma_start3A_15 = tpu.memref_slice %arg4[%mul3A_2] : memref<10240xf32, #tpu.memory_space<hbm>> -> memref<640xf32, #tpu.memory_space<hbm>>
        tpu.enqueue_dma source(%dma_start3A_15 : memref<640xf32, #tpu.memory_space<hbm>>) target(%dma_start3A : memref<640xf32, #tpu.memory_space<vmem_shared>>) target_semaphore(%run_scoped3A : memref<!tpu.dma_semaphore, #tpu.memory_space<semaphore_mem>>)
        %dma_wait3A = tpu.memref_slice %arg8[%mul3A_4] : memref<10240xf32, #tpu.memory_space<vmem_shared>> -> memref<640xf32, #tpu.memory_space<vmem_shared>>
        %dma_wait3A_16 = tpu.memref_slice %arg4[%mul3A_2] : memref<10240xf32, #tpu.memory_space<hbm>> -> memref<640xf32, #tpu.memory_space<hbm>>
        tpu.wait_dma2 semaphore(%run_scoped3A : memref<!tpu.dma_semaphore, #tpu.memory_space<semaphore_mem>>) src(%dma_wait3A_16 : memref<640xf32, #tpu.memory_space<hbm>>) dst(%dma_wait3A : memref<640xf32, #tpu.memory_space<vmem_shared>>)
        tpu.yield
      }) : () -> ()
      %barrier3A = arith.constant 0 : index
      tpu.barrier barrier_id(%barrier3A)
      %scan3A = arith.constant 0 : i32
      %scan3A_5 = arith.constant 0 : i32
      %scan3A_6 = arith.constant 10 : i32
      %scan3A_7 = arith.addi %scan3A_5, %scan3A_6 : i32
      %scan3A_8 = arith.constant 1 : i32
      scf.for %scan3A_15 = %scan3A_5 to %scan3A_7 step %scan3A_8  : i32 {
        %mul3A_16 = arith.constant 8 : i32
        %mul3A_17 = arith.muli %scan3A_15, %mul3A_16 : i32
        %add3A = arith.constant 0 : i32
        %add3A_18 = arith.addi %mul3A_17, %add3A : i32
        %dma_start3A = arith.constant 0 : i32
        %dma_start3A_19 = tpu.memref_slice %arg6[%add3A_18, %dma_start3A] : memref<80x128xi32, #tpu.memory_space<vmem>> -> memref<1x128xi32, #tpu.memory_space<vmem>>
        %dma_start3A_20 = tpu.memref_squeeze %dma_start3A_19 : memref<1x128xi32, #tpu.memory_space<vmem>> -> memref<128xi32, #tpu.memory_space<vmem>>
        %dma_start3A_21 = arith.constant 0 : i32
        %dma_start3A_22 = tpu.memref_slice %arg8[%dma_start3A_21] : memref<10240xf32, #tpu.memory_space<vmem_shared>> -> memref<10240xf32, #tpu.memory_space<vmem_shared>>
        tpu.enqueue_indirect_dma source(%arg7 : memref<128xf32, #tpu.memory_space<vmem>>) target(%dma_start3A_22 : memref<10240xf32, #tpu.memory_space<vmem_shared>>) offsets(%dma_start3A_20 : memref<128xi32, #tpu.memory_space<vmem>>) semaphore(%arg9 : memref<!tpu.dma_semaphore, #tpu.memory_space<semaphore_mem>>) {add = true}
        %add3A_23 = arith.constant 1 : i32
        %add3A_24 = arith.addi %mul3A_17, %add3A_23 : i32
        %dma_start3A_25 = arith.constant 0 : i32
        %dma_start3A_26 = tpu.memref_slice %arg6[%add3A_24, %dma_start3A_25] : memref<80x128xi32, #tpu.memory_space<vmem>> -> memref<1x128xi32, #tpu.memory_space<vmem>>
        %dma_start3A_27 = tpu.memref_squeeze %dma_start3A_26 : memref<1x128xi32, #tpu.memory_space<vmem>> -> memref<128xi32, #tpu.memory_space<vmem>>
        %dma_start3A_28 = arith.constant 0 : i32
        %dma_start3A_29 = tpu.memref_slice %arg8[%dma_start3A_28] : memref<10240xf32, #tpu.memory_space<vmem_shared>> -> memref<10240xf32, #tpu.memory_space<vmem_shared>>
        tpu.enqueue_indirect_dma source(%arg7 : memref<128xf32, #tpu.memory_space<vmem>>) target(%dma_start3A_29 : memref<10240xf32, #tpu.memory_space<vmem_shared>>) offsets(%dma_start3A_27 : memref<128xi32, #tpu.memory_space<vmem>>) semaphore(%arg9 : memref<!tpu.dma_semaphore, #tpu.memory_space<semaphore_mem>>) {add = true}
        %add3A_30 = arith.constant 2 : i32
        %add3A_31 = arith.addi %mul3A_17, %add3A_30 : i32
        %dma_start3A_32 = arith.constant 0 : i32
        %dma_start3A_33 = tpu.memref_slice %arg6[%add3A_31, %dma_start3A_32] : memref<80x128xi32, #tpu.memory_space<vmem>> -> memref<1x128xi32, #tpu.memory_space<vmem>>
        %dma_start3A_34 = tpu.memref_squeeze %dma_start3A_33 : memref<1x128xi32, #tpu.memory_space<vmem>> -> memref<128xi32, #tpu.memory_space<vmem>>
        %dma_start3A_35 = arith.constant 0 : i32
        %dma_start3A_36 = tpu.memref_slice %arg8[%dma_start3A_35] : memref<10240xf32, #tpu.memory_space<vmem_shared>> -> memref<10240xf32, #tpu.memory_space<vmem_shared>>
        tpu.enqueue_indirect_dma source(%arg7 : memref<128xf32, #tpu.memory_space<vmem>>) target(%dma_start3A_36 : memref<10240xf32, #tpu.memory_space<vmem_shared>>) offsets(%dma_start3A_34 : memref<128xi32, #tpu.memory_space<vmem>>) semaphore(%arg9 : memref<!tpu.dma_semaphore, #tpu.memory_space<semaphore_mem>>) {add = true}
        %add3A_37 = arith.constant 3 : i32
        %add3A_38 = arith.addi %mul3A_17, %add3A_37 : i32
        %dma_start3A_39 = arith.constant 0 : i32
        %dma_start3A_40 = tpu.memref_slice %arg6[%add3A_38, %dma_start3A_39] : memref<80x128xi32, #tpu.memory_space<vmem>> -> memref<1x128xi32, #tpu.memory_space<vmem>>
        %dma_start3A_41 = tpu.memref_squeeze %dma_start3A_40 : memref<1x128xi32, #tpu.memory_space<vmem>> -> memref<128xi32, #tpu.memory_space<vmem>>
        %dma_start3A_42 = arith.constant 0 : i32
        %dma_start3A_43 = tpu.memref_slice %arg8[%dma_start3A_42] : memref<10240xf32, #tpu.memory_space<vmem_shared>> -> memref<10240xf32, #tpu.memory_space<vmem_shared>>
        tpu.enqueue_indirect_dma source(%arg7 : memref<128xf32, #tpu.memory_space<vmem>>) target(%dma_start3A_43 : memref<10240xf32, #tpu.memory_space<vmem_shared>>) offsets(%dma_start3A_41 : memref<128xi32, #tpu.memory_space<vmem>>) semaphore(%arg9 : memref<!tpu.dma_semaphore, #tpu.memory_space<semaphore_mem>>) {add = true}
        %add3A_44 = arith.constant 4 : i32
        %add3A_45 = arith.addi %mul3A_17, %add3A_44 : i32
        %dma_start3A_46 = arith.constant 0 : i32
        %dma_start3A_47 = tpu.memref_slice %arg6[%add3A_45, %dma_start3A_46] : memref<80x128xi32, #tpu.memory_space<vmem>> -> memref<1x128xi32, #tpu.memory_space<vmem>>
        %dma_start3A_48 = tpu.memref_squeeze %dma_start3A_47 : memref<1x128xi32, #tpu.memory_space<vmem>> -> memref<128xi32, #tpu.memory_space<vmem>>
        %dma_start3A_49 = arith.constant 0 : i32
        %dma_start3A_50 = tpu.memref_slice %arg8[%dma_start3A_49] : memref<10240xf32, #tpu.memory_space<vmem_shared>> -> memref<10240xf32, #tpu.memory_space<vmem_shared>>
        tpu.enqueue_indirect_dma source(%arg7 : memref<128xf32, #tpu.memory_space<vmem>>) target(%dma_start3A_50 : memref<10240xf32, #tpu.memory_space<vmem_shared>>) offsets(%dma_start3A_48 : memref<128xi32, #tpu.memory_space<vmem>>) semaphore(%arg9 : memref<!tpu.dma_semaphore, #tpu.memory_space<semaphore_mem>>) {add = true}
        %add3A_51 = arith.constant 5 : i32
        %add3A_52 = arith.addi %mul3A_17, %add3A_51 : i32
        %dma_start3A_53 = arith.constant 0 : i32
        %dma_start3A_54 = tpu.memref_slice %arg6[%add3A_52, %dma_start3A_53] : memref<80x128xi32, #tpu.memory_space<vmem>> -> memref<1x128xi32, #tpu.memory_space<vmem>>
        %dma_start3A_55 = tpu.memref_squeeze %dma_start3A_54 : memref<1x128xi32, #tpu.memory_space<vmem>> -> memref<128xi32, #tpu.memory_space<vmem>>
        %dma_start3A_56 = arith.constant 0 : i32
        %dma_start3A_57 = tpu.memref_slice %arg8[%dma_start3A_56] : memref<10240xf32, #tpu.memory_space<vmem_shared>> -> memref<10240xf32, #tpu.memory_space<vmem_shared>>
        tpu.enqueue_indirect_dma source(%arg7 : memref<128xf32, #tpu.memory_space<vmem>>) target(%dma_start3A_57 : memref<10240xf32, #tpu.memory_space<vmem_shared>>) offsets(%dma_start3A_55 : memref<128xi32, #tpu.memory_space<vmem>>) semaphore(%arg9 : memref<!tpu.dma_semaphore, #tpu.memory_space<semaphore_mem>>) {add = true}
        %add3A_58 = arith.constant 6 : i32
        %add3A_59 = arith.addi %mul3A_17, %add3A_58 : i32
        %dma_start3A_60 = arith.constant 0 : i32
        %dma_start3A_61 = tpu.memref_slice %arg6[%add3A_59, %dma_start3A_60] : memref<80x128xi32, #tpu.memory_space<vmem>> -> memref<1x128xi32, #tpu.memory_space<vmem>>
        %dma_start3A_62 = tpu.memref_squeeze %dma_start3A_61 : memref<1x128xi32, #tpu.memory_space<vmem>> -> memref<128xi32, #tpu.memory_space<vmem>>
        %dma_start3A_63 = arith.constant 0 : i32
        %dma_start3A_64 = tpu.memref_slice %arg8[%dma_start3A_63] : memref<10240xf32, #tpu.memory_space<vmem_shared>> -> memref<10240xf32, #tpu.memory_space<vmem_shared>>
        tpu.enqueue_indirect_dma source(%arg7 : memref<128xf32, #tpu.memory_space<vmem>>) target(%dma_start3A_64 : memref<10240xf32, #tpu.memory_space<vmem_shared>>) offsets(%dma_start3A_62 : memref<128xi32, #tpu.memory_space<vmem>>) semaphore(%arg9 : memref<!tpu.dma_semaphore, #tpu.memory_space<semaphore_mem>>) {add = true}
        %add3A_65 = arith.constant 7 : i32
        %add3A_66 = arith.addi %mul3A_17, %add3A_65 : i32
        %dma_start3A_67 = arith.constant 0 : i32
        %dma_start3A_68 = tpu.memref_slice %arg6[%add3A_66, %dma_start3A_67] : memref<80x128xi32, #tpu.memory_space<vmem>> -> memref<1x128xi32, #tpu.memory_space<vmem>>
        %dma_start3A_69 = tpu.memref_squeeze %dma_start3A_68 : memref<1x128xi32, #tpu.memory_space<vmem>> -> memref<128xi32, #tpu.memory_space<vmem>>
        %dma_start3A_70 = arith.constant 0 : i32
        %dma_start3A_71 = tpu.memref_slice %arg8[%dma_start3A_70] : memref<10240xf32, #tpu.memory_space<vmem_shared>> -> memref<10240xf32, #tpu.memory_space<vmem_shared>>
        tpu.enqueue_indirect_dma source(%arg7 : memref<128xf32, #tpu.memory_space<vmem>>) target(%dma_start3A_71 : memref<10240xf32, #tpu.memory_space<vmem_shared>>) offsets(%dma_start3A_69 : memref<128xi32, #tpu.memory_space<vmem>>) semaphore(%arg9 : memref<!tpu.dma_semaphore, #tpu.memory_space<semaphore_mem>>) {add = true}
        %add3A_72 = arith.constant 0 : i32
        %add3A_73 = arith.addi %mul3A_17, %add3A_72 : i32
        %dma_wait3A = arith.constant 0 : i32
        %dma_wait3A_74 = tpu.memref_slice %arg6[%add3A_73, %dma_wait3A] : memref<80x128xi32, #tpu.memory_space<vmem>> -> memref<1x128xi32, #tpu.memory_space<vmem>>
        %dma_wait3A_75 = tpu.memref_squeeze %dma_wait3A_74 : memref<1x128xi32, #tpu.memory_space<vmem>> -> memref<128xi32, #tpu.memory_space<vmem>>
        %dma_wait3A_76 = arith.constant 0 : i32
        %dma_wait3A_77 = tpu.memref_slice %arg8[%dma_wait3A_76] : memref<10240xf32, #tpu.memory_space<vmem_shared>> -> memref<10240xf32, #tpu.memory_space<vmem_shared>>
        tpu.wait_indirect_dma semaphore(%arg9 : memref<!tpu.dma_semaphore, #tpu.memory_space<semaphore_mem>>) src(%arg7 : memref<128xf32, #tpu.memory_space<vmem>>) dst(%dma_wait3A_77 : memref<10240xf32, #tpu.memory_space<vmem_shared>>)
        %add3A_78 = arith.constant 1 : i32
        %add3A_79 = arith.addi %mul3A_17, %add3A_78 : i32
        %dma_wait3A_80 = arith.constant 0 : i32
        %dma_wait3A_81 = tpu.memref_slice %arg6[%add3A_79, %dma_wait3A_80] : memref<80x128xi32, #tpu.memory_space<vmem>> -> memref<1x128xi32, #tpu.memory_space<vmem>>
        %dma_wait3A_82 = tpu.memref_squeeze %dma_wait3A_81 : memref<1x128xi32, #tpu.memory_space<vmem>> -> memref<128xi32, #tpu.memory_space<vmem>>
        %dma_wait3A_83 = arith.constant 0 : i32
        %dma_wait3A_84 = tpu.memref_slice %arg8[%dma_wait3A_83] : memref<10240xf32, #tpu.memory_space<vmem_shared>> -> memref<10240xf32, #tpu.memory_space<vmem_shared>>
        tpu.wait_indirect_dma semaphore(%arg9 : memref<!tpu.dma_semaphore, #tpu.memory_space<semaphore_mem>>) src(%arg7 : memref<128xf32, #tpu.memory_space<vmem>>) dst(%dma_wait3A_84 : memref<10240xf32, #tpu.memory_space<vmem_shared>>)
        %add3A_85 = arith.constant 2 : i32
        %add3A_86 = arith.addi %mul3A_17, %add3A_85 : i32
        %dma_wait3A_87 = arith.constant 0 : i32
        %dma_wait3A_88 = tpu.memref_slice %arg6[%add3A_86, %dma_wait3A_87] : memref<80x128xi32, #tpu.memory_space<vmem>> -> memref<1x128xi32, #tpu.memory_space<vmem>>
        %dma_wait3A_89 = tpu.memref_squeeze %dma_wait3A_88 : memref<1x128xi32, #tpu.memory_space<vmem>> -> memref<128xi32, #tpu.memory_space<vmem>>
        %dma_wait3A_90 = arith.constant 0 : i32
        %dma_wait3A_91 = tpu.memref_slice %arg8[%dma_wait3A_90] : memref<10240xf32, #tpu.memory_space<vmem_shared>> -> memref<10240xf32, #tpu.memory_space<vmem_shared>>
        tpu.wait_indirect_dma semaphore(%arg9 : memref<!tpu.dma_semaphore, #tpu.memory_space<semaphore_mem>>) src(%arg7 : memref<128xf32, #tpu.memory_space<vmem>>) dst(%dma_wait3A_91 : memref<10240xf32, #tpu.memory_space<vmem_shared>>)
        %add3A_92 = arith.constant 3 : i32
        %add3A_93 = arith.addi %mul3A_17, %add3A_92 : i32
        %dma_wait3A_94 = arith.constant 0 : i32
        %dma_wait3A_95 = tpu.memref_slice %arg6[%add3A_93, %dma_wait3A_94] : memref<80x128xi32, #tpu.memory_space<vmem>> -> memref<1x128xi32, #tpu.memory_space<vmem>>
        %dma_wait3A_96 = tpu.memref_squeeze %dma_wait3A_95 : memref<1x128xi32, #tpu.memory_space<vmem>> -> memref<128xi32, #tpu.memory_space<vmem>>
        %dma_wait3A_97 = arith.constant 0 : i32
        %dma_wait3A_98 = tpu.memref_slice %arg8[%dma_wait3A_97] : memref<10240xf32, #tpu.memory_space<vmem_shared>> -> memref<10240xf32, #tpu.memory_space<vmem_shared>>
        tpu.wait_indirect_dma semaphore(%arg9 : memref<!tpu.dma_semaphore, #tpu.memory_space<semaphore_mem>>) src(%arg7 : memref<128xf32, #tpu.memory_space<vmem>>) dst(%dma_wait3A_98 : memref<10240xf32, #tpu.memory_space<vmem_shared>>)
        %add3A_99 = arith.constant 4 : i32
        %add3A_100 = arith.addi %mul3A_17, %add3A_99 : i32
        %dma_wait3A_101 = arith.constant 0 : i32
        %dma_wait3A_102 = tpu.memref_slice %arg6[%add3A_100, %dma_wait3A_101] : memref<80x128xi32, #tpu.memory_space<vmem>> -> memref<1x128xi32, #tpu.memory_space<vmem>>
        %dma_wait3A_103 = tpu.memref_squeeze %dma_wait3A_102 : memref<1x128xi32, #tpu.memory_space<vmem>> -> memref<128xi32, #tpu.memory_space<vmem>>
        %dma_wait3A_104 = arith.constant 0 : i32
        %dma_wait3A_105 = tpu.memref_slice %arg8[%dma_wait3A_104] : memref<10240xf32, #tpu.memory_space<vmem_shared>> -> memref<10240xf32, #tpu.memory_space<vmem_shared>>
        tpu.wait_indirect_dma semaphore(%arg9 : memref<!tpu.dma_semaphore, #tpu.memory_space<semaphore_mem>>) src(%arg7 : memref<128xf32, #tpu.memory_space<vmem>>) dst(%dma_wait3A_105 : memref<10240xf32, #tpu.memory_space<vmem_shared>>)
        %add3A_106 = arith.constant 5 : i32
        %add3A_107 = arith.addi %mul3A_17, %add3A_106 : i32
        %dma_wait3A_108 = arith.constant 0 : i32
        %dma_wait3A_109 = tpu.memref_slice %arg6[%add3A_107, %dma_wait3A_108] : memref<80x128xi32, #tpu.memory_space<vmem>> -> memref<1x128xi32, #tpu.memory_space<vmem>>
        %dma_wait3A_110 = tpu.memref_squeeze %dma_wait3A_109 : memref<1x128xi32, #tpu.memory_space<vmem>> -> memref<128xi32, #tpu.memory_space<vmem>>
        %dma_wait3A_111 = arith.constant 0 : i32
        %dma_wait3A_112 = tpu.memref_slice %arg8[%dma_wait3A_111] : memref<10240xf32, #tpu.memory_space<vmem_shared>> -> memref<10240xf32, #tpu.memory_space<vmem_shared>>
        tpu.wait_indirect_dma semaphore(%arg9 : memref<!tpu.dma_semaphore, #tpu.memory_space<semaphore_mem>>) src(%arg7 : memref<128xf32, #tpu.memory_space<vmem>>) dst(%dma_wait3A_112 : memref<10240xf32, #tpu.memory_space<vmem_shared>>)
        %add3A_113 = arith.constant 6 : i32
        %add3A_114 = arith.addi %mul3A_17, %add3A_113 : i32
        %dma_wait3A_115 = arith.constant 0 : i32
        %dma_wait3A_116 = tpu.memref_slice %arg6[%add3A_114, %dma_wait3A_115] : memref<80x128xi32, #tpu.memory_space<vmem>> -> memref<1x128xi32, #tpu.memory_space<vmem>>
        %dma_wait3A_117 = tpu.memref_squeeze %dma_wait3A_116 : memref<1x128xi32, #tpu.memory_space<vmem>> -> memref<128xi32, #tpu.memory_space<vmem>>
        %dma_wait3A_118 = arith.constant 0 : i32
        %dma_wait3A_119 = tpu.memref_slice %arg8[%dma_wait3A_118] : memref<10240xf32, #tpu.memory_space<vmem_shared>> -> memref<10240xf32, #tpu.memory_space<vmem_shared>>
        tpu.wait_indirect_dma semaphore(%arg9 : memref<!tpu.dma_semaphore, #tpu.memory_space<semaphore_mem>>) src(%arg7 : memref<128xf32, #tpu.memory_space<vmem>>) dst(%dma_wait3A_119 : memref<10240xf32, #tpu.memory_space<vmem_shared>>)
        %add3A_120 = arith.constant 7 : i32
        %add3A_121 = arith.addi %mul3A_17, %add3A_120 : i32
        %dma_wait3A_122 = arith.constant 0 : i32
        %dma_wait3A_123 = tpu.memref_slice %arg6[%add3A_121, %dma_wait3A_122] : memref<80x128xi32, #tpu.memory_space<vmem>> -> memref<1x128xi32, #tpu.memory_space<vmem>>
        %dma_wait3A_124 = tpu.memref_squeeze %dma_wait3A_123 : memref<1x128xi32, #tpu.memory_space<vmem>> -> memref<128xi32, #tpu.memory_space<vmem>>
        %dma_wait3A_125 = arith.constant 0 : i32
        %dma_wait3A_126 = tpu.memref_slice %arg8[%dma_wait3A_125] : memref<10240xf32, #tpu.memory_space<vmem_shared>> -> memref<10240xf32, #tpu.memory_space<vmem_shared>>
        tpu.wait_indirect_dma semaphore(%arg9 : memref<!tpu.dma_semaphore, #tpu.memory_space<semaphore_mem>>) src(%arg7 : memref<128xf32, #tpu.memory_space<vmem>>) dst(%dma_wait3A_126 : memref<10240xf32, #tpu.memory_space<vmem_shared>>)
      }
      %scan3A_9 = arith.constant 10 : i32
      %barrier3A_10 = arith.constant 0 : index
      tpu.barrier barrier_id(%barrier3A_10)
      %mul3A_11 = arith.constant 640 : i32
      %mul3A_12 = arith.muli %arg1, %mul3A_11 : i32
      %mul3A_13 = arith.constant 640 : i32
      %mul3A_14 = arith.muli %arg1, %mul3A_13 : i32
      "tpu.region"() ({
        %run_scoped3A = tpu.sem_alloc : memref<!tpu.dma_semaphore, #tpu.memory_space<semaphore_mem>>
        %dma_start3A = tpu.memref_slice %arg5[%mul3A_14] : memref<10240xf32, #tpu.memory_space<hbm>> -> memref<640xf32, #tpu.memory_space<hbm>>
        %dma_start3A_15 = tpu.memref_slice %arg8[%mul3A_12] : memref<10240xf32, #tpu.memory_space<vmem_shared>> -> memref<640xf32, #tpu.memory_space<vmem_shared>>
        tpu.enqueue_dma source(%dma_start3A_15 : memref<640xf32, #tpu.memory_space<vmem_shared>>) target(%dma_start3A : memref<640xf32, #tpu.memory_space<hbm>>) target_semaphore(%run_scoped3A : memref<!tpu.dma_semaphore, #tpu.memory_space<semaphore_mem>>)
        %dma_wait3A = tpu.memref_slice %arg5[%mul3A_14] : memref<10240xf32, #tpu.memory_space<hbm>> -> memref<640xf32, #tpu.memory_space<hbm>>
        %dma_wait3A_16 = tpu.memref_slice %arg8[%mul3A_12] : memref<10240xf32, #tpu.memory_space<vmem_shared>> -> memref<640xf32, #tpu.memory_space<vmem_shared>>
        tpu.wait_dma2 semaphore(%run_scoped3A : memref<!tpu.dma_semaphore, #tpu.memory_space<semaphore_mem>>) src(%dma_wait3A_16 : memref<640xf32, #tpu.memory_space<vmem_shared>>) dst(%dma_wait3A : memref<640xf32, #tpu.memory_space<hbm>>)
        tpu.yield
      }) : () -> ()
    } else {
    }
    return
  }
}

#map = affine_map<(d0, d1) -> (0, 0, 0)>
module attributes {stable_mosaic.version = 14 : i64} {
  func.func @_scatter_kernel(%arg0: i32, %arg1: i32, %arg2: memref<2x10240x128xf32, #tpu.memory_space<hbm>>, %arg3: memref<16x160x64xi32, #tpu.memory_space<hbm>>, %arg4: memref<16x160x64xi32, #tpu.memory_space<hbm>>, %arg5: memref<2x10240x128xf32, #tpu.memory_space<hbm>>, %arg6: memref<40x64xi32, #tpu.memory_space<vmem>>, %arg7: memref<40x64xi32, #tpu.memory_space<vmem>>, %arg8: memref<64x128xf32, #tpu.memory_space<vmem>>, %arg9: memref<64x128xf32, #tpu.memory_space<vmem>>, %arg10: memref<64x128xf32, #tpu.memory_space<vmem>>, %arg11: memref<64x128xf32, #tpu.memory_space<vmem>>, %arg12: memref<!tpu.dma_semaphore, #tpu.memory_space<semaphore_mem>>, %arg13: memref<!tpu.dma_semaphore, #tpu.memory_space<semaphore_mem>>, %arg14: memref<!tpu.dma_semaphore, #tpu.memory_space<semaphore_mem>>, %arg15: memref<!tpu.dma_semaphore, #tpu.memory_space<semaphore_mem>>, %arg16: memref<!tpu.dma_semaphore, #tpu.memory_space<semaphore_mem>>, %arg17: memref<!tpu.dma_semaphore, #tpu.memory_space<semaphore_mem>>, %arg18: memref<!tpu.dma_semaphore, #tpu.memory_space<semaphore_mem>>, %arg19: memref<!tpu.dma_semaphore, #tpu.memory_space<semaphore_mem>>, %arg20: memref<10240x128xf32, #tpu.memory_space<vmem_shared>>) attributes {dimension_semantics = [#tpu.dimension_semantics<core_parallel>, #tpu.dimension_semantics<subcore_parallel>], iteration_bounds = array<i64: 2, 16>, scalar_prefetch = 0 : i64, scratch_operands = 15 : i64, tpu.core_type = #tpu.core_type<sc_vector_subcore>, window_params = [{transform_indices = #map}, {transform_indices = #map}, {transform_indices = #map}, {transform_indices = #map}]} {
    %mul3A = arith.constant 640 : i32
    %mul3A_0 = arith.muli %arg1, %mul3A : i32
    %mul3A_1 = arith.constant 1 : i32
    %mul3A_2 = arith.muli %arg0, %mul3A_1 : i32
    %add3A = arith.constant 0 : i32
    %add3A_3 = arith.addi %mul3A_2, %add3A : i32
    "tpu.region"() ({
      %run_scoped3A = tpu.sem_alloc : memref<!tpu.dma_semaphore, #tpu.memory_space<semaphore_mem>>
      %dma_start3A = arith.constant 0 : i32
      %dma_start3A_10 = tpu.memref_slice %arg20[%mul3A_0, %dma_start3A] : memref<10240x128xf32, #tpu.memory_space<vmem_shared>> -> memref<640x128xf32, #tpu.memory_space<vmem_shared>>
      %dma_start3A_11 = arith.constant 0 : i32
      %dma_start3A_12 = tpu.memref_slice %arg2[%add3A_3, %mul3A_0, %dma_start3A_11] : memref<2x10240x128xf32, #tpu.memory_space<hbm>> -> memref<1x640x128xf32, #tpu.memory_space<hbm>>
      %dma_start3A_13 = tpu.memref_squeeze %dma_start3A_12 : memref<1x640x128xf32, #tpu.memory_space<hbm>> -> memref<640x128xf32, #tpu.memory_space<hbm>>
      tpu.enqueue_dma source(%dma_start3A_13 : memref<640x128xf32, #tpu.memory_space<hbm>>) target(%dma_start3A_10 : memref<640x128xf32, #tpu.memory_space<vmem_shared>>) target_semaphore(%run_scoped3A : memref<!tpu.dma_semaphore, #tpu.memory_space<semaphore_mem>>)
      %dma_wait3A = arith.constant 0 : i32
      %dma_wait3A_14 = tpu.memref_slice %arg20[%mul3A_0, %dma_wait3A] : memref<10240x128xf32, #tpu.memory_space<vmem_shared>> -> memref<640x128xf32, #tpu.memory_space<vmem_shared>>
      %dma_wait3A_15 = arith.constant 0 : i32
      %dma_wait3A_16 = tpu.memref_slice %arg2[%add3A_3, %mul3A_0, %dma_wait3A_15] : memref<2x10240x128xf32, #tpu.memory_space<hbm>> -> memref<1x640x128xf32, #tpu.memory_space<hbm>>
      %dma_wait3A_17 = tpu.memref_squeeze %dma_wait3A_16 : memref<1x640x128xf32, #tpu.memory_space<hbm>> -> memref<640x128xf32, #tpu.memory_space<hbm>>
      tpu.wait_dma2 semaphore(%run_scoped3A : memref<!tpu.dma_semaphore, #tpu.memory_space<semaphore_mem>>) src(%dma_wait3A_17 : memref<640x128xf32, #tpu.memory_space<hbm>>) dst(%dma_wait3A_14 : memref<640x128xf32, #tpu.memory_space<vmem_shared>>)
      tpu.yield
    }) : () -> ()
    %barrier3A = arith.constant 0 : index
    tpu.barrier barrier_id(%barrier3A)
    %scan3A = arith.constant 0 : i32
    %scan3A_4 = arith.constant 0 : i32
    %scan3A_5 = arith.constant 4 : i32
    %scan3A_6 = arith.addi %scan3A_4, %scan3A_5 : i32
    %scan3A_7 = arith.constant 1 : i32
    scf.for %scan3A_10 = %scan3A_4 to %scan3A_6 step %scan3A_7  : i32 {
      %mul3A_11 = arith.constant 40 : i32
      %mul3A_12 = arith.muli %scan3A_10, %mul3A_11 : i32
      "tpu.region"() ({
        %run_scoped3A = tpu.sem_alloc : memref<!tpu.dma_semaphore, #tpu.memory_space<semaphore_mem>>
        %dma_start3A_64 = arith.constant 0 : i32
        %dma_start3A_65 = tpu.memref_slice %arg3[%arg1, %mul3A_12, %dma_start3A_64] : memref<16x160x64xi32, #tpu.memory_space<hbm>> -> memref<1x40x64xi32, #tpu.memory_space<hbm>>
        %dma_start3A_66 = tpu.memref_squeeze %dma_start3A_65 : memref<1x40x64xi32, #tpu.memory_space<hbm>> -> memref<40x64xi32, #tpu.memory_space<hbm>>
        %dma_start3A_67 = arith.constant 0 : i32
        %dma_start3A_68 = tpu.memref_slice %arg3[%arg1, %mul3A_12, %dma_start3A_67] : memref<16x160x64xi32, #tpu.memory_space<hbm>> -> memref<1x40x64xi32, #tpu.memory_space<hbm>>
        %dma_start3A_69 = tpu.memref_squeeze %dma_start3A_68 : memref<1x40x64xi32, #tpu.memory_space<hbm>> -> memref<40x64xi32, #tpu.memory_space<hbm>>
        tpu.enqueue_dma source(%dma_start3A_69 : memref<40x64xi32, #tpu.memory_space<hbm>>) target(%arg6 : memref<40x64xi32, #tpu.memory_space<vmem>>) target_semaphore(%run_scoped3A : memref<!tpu.dma_semaphore, #tpu.memory_space<semaphore_mem>>)
        %dma_wait3A = arith.constant 0 : i32
        %dma_wait3A_70 = tpu.memref_slice %arg3[%arg1, %mul3A_12, %dma_wait3A] : memref<16x160x64xi32, #tpu.memory_space<hbm>> -> memref<1x40x64xi32, #tpu.memory_space<hbm>>
        %dma_wait3A_71 = tpu.memref_squeeze %dma_wait3A_70 : memref<1x40x64xi32, #tpu.memory_space<hbm>> -> memref<40x64xi32, #tpu.memory_space<hbm>>
        %dma_wait3A_72 = arith.constant 0 : i32
        %dma_wait3A_73 = tpu.memref_slice %arg3[%arg1, %mul3A_12, %dma_wait3A_72] : memref<16x160x64xi32, #tpu.memory_space<hbm>> -> memref<1x40x64xi32, #tpu.memory_space<hbm>>
        %dma_wait3A_74 = tpu.memref_squeeze %dma_wait3A_73 : memref<1x40x64xi32, #tpu.memory_space<hbm>> -> memref<40x64xi32, #tpu.memory_space<hbm>>
        tpu.wait_dma2 semaphore(%run_scoped3A : memref<!tpu.dma_semaphore, #tpu.memory_space<semaphore_mem>>) src(%dma_wait3A_74 : memref<40x64xi32, #tpu.memory_space<hbm>>) dst(%arg6 : memref<40x64xi32, #tpu.memory_space<vmem>>)
        tpu.yield
      }) : () -> ()
      %mul3A_13 = arith.constant 40 : i32
      %mul3A_14 = arith.muli %scan3A_10, %mul3A_13 : i32
      "tpu.region"() ({
        %run_scoped3A = tpu.sem_alloc : memref<!tpu.dma_semaphore, #tpu.memory_space<semaphore_mem>>
        %dma_start3A_64 = arith.constant 0 : i32
        %dma_start3A_65 = tpu.memref_slice %arg4[%arg1, %mul3A_14, %dma_start3A_64] : memref<16x160x64xi32, #tpu.memory_space<hbm>> -> memref<1x40x64xi32, #tpu.memory_space<hbm>>
        %dma_start3A_66 = tpu.memref_squeeze %dma_start3A_65 : memref<1x40x64xi32, #tpu.memory_space<hbm>> -> memref<40x64xi32, #tpu.memory_space<hbm>>
        %dma_start3A_67 = arith.constant 0 : i32
        %dma_start3A_68 = tpu.memref_slice %arg4[%arg1, %mul3A_14, %dma_start3A_67] : memref<16x160x64xi32, #tpu.memory_space<hbm>> -> memref<1x40x64xi32, #tpu.memory_space<hbm>>
        %dma_start3A_69 = tpu.memref_squeeze %dma_start3A_68 : memref<1x40x64xi32, #tpu.memory_space<hbm>> -> memref<40x64xi32, #tpu.memory_space<hbm>>
        tpu.enqueue_dma source(%dma_start3A_69 : memref<40x64xi32, #tpu.memory_space<hbm>>) target(%arg7 : memref<40x64xi32, #tpu.memory_space<vmem>>) target_semaphore(%run_scoped3A : memref<!tpu.dma_semaphore, #tpu.memory_space<semaphore_mem>>)
        %dma_wait3A = arith.constant 0 : i32
        %dma_wait3A_70 = tpu.memref_slice %arg4[%arg1, %mul3A_14, %dma_wait3A] : memref<16x160x64xi32, #tpu.memory_space<hbm>> -> memref<1x40x64xi32, #tpu.memory_space<hbm>>
        %dma_wait3A_71 = tpu.memref_squeeze %dma_wait3A_70 : memref<1x40x64xi32, #tpu.memory_space<hbm>> -> memref<40x64xi32, #tpu.memory_space<hbm>>
        %dma_wait3A_72 = arith.constant 0 : i32
        %dma_wait3A_73 = tpu.memref_slice %arg4[%arg1, %mul3A_14, %dma_wait3A_72] : memref<16x160x64xi32, #tpu.memory_space<hbm>> -> memref<1x40x64xi32, #tpu.memory_space<hbm>>
        %dma_wait3A_74 = tpu.memref_squeeze %dma_wait3A_73 : memref<1x40x64xi32, #tpu.memory_space<hbm>> -> memref<40x64xi32, #tpu.memory_space<hbm>>
        tpu.wait_dma2 semaphore(%run_scoped3A : memref<!tpu.dma_semaphore, #tpu.memory_space<semaphore_mem>>) src(%dma_wait3A_74 : memref<40x64xi32, #tpu.memory_space<hbm>>) dst(%arg7 : memref<40x64xi32, #tpu.memory_space<vmem>>)
        tpu.yield
      }) : () -> ()
      %dma_start3A = arith.constant 0 : i32
      %dma_start3A_15 = arith.constant 0 : i32
      %dma_start3A_16 = tpu.memref_slice %arg6[%dma_start3A, %dma_start3A_15] : memref<40x64xi32, #tpu.memory_space<vmem>> -> memref<1x64xi32, #tpu.memory_space<vmem>>
      %dma_start3A_17 = tpu.memref_squeeze %dma_start3A_16 : memref<1x64xi32, #tpu.memory_space<vmem>> -> memref<64xi32, #tpu.memory_space<vmem>>
      %dma_start3A_18 = arith.constant 0 : i32
      %dma_start3A_19 = arith.constant 0 : i32
      %dma_start3A_20 = tpu.memref_slice %arg2[%add3A_3, %dma_start3A_18, %dma_start3A_19] : memref<2x10240x128xf32, #tpu.memory_space<hbm>> -> memref<1x10240x128xf32, #tpu.memory_space<hbm>>
      %dma_start3A_21 = tpu.memref_squeeze %dma_start3A_20 : memref<1x10240x128xf32, #tpu.memory_space<hbm>> -> memref<10240x128xf32, #tpu.memory_space<hbm>>
      %dma_start3A_22 = arith.constant 0 : i32
      %dma_start3A_23 = arith.constant 0 : i32
      %dma_start3A_24 = tpu.memref_slice %dma_start3A_21[%dma_start3A_22, %dma_start3A_23] : memref<10240x128xf32, #tpu.memory_space<hbm>> -> memref<10240x128xf32, #tpu.memory_space<hbm>>
      tpu.enqueue_indirect_dma source(%dma_start3A_24 : memref<10240x128xf32, #tpu.memory_space<hbm>>) target(%arg8 : memref<64x128xf32, #tpu.memory_space<vmem>>) offsets(%dma_start3A_17 : memref<64xi32, #tpu.memory_space<vmem>>) semaphore(%arg12 : memref<!tpu.dma_semaphore, #tpu.memory_space<semaphore_mem>>)
      %dma_start3A_25 = arith.constant 1 : i32
      %dma_start3A_26 = arith.constant 0 : i32
      %dma_start3A_27 = tpu.memref_slice %arg6[%dma_start3A_25, %dma_start3A_26] : memref<40x64xi32, #tpu.memory_space<vmem>> -> memref<1x64xi32, #tpu.memory_space<vmem>>
      %dma_start3A_28 = tpu.memref_squeeze %dma_start3A_27 : memref<1x64xi32, #tpu.memory_space<vmem>> -> memref<64xi32, #tpu.memory_space<vmem>>
      %dma_start3A_29 = arith.constant 0 : i32
      %dma_start3A_30 = arith.constant 0 : i32
      %dma_start3A_31 = tpu.memref_slice %arg2[%add3A_3, %dma_start3A_29, %dma_start3A_30] : memref<2x10240x128xf32, #tpu.memory_space<hbm>> -> memref<1x10240x128xf32, #tpu.memory_space<hbm>>
      %dma_start3A_32 = tpu.memref_squeeze %dma_start3A_31 : memref<1x10240x128xf32, #tpu.memory_space<hbm>> -> memref<10240x128xf32, #tpu.memory_space<hbm>>
      %dma_start3A_33 = arith.constant 0 : i32
      %dma_start3A_34 = arith.constant 0 : i32
      %dma_start3A_35 = tpu.memref_slice %dma_start3A_32[%dma_start3A_33, %dma_start3A_34] : memref<10240x128xf32, #tpu.memory_space<hbm>> -> memref<10240x128xf32, #tpu.memory_space<hbm>>
      tpu.enqueue_indirect_dma source(%dma_start3A_35 : memref<10240x128xf32, #tpu.memory_space<hbm>>) target(%arg9 : memref<64x128xf32, #tpu.memory_space<vmem>>) offsets(%dma_start3A_28 : memref<64xi32, #tpu.memory_space<vmem>>) semaphore(%arg13 : memref<!tpu.dma_semaphore, #tpu.memory_space<semaphore_mem>>)
      %dma_start3A_36 = arith.constant 2 : i32
      %dma_start3A_37 = arith.constant 0 : i32
      %dma_start3A_38 = tpu.memref_slice %arg6[%dma_start3A_36, %dma_start3A_37] : memref<40x64xi32, #tpu.memory_space<vmem>> -> memref<1x64xi32, #tpu.memory_space<vmem>>
      %dma_start3A_39 = tpu.memref_squeeze %dma_start3A_38 : memref<1x64xi32, #tpu.memory_space<vmem>> -> memref<64xi32, #tpu.memory_space<vmem>>
      %dma_start3A_40 = arith.constant 0 : i32
      %dma_start3A_41 = arith.constant 0 : i32
      %dma_start3A_42 = tpu.memref_slice %arg2[%add3A_3, %dma_start3A_40, %dma_start3A_41] : memref<2x10240x128xf32, #tpu.memory_space<hbm>> -> memref<1x10240x128xf32, #tpu.memory_space<hbm>>
      %dma_start3A_43 = tpu.memref_squeeze %dma_start3A_42 : memref<1x10240x128xf32, #tpu.memory_space<hbm>> -> memref<10240x128xf32, #tpu.memory_space<hbm>>
      %dma_start3A_44 = arith.constant 0 : i32
      %dma_start3A_45 = arith.constant 0 : i32
      %dma_start3A_46 = tpu.memref_slice %dma_start3A_43[%dma_start3A_44, %dma_start3A_45] : memref<10240x128xf32, #tpu.memory_space<hbm>> -> memref<10240x128xf32, #tpu.memory_space<hbm>>
      tpu.enqueue_indirect_dma source(%dma_start3A_46 : memref<10240x128xf32, #tpu.memory_space<hbm>>) target(%arg10 : memref<64x128xf32, #tpu.memory_space<vmem>>) offsets(%dma_start3A_39 : memref<64xi32, #tpu.memory_space<vmem>>) semaphore(%arg14 : memref<!tpu.dma_semaphore, #tpu.memory_space<semaphore_mem>>)
      %dma_start3A_47 = arith.constant 3 : i32
      %dma_start3A_48 = arith.constant 0 : i32
      %dma_start3A_49 = tpu.memref_slice %arg6[%dma_start3A_47, %dma_start3A_48] : memref<40x64xi32, #tpu.memory_space<vmem>> -> memref<1x64xi32, #tpu.memory_space<vmem>>
      %dma_start3A_50 = tpu.memref_squeeze %dma_start3A_49 : memref<1x64xi32, #tpu.memory_space<vmem>> -> memref<64xi32, #tpu.memory_space<vmem>>
      %dma_start3A_51 = arith.constant 0 : i32
      %dma_start3A_52 = arith.constant 0 : i32
      %dma_start3A_53 = tpu.memref_slice %arg2[%add3A_3, %dma_start3A_51, %dma_start3A_52] : memref<2x10240x128xf32, #tpu.memory_space<hbm>> -> memref<1x10240x128xf32, #tpu.memory_space<hbm>>
      %dma_start3A_54 = tpu.memref_squeeze %dma_start3A_53 : memref<1x10240x128xf32, #tpu.memory_space<hbm>> -> memref<10240x128xf32, #tpu.memory_space<hbm>>
      %dma_start3A_55 = arith.constant 0 : i32
      %dma_start3A_56 = arith.constant 0 : i32
      %dma_start3A_57 = tpu.memref_slice %dma_start3A_54[%dma_start3A_55, %dma_start3A_56] : memref<10240x128xf32, #tpu.memory_space<hbm>> -> memref<10240x128xf32, #tpu.memory_space<hbm>>
      tpu.enqueue_indirect_dma source(%dma_start3A_57 : memref<10240x128xf32, #tpu.memory_space<hbm>>) target(%arg11 : memref<64x128xf32, #tpu.memory_space<vmem>>) offsets(%dma_start3A_50 : memref<64xi32, #tpu.memory_space<vmem>>) semaphore(%arg15 : memref<!tpu.dma_semaphore, #tpu.memory_space<semaphore_mem>>)
      %scan3A_58 = arith.constant 0 : i32
      %scan3A_59 = arith.constant 0 : i32
      %scan3A_60 = arith.constant 10 : i32
      %scan3A_61 = arith.addi %scan3A_59, %scan3A_60 : i32
      %scan3A_62 = arith.constant 1 : i32
      scf.for %scan3A_64 = %scan3A_59 to %scan3A_61 step %scan3A_62  : i32 {
        %mul3A_65 = arith.constant 4 : i32
        %mul3A_66 = arith.muli %scan3A_64, %mul3A_65 : i32
        %add3A_67 = arith.constant 0 : i32
        %add3A_68 = arith.addi %mul3A_66, %add3A_67 : i32
        %dma_wait3A = arith.constant 0 : i32
        %dma_wait3A_69 = tpu.memref_slice %arg6[%add3A_68, %dma_wait3A] : memref<40x64xi32, #tpu.memory_space<vmem>> -> memref<1x64xi32, #tpu.memory_space<vmem>>
        %dma_wait3A_70 = tpu.memref_squeeze %dma_wait3A_69 : memref<1x64xi32, #tpu.memory_space<vmem>> -> memref<64xi32, #tpu.memory_space<vmem>>
        %dma_wait3A_71 = arith.constant 0 : i32
        %dma_wait3A_72 = arith.constant 0 : i32
        %dma_wait3A_73 = tpu.memref_slice %arg2[%add3A_3, %dma_wait3A_71, %dma_wait3A_72] : memref<2x10240x128xf32, #tpu.memory_space<hbm>> -> memref<1x10240x128xf32, #tpu.memory_space<hbm>>
        %dma_wait3A_74 = tpu.memref_squeeze %dma_wait3A_73 : memref<1x10240x128xf32, #tpu.memory_space<hbm>> -> memref<10240x128xf32, #tpu.memory_space<hbm>>
        %dma_wait3A_75 = arith.constant 0 : i32
        %dma_wait3A_76 = arith.constant 0 : i32
        %dma_wait3A_77 = tpu.memref_slice %dma_wait3A_74[%dma_wait3A_75, %dma_wait3A_76] : memref<10240x128xf32, #tpu.memory_space<hbm>> -> memref<10240x128xf32, #tpu.memory_space<hbm>>
        tpu.wait_indirect_dma semaphore(%arg12 : memref<!tpu.dma_semaphore, #tpu.memory_space<semaphore_mem>>) src(%dma_wait3A_77 : memref<10240x128xf32, #tpu.memory_space<hbm>>) dst(%arg8 : memref<64x128xf32, #tpu.memory_space<vmem>>)
        %add3A_78 = arith.constant 0 : i32
        %add3A_79 = arith.addi %mul3A_66, %add3A_78 : i32
        %dma_start3A_80 = arith.constant 0 : i32
        %dma_start3A_81 = tpu.memref_slice %arg7[%add3A_79, %dma_start3A_80] : memref<40x64xi32, #tpu.memory_space<vmem>> -> memref<1x64xi32, #tpu.memory_space<vmem>>
        %dma_start3A_82 = tpu.memref_squeeze %dma_start3A_81 : memref<1x64xi32, #tpu.memory_space<vmem>> -> memref<64xi32, #tpu.memory_space<vmem>>
        %dma_start3A_83 = arith.constant 0 : i32
        %dma_start3A_84 = arith.constant 0 : i32
        %dma_start3A_85 = tpu.memref_slice %arg20[%dma_start3A_83, %dma_start3A_84] : memref<10240x128xf32, #tpu.memory_space<vmem_shared>> -> memref<10240x128xf32, #tpu.memory_space<vmem_shared>>
        tpu.enqueue_indirect_dma source(%arg8 : memref<64x128xf32, #tpu.memory_space<vmem>>) target(%dma_start3A_85 : memref<10240x128xf32, #tpu.memory_space<vmem_shared>>) offsets(%dma_start3A_82 : memref<64xi32, #tpu.memory_space<vmem>>) semaphore(%arg16 : memref<!tpu.dma_semaphore, #tpu.memory_space<semaphore_mem>>) {add = true}
        %add3A_86 = arith.constant 1 : i32
        %add3A_87 = arith.addi %mul3A_66, %add3A_86 : i32
        %dma_wait3A_88 = arith.constant 0 : i32
        %dma_wait3A_89 = tpu.memref_slice %arg6[%add3A_87, %dma_wait3A_88] : memref<40x64xi32, #tpu.memory_space<vmem>> -> memref<1x64xi32, #tpu.memory_space<vmem>>
        %dma_wait3A_90 = tpu.memref_squeeze %dma_wait3A_89 : memref<1x64xi32, #tpu.memory_space<vmem>> -> memref<64xi32, #tpu.memory_space<vmem>>
        %dma_wait3A_91 = arith.constant 0 : i32
        %dma_wait3A_92 = arith.constant 0 : i32
        %dma_wait3A_93 = tpu.memref_slice %arg2[%add3A_3, %dma_wait3A_91, %dma_wait3A_92] : memref<2x10240x128xf32, #tpu.memory_space<hbm>> -> memref<1x10240x128xf32, #tpu.memory_space<hbm>>
        %dma_wait3A_94 = tpu.memref_squeeze %dma_wait3A_93 : memref<1x10240x128xf32, #tpu.memory_space<hbm>> -> memref<10240x128xf32, #tpu.memory_space<hbm>>
        %dma_wait3A_95 = arith.constant 0 : i32
        %dma_wait3A_96 = arith.constant 0 : i32
        %dma_wait3A_97 = tpu.memref_slice %dma_wait3A_94[%dma_wait3A_95, %dma_wait3A_96] : memref<10240x128xf32, #tpu.memory_space<hbm>> -> memref<10240x128xf32, #tpu.memory_space<hbm>>
        tpu.wait_indirect_dma semaphore(%arg13 : memref<!tpu.dma_semaphore, #tpu.memory_space<semaphore_mem>>) src(%dma_wait3A_97 : memref<10240x128xf32, #tpu.memory_space<hbm>>) dst(%arg9 : memref<64x128xf32, #tpu.memory_space<vmem>>)
        %add3A_98 = arith.constant 1 : i32
        %add3A_99 = arith.addi %mul3A_66, %add3A_98 : i32
        %dma_start3A_100 = arith.constant 0 : i32
        %dma_start3A_101 = tpu.memref_slice %arg7[%add3A_99, %dma_start3A_100] : memref<40x64xi32, #tpu.memory_space<vmem>> -> memref<1x64xi32, #tpu.memory_space<vmem>>
        %dma_start3A_102 = tpu.memref_squeeze %dma_start3A_101 : memref<1x64xi32, #tpu.memory_space<vmem>> -> memref<64xi32, #tpu.memory_space<vmem>>
        %dma_start3A_103 = arith.constant 0 : i32
        %dma_start3A_104 = arith.constant 0 : i32
        %dma_start3A_105 = tpu.memref_slice %arg20[%dma_start3A_103, %dma_start3A_104] : memref<10240x128xf32, #tpu.memory_space<vmem_shared>> -> memref<10240x128xf32, #tpu.memory_space<vmem_shared>>
        tpu.enqueue_indirect_dma source(%arg9 : memref<64x128xf32, #tpu.memory_space<vmem>>) target(%dma_start3A_105 : memref<10240x128xf32, #tpu.memory_space<vmem_shared>>) offsets(%dma_start3A_102 : memref<64xi32, #tpu.memory_space<vmem>>) semaphore(%arg17 : memref<!tpu.dma_semaphore, #tpu.memory_space<semaphore_mem>>) {add = true}
        %add3A_106 = arith.constant 2 : i32
        %add3A_107 = arith.addi %mul3A_66, %add3A_106 : i32
        %dma_wait3A_108 = arith.constant 0 : i32
        %dma_wait3A_109 = tpu.memref_slice %arg6[%add3A_107, %dma_wait3A_108] : memref<40x64xi32, #tpu.memory_space<vmem>> -> memref<1x64xi32, #tpu.memory_space<vmem>>
        %dma_wait3A_110 = tpu.memref_squeeze %dma_wait3A_109 : memref<1x64xi32, #tpu.memory_space<vmem>> -> memref<64xi32, #tpu.memory_space<vmem>>
        %dma_wait3A_111 = arith.constant 0 : i32
        %dma_wait3A_112 = arith.constant 0 : i32
        %dma_wait3A_113 = tpu.memref_slice %arg2[%add3A_3, %dma_wait3A_111, %dma_wait3A_112] : memref<2x10240x128xf32, #tpu.memory_space<hbm>> -> memref<1x10240x128xf32, #tpu.memory_space<hbm>>
        %dma_wait3A_114 = tpu.memref_squeeze %dma_wait3A_113 : memref<1x10240x128xf32, #tpu.memory_space<hbm>> -> memref<10240x128xf32, #tpu.memory_space<hbm>>
        %dma_wait3A_115 = arith.constant 0 : i32
        %dma_wait3A_116 = arith.constant 0 : i32
        %dma_wait3A_117 = tpu.memref_slice %dma_wait3A_114[%dma_wait3A_115, %dma_wait3A_116] : memref<10240x128xf32, #tpu.memory_space<hbm>> -> memref<10240x128xf32, #tpu.memory_space<hbm>>
        tpu.wait_indirect_dma semaphore(%arg14 : memref<!tpu.dma_semaphore, #tpu.memory_space<semaphore_mem>>) src(%dma_wait3A_117 : memref<10240x128xf32, #tpu.memory_space<hbm>>) dst(%arg10 : memref<64x128xf32, #tpu.memory_space<vmem>>)
        %add3A_118 = arith.constant 2 : i32
        %add3A_119 = arith.addi %mul3A_66, %add3A_118 : i32
        %dma_start3A_120 = arith.constant 0 : i32
        %dma_start3A_121 = tpu.memref_slice %arg7[%add3A_119, %dma_start3A_120] : memref<40x64xi32, #tpu.memory_space<vmem>> -> memref<1x64xi32, #tpu.memory_space<vmem>>
        %dma_start3A_122 = tpu.memref_squeeze %dma_start3A_121 : memref<1x64xi32, #tpu.memory_space<vmem>> -> memref<64xi32, #tpu.memory_space<vmem>>
        %dma_start3A_123 = arith.constant 0 : i32
        %dma_start3A_124 = arith.constant 0 : i32
        %dma_start3A_125 = tpu.memref_slice %arg20[%dma_start3A_123, %dma_start3A_124] : memref<10240x128xf32, #tpu.memory_space<vmem_shared>> -> memref<10240x128xf32, #tpu.memory_space<vmem_shared>>
        tpu.enqueue_indirect_dma source(%arg10 : memref<64x128xf32, #tpu.memory_space<vmem>>) target(%dma_start3A_125 : memref<10240x128xf32, #tpu.memory_space<vmem_shared>>) offsets(%dma_start3A_122 : memref<64xi32, #tpu.memory_space<vmem>>) semaphore(%arg18 : memref<!tpu.dma_semaphore, #tpu.memory_space<semaphore_mem>>) {add = true}
        %add3A_126 = arith.constant 3 : i32
        %add3A_127 = arith.addi %mul3A_66, %add3A_126 : i32
        %dma_wait3A_128 = arith.constant 0 : i32
        %dma_wait3A_129 = tpu.memref_slice %arg6[%add3A_127, %dma_wait3A_128] : memref<40x64xi32, #tpu.memory_space<vmem>> -> memref<1x64xi32, #tpu.memory_space<vmem>>
        %dma_wait3A_130 = tpu.memref_squeeze %dma_wait3A_129 : memref<1x64xi32, #tpu.memory_space<vmem>> -> memref<64xi32, #tpu.memory_space<vmem>>
        %dma_wait3A_131 = arith.constant 0 : i32
        %dma_wait3A_132 = arith.constant 0 : i32
        %dma_wait3A_133 = tpu.memref_slice %arg2[%add3A_3, %dma_wait3A_131, %dma_wait3A_132] : memref<2x10240x128xf32, #tpu.memory_space<hbm>> -> memref<1x10240x128xf32, #tpu.memory_space<hbm>>
        %dma_wait3A_134 = tpu.memref_squeeze %dma_wait3A_133 : memref<1x10240x128xf32, #tpu.memory_space<hbm>> -> memref<10240x128xf32, #tpu.memory_space<hbm>>
        %dma_wait3A_135 = arith.constant 0 : i32
        %dma_wait3A_136 = arith.constant 0 : i32
        %dma_wait3A_137 = tpu.memref_slice %dma_wait3A_134[%dma_wait3A_135, %dma_wait3A_136] : memref<10240x128xf32, #tpu.memory_space<hbm>> -> memref<10240x128xf32, #tpu.memory_space<hbm>>
        tpu.wait_indirect_dma semaphore(%arg15 : memref<!tpu.dma_semaphore, #tpu.memory_space<semaphore_mem>>) src(%dma_wait3A_137 : memref<10240x128xf32, #tpu.memory_space<hbm>>) dst(%arg11 : memref<64x128xf32, #tpu.memory_space<vmem>>)
        %add3A_138 = arith.constant 3 : i32
        %add3A_139 = arith.addi %mul3A_66, %add3A_138 : i32
        %dma_start3A_140 = arith.constant 0 : i32
        %dma_start3A_141 = tpu.memref_slice %arg7[%add3A_139, %dma_start3A_140] : memref<40x64xi32, #tpu.memory_space<vmem>> -> memref<1x64xi32, #tpu.memory_space<vmem>>
        %dma_start3A_142 = tpu.memref_squeeze %dma_start3A_141 : memref<1x64xi32, #tpu.memory_space<vmem>> -> memref<64xi32, #tpu.memory_space<vmem>>
        %dma_start3A_143 = arith.constant 0 : i32
        %dma_start3A_144 = arith.constant 0 : i32
        %dma_start3A_145 = tpu.memref_slice %arg20[%dma_start3A_143, %dma_start3A_144] : memref<10240x128xf32, #tpu.memory_space<vmem_shared>> -> memref<10240x128xf32, #tpu.memory_space<vmem_shared>>
        tpu.enqueue_indirect_dma source(%arg11 : memref<64x128xf32, #tpu.memory_space<vmem>>) target(%dma_start3A_145 : memref<10240x128xf32, #tpu.memory_space<vmem_shared>>) offsets(%dma_start3A_142 : memref<64xi32, #tpu.memory_space<vmem>>) semaphore(%arg19 : memref<!tpu.dma_semaphore, #tpu.memory_space<semaphore_mem>>) {add = true}
        %add3A_146 = arith.constant 0 : i32
        %add3A_147 = arith.addi %mul3A_66, %add3A_146 : i32
        %dma_wait3A_148 = arith.constant 0 : i32
        %dma_wait3A_149 = tpu.memref_slice %arg7[%add3A_147, %dma_wait3A_148] : memref<40x64xi32, #tpu.memory_space<vmem>> -> memref<1x64xi32, #tpu.memory_space<vmem>>
        %dma_wait3A_150 = tpu.memref_squeeze %dma_wait3A_149 : memref<1x64xi32, #tpu.memory_space<vmem>> -> memref<64xi32, #tpu.memory_space<vmem>>
        %dma_wait3A_151 = arith.constant 0 : i32
        %dma_wait3A_152 = arith.constant 0 : i32
        %dma_wait3A_153 = tpu.memref_slice %arg20[%dma_wait3A_151, %dma_wait3A_152] : memref<10240x128xf32, #tpu.memory_space<vmem_shared>> -> memref<10240x128xf32, #tpu.memory_space<vmem_shared>>
        tpu.wait_indirect_dma semaphore(%arg16 : memref<!tpu.dma_semaphore, #tpu.memory_space<semaphore_mem>>) src(%arg8 : memref<64x128xf32, #tpu.memory_space<vmem>>) dst(%dma_wait3A_153 : memref<10240x128xf32, #tpu.memory_space<vmem_shared>>)
        %add3A_154 = arith.constant 4 : i32
        %add3A_155 = arith.addi %mul3A_66, %add3A_154 : i32
        %add3A_156 = arith.constant 0 : i32
        %add3A_157 = arith.addi %add3A_155, %add3A_156 : i32
        %lt3A = arith.constant 40 : i32
        %lt3A_158 = arith.cmpi slt, %add3A_157, %lt3A : i32
        %convert_element_type3A = arith.extui %lt3A_158 : i1 to i32
        %cond3A = arith.constant 0 : i32
        %cond3A_159 = arith.cmpi ne, %convert_element_type3A, %cond3A : i32
        scf.if %cond3A_159 {
          %add3A_211 = arith.constant 4 : i32
          %add3A_212 = arith.addi %mul3A_66, %add3A_211 : i32
          %add3A_213 = arith.constant 0 : i32
          %add3A_214 = arith.addi %add3A_212, %add3A_213 : i32
          %dma_start3A_215 = arith.constant 0 : i32
          %dma_start3A_216 = tpu.memref_slice %arg6[%add3A_214, %dma_start3A_215] : memref<40x64xi32, #tpu.memory_space<vmem>> -> memref<1x64xi32, #tpu.memory_space<vmem>>
          %dma_start3A_217 = tpu.memref_squeeze %dma_start3A_216 : memref<1x64xi32, #tpu.memory_space<vmem>> -> memref<64xi32, #tpu.memory_space<vmem>>
          %dma_start3A_218 = arith.constant 0 : i32
          %dma_start3A_219 = arith.constant 0 : i32
          %dma_start3A_220 = tpu.memref_slice %arg2[%add3A_3, %dma_start3A_218, %dma_start3A_219] : memref<2x10240x128xf32, #tpu.memory_space<hbm>> -> memref<1x10240x128xf32, #tpu.memory_space<hbm>>
          %dma_start3A_221 = tpu.memref_squeeze %dma_start3A_220 : memref<1x10240x128xf32, #tpu.memory_space<hbm>> -> memref<10240x128xf32, #tpu.memory_space<hbm>>
          %dma_start3A_222 = arith.constant 0 : i32
          %dma_start3A_223 = arith.constant 0 : i32
          %dma_start3A_224 = tpu.memref_slice %dma_start3A_221[%dma_start3A_222, %dma_start3A_223] : memref<10240x128xf32, #tpu.memory_space<hbm>> -> memref<10240x128xf32, #tpu.memory_space<hbm>>
          tpu.enqueue_indirect_dma source(%dma_start3A_224 : memref<10240x128xf32, #tpu.memory_space<hbm>>) target(%arg8 : memref<64x128xf32, #tpu.memory_space<vmem>>) offsets(%dma_start3A_217 : memref<64xi32, #tpu.memory_space<vmem>>) semaphore(%arg12 : memref<!tpu.dma_semaphore, #tpu.memory_space<semaphore_mem>>)
        } else {
        }
        %add3A_160 = arith.constant 1 : i32
        %add3A_161 = arith.addi %mul3A_66, %add3A_160 : i32
        %dma_wait3A_162 = arith.constant 0 : i32
        %dma_wait3A_163 = tpu.memref_slice %arg7[%add3A_161, %dma_wait3A_162] : memref<40x64xi32, #tpu.memory_space<vmem>> -> memref<1x64xi32, #tpu.memory_space<vmem>>
        %dma_wait3A_164 = tpu.memref_squeeze %dma_wait3A_163 : memref<1x64xi32, #tpu.memory_space<vmem>> -> memref<64xi32, #tpu.memory_space<vmem>>
        %dma_wait3A_165 = arith.constant 0 : i32
        %dma_wait3A_166 = arith.constant 0 : i32
        %dma_wait3A_167 = tpu.memref_slice %arg20[%dma_wait3A_165, %dma_wait3A_166] : memref<10240x128xf32, #tpu.memory_space<vmem_shared>> -> memref<10240x128xf32, #tpu.memory_space<vmem_shared>>
        tpu.wait_indirect_dma semaphore(%arg17 : memref<!tpu.dma_semaphore, #tpu.memory_space<semaphore_mem>>) src(%arg9 : memref<64x128xf32, #tpu.memory_space<vmem>>) dst(%dma_wait3A_167 : memref<10240x128xf32, #tpu.memory_space<vmem_shared>>)
        %add3A_168 = arith.constant 4 : i32
        %add3A_169 = arith.addi %mul3A_66, %add3A_168 : i32
        %add3A_170 = arith.constant 1 : i32
        %add3A_171 = arith.addi %add3A_169, %add3A_170 : i32
        %lt3A_172 = arith.constant 40 : i32
        %lt3A_173 = arith.cmpi slt, %add3A_171, %lt3A_172 : i32
        %convert_element_type3A_174 = arith.extui %lt3A_173 : i1 to i32
        %cond3A_175 = arith.constant 0 : i32
        %cond3A_176 = arith.cmpi ne, %convert_element_type3A_174, %cond3A_175 : i32
        scf.if %cond3A_176 {
          %add3A_211 = arith.constant 4 : i32
          %add3A_212 = arith.addi %mul3A_66, %add3A_211 : i32
          %add3A_213 = arith.constant 1 : i32
          %add3A_214 = arith.addi %add3A_212, %add3A_213 : i32
          %dma_start3A_215 = arith.constant 0 : i32
          %dma_start3A_216 = tpu.memref_slice %arg6[%add3A_214, %dma_start3A_215] : memref<40x64xi32, #tpu.memory_space<vmem>> -> memref<1x64xi32, #tpu.memory_space<vmem>>
          %dma_start3A_217 = tpu.memref_squeeze %dma_start3A_216 : memref<1x64xi32, #tpu.memory_space<vmem>> -> memref<64xi32, #tpu.memory_space<vmem>>
          %dma_start3A_218 = arith.constant 0 : i32
          %dma_start3A_219 = arith.constant 0 : i32
          %dma_start3A_220 = tpu.memref_slice %arg2[%add3A_3, %dma_start3A_218, %dma_start3A_219] : memref<2x10240x128xf32, #tpu.memory_space<hbm>> -> memref<1x10240x128xf32, #tpu.memory_space<hbm>>
          %dma_start3A_221 = tpu.memref_squeeze %dma_start3A_220 : memref<1x10240x128xf32, #tpu.memory_space<hbm>> -> memref<10240x128xf32, #tpu.memory_space<hbm>>
          %dma_start3A_222 = arith.constant 0 : i32
          %dma_start3A_223 = arith.constant 0 : i32
          %dma_start3A_224 = tpu.memref_slice %dma_start3A_221[%dma_start3A_222, %dma_start3A_223] : memref<10240x128xf32, #tpu.memory_space<hbm>> -> memref<10240x128xf32, #tpu.memory_space<hbm>>
          tpu.enqueue_indirect_dma source(%dma_start3A_224 : memref<10240x128xf32, #tpu.memory_space<hbm>>) target(%arg9 : memref<64x128xf32, #tpu.memory_space<vmem>>) offsets(%dma_start3A_217 : memref<64xi32, #tpu.memory_space<vmem>>) semaphore(%arg13 : memref<!tpu.dma_semaphore, #tpu.memory_space<semaphore_mem>>)
        } else {
        }
        %add3A_177 = arith.constant 2 : i32
        %add3A_178 = arith.addi %mul3A_66, %add3A_177 : i32
        %dma_wait3A_179 = arith.constant 0 : i32
        %dma_wait3A_180 = tpu.memref_slice %arg7[%add3A_178, %dma_wait3A_179] : memref<40x64xi32, #tpu.memory_space<vmem>> -> memref<1x64xi32, #tpu.memory_space<vmem>>
        %dma_wait3A_181 = tpu.memref_squeeze %dma_wait3A_180 : memref<1x64xi32, #tpu.memory_space<vmem>> -> memref<64xi32, #tpu.memory_space<vmem>>
        %dma_wait3A_182 = arith.constant 0 : i32
        %dma_wait3A_183 = arith.constant 0 : i32
        %dma_wait3A_184 = tpu.memref_slice %arg20[%dma_wait3A_182, %dma_wait3A_183] : memref<10240x128xf32, #tpu.memory_space<vmem_shared>> -> memref<10240x128xf32, #tpu.memory_space<vmem_shared>>
        tpu.wait_indirect_dma semaphore(%arg18 : memref<!tpu.dma_semaphore, #tpu.memory_space<semaphore_mem>>) src(%arg10 : memref<64x128xf32, #tpu.memory_space<vmem>>) dst(%dma_wait3A_184 : memref<10240x128xf32, #tpu.memory_space<vmem_shared>>)
        %add3A_185 = arith.constant 4 : i32
        %add3A_186 = arith.addi %mul3A_66, %add3A_185 : i32
        %add3A_187 = arith.constant 2 : i32
        %add3A_188 = arith.addi %add3A_186, %add3A_187 : i32
        %lt3A_189 = arith.constant 40 : i32
        %lt3A_190 = arith.cmpi slt, %add3A_188, %lt3A_189 : i32
        %convert_element_type3A_191 = arith.extui %lt3A_190 : i1 to i32
        %cond3A_192 = arith.constant 0 : i32
        %cond3A_193 = arith.cmpi ne, %convert_element_type3A_191, %cond3A_192 : i32
        scf.if %cond3A_193 {
          %add3A_211 = arith.constant 4 : i32
          %add3A_212 = arith.addi %mul3A_66, %add3A_211 : i32
          %add3A_213 = arith.constant 2 : i32
          %add3A_214 = arith.addi %add3A_212, %add3A_213 : i32
          %dma_start3A_215 = arith.constant 0 : i32
          %dma_start3A_216 = tpu.memref_slice %arg6[%add3A_214, %dma_start3A_215] : memref<40x64xi32, #tpu.memory_space<vmem>> -> memref<1x64xi32, #tpu.memory_space<vmem>>
          %dma_start3A_217 = tpu.memref_squeeze %dma_start3A_216 : memref<1x64xi32, #tpu.memory_space<vmem>> -> memref<64xi32, #tpu.memory_space<vmem>>
          %dma_start3A_218 = arith.constant 0 : i32
          %dma_start3A_219 = arith.constant 0 : i32
          %dma_start3A_220 = tpu.memref_slice %arg2[%add3A_3, %dma_start3A_218, %dma_start3A_219] : memref<2x10240x128xf32, #tpu.memory_space<hbm>> -> memref<1x10240x128xf32, #tpu.memory_space<hbm>>
          %dma_start3A_221 = tpu.memref_squeeze %dma_start3A_220 : memref<1x10240x128xf32, #tpu.memory_space<hbm>> -> memref<10240x128xf32, #tpu.memory_space<hbm>>
          %dma_start3A_222 = arith.constant 0 : i32
          %dma_start3A_223 = arith.constant 0 : i32
          %dma_start3A_224 = tpu.memref_slice %dma_start3A_221[%dma_start3A_222, %dma_start3A_223] : memref<10240x128xf32, #tpu.memory_space<hbm>> -> memref<10240x128xf32, #tpu.memory_space<hbm>>
          tpu.enqueue_indirect_dma source(%dma_start3A_224 : memref<10240x128xf32, #tpu.memory_space<hbm>>) target(%arg10 : memref<64x128xf32, #tpu.memory_space<vmem>>) offsets(%dma_start3A_217 : memref<64xi32, #tpu.memory_space<vmem>>) semaphore(%arg14 : memref<!tpu.dma_semaphore, #tpu.memory_space<semaphore_mem>>)
        } else {
        }
        %add3A_194 = arith.constant 3 : i32
        %add3A_195 = arith.addi %mul3A_66, %add3A_194 : i32
        %dma_wait3A_196 = arith.constant 0 : i32
        %dma_wait3A_197 = tpu.memref_slice %arg7[%add3A_195, %dma_wait3A_196] : memref<40x64xi32, #tpu.memory_space<vmem>> -> memref<1x64xi32, #tpu.memory_space<vmem>>
        %dma_wait3A_198 = tpu.memref_squeeze %dma_wait3A_197 : memref<1x64xi32, #tpu.memory_space<vmem>> -> memref<64xi32, #tpu.memory_space<vmem>>
        %dma_wait3A_199 = arith.constant 0 : i32
        %dma_wait3A_200 = arith.constant 0 : i32
        %dma_wait3A_201 = tpu.memref_slice %arg20[%dma_wait3A_199, %dma_wait3A_200] : memref<10240x128xf32, #tpu.memory_space<vmem_shared>> -> memref<10240x128xf32, #tpu.memory_space<vmem_shared>>
        tpu.wait_indirect_dma semaphore(%arg19 : memref<!tpu.dma_semaphore, #tpu.memory_space<semaphore_mem>>) src(%arg11 : memref<64x128xf32, #tpu.memory_space<vmem>>) dst(%dma_wait3A_201 : memref<10240x128xf32, #tpu.memory_space<vmem_shared>>)
        %add3A_202 = arith.constant 4 : i32
        %add3A_203 = arith.addi %mul3A_66, %add3A_202 : i32
        %add3A_204 = arith.constant 3 : i32
        %add3A_205 = arith.addi %add3A_203, %add3A_204 : i32
        %lt3A_206 = arith.constant 40 : i32
        %lt3A_207 = arith.cmpi slt, %add3A_205, %lt3A_206 : i32
        %convert_element_type3A_208 = arith.extui %lt3A_207 : i1 to i32
        %cond3A_209 = arith.constant 0 : i32
        %cond3A_210 = arith.cmpi ne, %convert_element_type3A_208, %cond3A_209 : i32
        scf.if %cond3A_210 {
          %add3A_211 = arith.constant 4 : i32
          %add3A_212 = arith.addi %mul3A_66, %add3A_211 : i32
          %add3A_213 = arith.constant 3 : i32
          %add3A_214 = arith.addi %add3A_212, %add3A_213 : i32
          %dma_start3A_215 = arith.constant 0 : i32
          %dma_start3A_216 = tpu.memref_slice %arg6[%add3A_214, %dma_start3A_215] : memref<40x64xi32, #tpu.memory_space<vmem>> -> memref<1x64xi32, #tpu.memory_space<vmem>>
          %dma_start3A_217 = tpu.memref_squeeze %dma_start3A_216 : memref<1x64xi32, #tpu.memory_space<vmem>> -> memref<64xi32, #tpu.memory_space<vmem>>
          %dma_start3A_218 = arith.constant 0 : i32
          %dma_start3A_219 = arith.constant 0 : i32
          %dma_start3A_220 = tpu.memref_slice %arg2[%add3A_3, %dma_start3A_218, %dma_start3A_219] : memref<2x10240x128xf32, #tpu.memory_space<hbm>> -> memref<1x10240x128xf32, #tpu.memory_space<hbm>>
          %dma_start3A_221 = tpu.memref_squeeze %dma_start3A_220 : memref<1x10240x128xf32, #tpu.memory_space<hbm>> -> memref<10240x128xf32, #tpu.memory_space<hbm>>
          %dma_start3A_222 = arith.constant 0 : i32
          %dma_start3A_223 = arith.constant 0 : i32
          %dma_start3A_224 = tpu.memref_slice %dma_start3A_221[%dma_start3A_222, %dma_start3A_223] : memref<10240x128xf32, #tpu.memory_space<hbm>> -> memref<10240x128xf32, #tpu.memory_space<hbm>>
          tpu.enqueue_indirect_dma source(%dma_start3A_224 : memref<10240x128xf32, #tpu.memory_space<hbm>>) target(%arg11 : memref<64x128xf32, #tpu.memory_space<vmem>>) offsets(%dma_start3A_217 : memref<64xi32, #tpu.memory_space<vmem>>) semaphore(%arg15 : memref<!tpu.dma_semaphore, #tpu.memory_space<semaphore_mem>>)
        } else {
        }
      }
      %scan3A_63 = arith.constant 10 : i32
    }
    %scan3A_8 = arith.constant 4 : i32
    %barrier3A_9 = arith.constant 0 : index
    tpu.barrier barrier_id(%barrier3A_9)
    "tpu.region"() ({
      %run_scoped3A = tpu.sem_alloc : memref<!tpu.dma_semaphore, #tpu.memory_space<semaphore_mem>>
      %dma_start3A = arith.constant 0 : i32
      %dma_start3A_10 = tpu.memref_slice %arg5[%add3A_3, %mul3A_0, %dma_start3A] : memref<2x10240x128xf32, #tpu.memory_space<hbm>> -> memref<1x640x128xf32, #tpu.memory_space<hbm>>
      %dma_start3A_11 = tpu.memref_squeeze %dma_start3A_10 : memref<1x640x128xf32, #tpu.memory_space<hbm>> -> memref<640x128xf32, #tpu.memory_space<hbm>>
      %dma_start3A_12 = arith.constant 0 : i32
      %dma_start3A_13 = tpu.memref_slice %arg20[%mul3A_0, %dma_start3A_12] : memref<10240x128xf32, #tpu.memory_space<vmem_shared>> -> memref<640x128xf32, #tpu.memory_space<vmem_shared>>
      tpu.enqueue_dma source(%dma_start3A_13 : memref<640x128xf32, #tpu.memory_space<vmem_shared>>) target(%dma_start3A_11 : memref<640x128xf32, #tpu.memory_space<hbm>>) target_semaphore(%run_scoped3A : memref<!tpu.dma_semaphore, #tpu.memory_space<semaphore_mem>>)
      %dma_wait3A = arith.constant 0 : i32
      %dma_wait3A_14 = tpu.memref_slice %arg5[%add3A_3, %mul3A_0, %dma_wait3A] : memref<2x10240x128xf32, #tpu.memory_space<hbm>> -> memref<1x640x128xf32, #tpu.memory_space<hbm>>
      %dma_wait3A_15 = tpu.memref_squeeze %dma_wait3A_14 : memref<1x640x128xf32, #tpu.memory_space<hbm>> -> memref<640x128xf32, #tpu.memory_space<hbm>>
      %dma_wait3A_16 = arith.constant 0 : i32
      %dma_wait3A_17 = tpu.memref_slice %arg20[%mul3A_0, %dma_wait3A_16] : memref<10240x128xf32, #tpu.memory_space<vmem_shared>> -> memref<640x128xf32, #tpu.memory_space<vmem_shared>>
      tpu.wait_dma2 semaphore(%run_scoped3A : memref<!tpu.dma_semaphore, #tpu.memory_space<semaphore_mem>>) src(%dma_wait3A_17 : memref<640x128xf32, #tpu.memory_space<vmem_shared>>) dst(%dma_wait3A_15 : memref<640x128xf32, #tpu.memory_space<hbm>>)
      tpu.yield
    }) : () -> ()
    return
  }
}

#map = affine_map<(d0, d1) -> (0, 0, 0)>
module attributes {stable_mosaic.version = 14 : i64} {
  func.func @_scatter_kernel(%arg0: i32, %arg1: i32, %arg2: memref<4x10240x128xf32, #tpu.memory_space<hbm>>, %arg3: memref<16x160x64xi32, #tpu.memory_space<hbm>>, %arg4: memref<16x160x64xi32, #tpu.memory_space<hbm>>, %arg5: memref<4x10240x128xf32, #tpu.memory_space<hbm>>, %arg6: memref<40x64xi32, #tpu.memory_space<vmem>>, %arg7: memref<40x64xi32, #tpu.memory_space<vmem>>, %arg8: memref<64x128xf32, #tpu.memory_space<vmem>>, %arg9: memref<64x128xf32, #tpu.memory_space<vmem>>, %arg10: memref<64x128xf32, #tpu.memory_space<vmem>>, %arg11: memref<64x128xf32, #tpu.memory_space<vmem>>, %arg12: memref<!tpu.dma_semaphore, #tpu.memory_space<semaphore_mem>>, %arg13: memref<!tpu.dma_semaphore, #tpu.memory_space<semaphore_mem>>, %arg14: memref<!tpu.dma_semaphore, #tpu.memory_space<semaphore_mem>>, %arg15: memref<!tpu.dma_semaphore, #tpu.memory_space<semaphore_mem>>, %arg16: memref<!tpu.dma_semaphore, #tpu.memory_space<semaphore_mem>>, %arg17: memref<!tpu.dma_semaphore, #tpu.memory_space<semaphore_mem>>, %arg18: memref<!tpu.dma_semaphore, #tpu.memory_space<semaphore_mem>>, %arg19: memref<!tpu.dma_semaphore, #tpu.memory_space<semaphore_mem>>, %arg20: memref<10240x128xf32, #tpu.memory_space<vmem_shared>>) attributes {dimension_semantics = [#tpu.dimension_semantics<core_parallel>, #tpu.dimension_semantics<subcore_parallel>], iteration_bounds = array<i64: 2, 16>, scalar_prefetch = 0 : i64, scratch_operands = 15 : i64, tpu.core_type = #tpu.core_type<sc_vector_subcore>, window_params = [{transform_indices = #map}, {transform_indices = #map}, {transform_indices = #map}, {transform_indices = #map}]} {
    %mul3A = arith.constant 640 : i32
    %mul3A_0 = arith.muli %arg1, %mul3A : i32
    %mul3A_1 = arith.constant 2 : i32
    %mul3A_2 = arith.muli %arg0, %mul3A_1 : i32
    %add3A = arith.constant 0 : i32
    %add3A_3 = arith.addi %mul3A_2, %add3A : i32
    "tpu.region"() ({
      %run_scoped3A = tpu.sem_alloc : memref<!tpu.dma_semaphore, #tpu.memory_space<semaphore_mem>>
      %dma_start3A = arith.constant 0 : i32
      %dma_start3A_22 = tpu.memref_slice %arg20[%mul3A_0, %dma_start3A] : memref<10240x128xf32, #tpu.memory_space<vmem_shared>> -> memref<640x128xf32, #tpu.memory_space<vmem_shared>>
      %dma_start3A_23 = arith.constant 0 : i32
      %dma_start3A_24 = tpu.memref_slice %arg2[%add3A_3, %mul3A_0, %dma_start3A_23] : memref<4x10240x128xf32, #tpu.memory_space<hbm>> -> memref<1x640x128xf32, #tpu.memory_space<hbm>>
      %dma_start3A_25 = tpu.memref_squeeze %dma_start3A_24 : memref<1x640x128xf32, #tpu.memory_space<hbm>> -> memref<640x128xf32, #tpu.memory_space<hbm>>
      tpu.enqueue_dma source(%dma_start3A_25 : memref<640x128xf32, #tpu.memory_space<hbm>>) target(%dma_start3A_22 : memref<640x128xf32, #tpu.memory_space<vmem_shared>>) target_semaphore(%run_scoped3A : memref<!tpu.dma_semaphore, #tpu.memory_space<semaphore_mem>>)
      %dma_wait3A = arith.constant 0 : i32
      %dma_wait3A_26 = tpu.memref_slice %arg20[%mul3A_0, %dma_wait3A] : memref<10240x128xf32, #tpu.memory_space<vmem_shared>> -> memref<640x128xf32, #tpu.memory_space<vmem_shared>>
      %dma_wait3A_27 = arith.constant 0 : i32
      %dma_wait3A_28 = tpu.memref_slice %arg2[%add3A_3, %mul3A_0, %dma_wait3A_27] : memref<4x10240x128xf32, #tpu.memory_space<hbm>> -> memref<1x640x128xf32, #tpu.memory_space<hbm>>
      %dma_wait3A_29 = tpu.memref_squeeze %dma_wait3A_28 : memref<1x640x128xf32, #tpu.memory_space<hbm>> -> memref<640x128xf32, #tpu.memory_space<hbm>>
      tpu.wait_dma2 semaphore(%run_scoped3A : memref<!tpu.dma_semaphore, #tpu.memory_space<semaphore_mem>>) src(%dma_wait3A_29 : memref<640x128xf32, #tpu.memory_space<hbm>>) dst(%dma_wait3A_26 : memref<640x128xf32, #tpu.memory_space<vmem_shared>>)
      tpu.yield
    }) : () -> ()
    %barrier3A = arith.constant 0 : index
    tpu.barrier barrier_id(%barrier3A)
    %scan3A = arith.constant 0 : i32
    %scan3A_4 = arith.constant 0 : i32
    %scan3A_5 = arith.constant 4 : i32
    %scan3A_6 = arith.addi %scan3A_4, %scan3A_5 : i32
    %scan3A_7 = arith.constant 1 : i32
    scf.for %scan3A_22 = %scan3A_4 to %scan3A_6 step %scan3A_7  : i32 {
      %mul3A_23 = arith.constant 40 : i32
      %mul3A_24 = arith.muli %scan3A_22, %mul3A_23 : i32
      "tpu.region"() ({
        %run_scoped3A = tpu.sem_alloc : memref<!tpu.dma_semaphore, #tpu.memory_space<semaphore_mem>>
        %dma_start3A_76 = arith.constant 0 : i32
        %dma_start3A_77 = tpu.memref_slice %arg3[%arg1, %mul3A_24, %dma_start3A_76] : memref<16x160x64xi32, #tpu.memory_space<hbm>> -> memref<1x40x64xi32, #tpu.memory_space<hbm>>
        %dma_start3A_78 = tpu.memref_squeeze %dma_start3A_77 : memref<1x40x64xi32, #tpu.memory_space<hbm>> -> memref<40x64xi32, #tpu.memory_space<hbm>>
        %dma_start3A_79 = arith.constant 0 : i32
        %dma_start3A_80 = tpu.memref_slice %arg3[%arg1, %mul3A_24, %dma_start3A_79] : memref<16x160x64xi32, #tpu.memory_space<hbm>> -> memref<1x40x64xi32, #tpu.memory_space<hbm>>
        %dma_start3A_81 = tpu.memref_squeeze %dma_start3A_80 : memref<1x40x64xi32, #tpu.memory_space<hbm>> -> memref<40x64xi32, #tpu.memory_space<hbm>>
        tpu.enqueue_dma source(%dma_start3A_81 : memref<40x64xi32, #tpu.memory_space<hbm>>) target(%arg6 : memref<40x64xi32, #tpu.memory_space<vmem>>) target_semaphore(%run_scoped3A : memref<!tpu.dma_semaphore, #tpu.memory_space<semaphore_mem>>)
        %dma_wait3A = arith.constant 0 : i32
        %dma_wait3A_82 = tpu.memref_slice %arg3[%arg1, %mul3A_24, %dma_wait3A] : memref<16x160x64xi32, #tpu.memory_space<hbm>> -> memref<1x40x64xi32, #tpu.memory_space<hbm>>
        %dma_wait3A_83 = tpu.memref_squeeze %dma_wait3A_82 : memref<1x40x64xi32, #tpu.memory_space<hbm>> -> memref<40x64xi32, #tpu.memory_space<hbm>>
        %dma_wait3A_84 = arith.constant 0 : i32
        %dma_wait3A_85 = tpu.memref_slice %arg3[%arg1, %mul3A_24, %dma_wait3A_84] : memref<16x160x64xi32, #tpu.memory_space<hbm>> -> memref<1x40x64xi32, #tpu.memory_space<hbm>>
        %dma_wait3A_86 = tpu.memref_squeeze %dma_wait3A_85 : memref<1x40x64xi32, #tpu.memory_space<hbm>> -> memref<40x64xi32, #tpu.memory_space<hbm>>
        tpu.wait_dma2 semaphore(%run_scoped3A : memref<!tpu.dma_semaphore, #tpu.memory_space<semaphore_mem>>) src(%dma_wait3A_86 : memref<40x64xi32, #tpu.memory_space<hbm>>) dst(%arg6 : memref<40x64xi32, #tpu.memory_space<vmem>>)
        tpu.yield
      }) : () -> ()
      %mul3A_25 = arith.constant 40 : i32
      %mul3A_26 = arith.muli %scan3A_22, %mul3A_25 : i32
      "tpu.region"() ({
        %run_scoped3A = tpu.sem_alloc : memref<!tpu.dma_semaphore, #tpu.memory_space<semaphore_mem>>
        %dma_start3A_76 = arith.constant 0 : i32
        %dma_start3A_77 = tpu.memref_slice %arg4[%arg1, %mul3A_26, %dma_start3A_76] : memref<16x160x64xi32, #tpu.memory_space<hbm>> -> memref<1x40x64xi32, #tpu.memory_space<hbm>>
        %dma_start3A_78 = tpu.memref_squeeze %dma_start3A_77 : memref<1x40x64xi32, #tpu.memory_space<hbm>> -> memref<40x64xi32, #tpu.memory_space<hbm>>
        %dma_start3A_79 = arith.constant 0 : i32
        %dma_start3A_80 = tpu.memref_slice %arg4[%arg1, %mul3A_26, %dma_start3A_79] : memref<16x160x64xi32, #tpu.memory_space<hbm>> -> memref<1x40x64xi32, #tpu.memory_space<hbm>>
        %dma_start3A_81 = tpu.memref_squeeze %dma_start3A_80 : memref<1x40x64xi32, #tpu.memory_space<hbm>> -> memref<40x64xi32, #tpu.memory_space<hbm>>
        tpu.enqueue_dma source(%dma_start3A_81 : memref<40x64xi32, #tpu.memory_space<hbm>>) target(%arg7 : memref<40x64xi32, #tpu.memory_space<vmem>>) target_semaphore(%run_scoped3A : memref<!tpu.dma_semaphore, #tpu.memory_space<semaphore_mem>>)
        %dma_wait3A = arith.constant 0 : i32
        %dma_wait3A_82 = tpu.memref_slice %arg4[%arg1, %mul3A_26, %dma_wait3A] : memref<16x160x64xi32, #tpu.memory_space<hbm>> -> memref<1x40x64xi32, #tpu.memory_space<hbm>>
        %dma_wait3A_83 = tpu.memref_squeeze %dma_wait3A_82 : memref<1x40x64xi32, #tpu.memory_space<hbm>> -> memref<40x64xi32, #tpu.memory_space<hbm>>
        %dma_wait3A_84 = arith.constant 0 : i32
        %dma_wait3A_85 = tpu.memref_slice %arg4[%arg1, %mul3A_26, %dma_wait3A_84] : memref<16x160x64xi32, #tpu.memory_space<hbm>> -> memref<1x40x64xi32, #tpu.memory_space<hbm>>
        %dma_wait3A_86 = tpu.memref_squeeze %dma_wait3A_85 : memref<1x40x64xi32, #tpu.memory_space<hbm>> -> memref<40x64xi32, #tpu.memory_space<hbm>>
        tpu.wait_dma2 semaphore(%run_scoped3A : memref<!tpu.dma_semaphore, #tpu.memory_space<semaphore_mem>>) src(%dma_wait3A_86 : memref<40x64xi32, #tpu.memory_space<hbm>>) dst(%arg7 : memref<40x64xi32, #tpu.memory_space<vmem>>)
        tpu.yield
      }) : () -> ()
      %dma_start3A = arith.constant 0 : i32
      %dma_start3A_27 = arith.constant 0 : i32
      %dma_start3A_28 = tpu.memref_slice %arg6[%dma_start3A, %dma_start3A_27] : memref<40x64xi32, #tpu.memory_space<vmem>> -> memref<1x64xi32, #tpu.memory_space<vmem>>
      %dma_start3A_29 = tpu.memref_squeeze %dma_start3A_28 : memref<1x64xi32, #tpu.memory_space<vmem>> -> memref<64xi32, #tpu.memory_space<vmem>>
      %dma_start3A_30 = arith.constant 0 : i32
      %dma_start3A_31 = arith.constant 0 : i32
      %dma_start3A_32 = tpu.memref_slice %arg2[%add3A_3, %dma_start3A_30, %dma_start3A_31] : memref<4x10240x128xf32, #tpu.memory_space<hbm>> -> memref<1x10240x128xf32, #tpu.memory_space<hbm>>
      %dma_start3A_33 = tpu.memref_squeeze %dma_start3A_32 : memref<1x10240x128xf32, #tpu.memory_space<hbm>> -> memref<10240x128xf32, #tpu.memory_space<hbm>>
      %dma_start3A_34 = arith.constant 0 : i32
      %dma_start3A_35 = arith.constant 0 : i32
      %dma_start3A_36 = tpu.memref_slice %dma_start3A_33[%dma_start3A_34, %dma_start3A_35] : memref<10240x128xf32, #tpu.memory_space<hbm>> -> memref<10240x128xf32, #tpu.memory_space<hbm>>
      tpu.enqueue_indirect_dma source(%dma_start3A_36 : memref<10240x128xf32, #tpu.memory_space<hbm>>) target(%arg8 : memref<64x128xf32, #tpu.memory_space<vmem>>) offsets(%dma_start3A_29 : memref<64xi32, #tpu.memory_space<vmem>>) semaphore(%arg12 : memref<!tpu.dma_semaphore, #tpu.memory_space<semaphore_mem>>)
      %dma_start3A_37 = arith.constant 1 : i32
      %dma_start3A_38 = arith.constant 0 : i32
      %dma_start3A_39 = tpu.memref_slice %arg6[%dma_start3A_37, %dma_start3A_38] : memref<40x64xi32, #tpu.memory_space<vmem>> -> memref<1x64xi32, #tpu.memory_space<vmem>>
      %dma_start3A_40 = tpu.memref_squeeze %dma_start3A_39 : memref<1x64xi32, #tpu.memory_space<vmem>> -> memref<64xi32, #tpu.memory_space<vmem>>
      %dma_start3A_41 = arith.constant 0 : i32
      %dma_start3A_42 = arith.constant 0 : i32
      %dma_start3A_43 = tpu.memref_slice %arg2[%add3A_3, %dma_start3A_41, %dma_start3A_42] : memref<4x10240x128xf32, #tpu.memory_space<hbm>> -> memref<1x10240x128xf32, #tpu.memory_space<hbm>>
      %dma_start3A_44 = tpu.memref_squeeze %dma_start3A_43 : memref<1x10240x128xf32, #tpu.memory_space<hbm>> -> memref<10240x128xf32, #tpu.memory_space<hbm>>
      %dma_start3A_45 = arith.constant 0 : i32
      %dma_start3A_46 = arith.constant 0 : i32
      %dma_start3A_47 = tpu.memref_slice %dma_start3A_44[%dma_start3A_45, %dma_start3A_46] : memref<10240x128xf32, #tpu.memory_space<hbm>> -> memref<10240x128xf32, #tpu.memory_space<hbm>>
      tpu.enqueue_indirect_dma source(%dma_start3A_47 : memref<10240x128xf32, #tpu.memory_space<hbm>>) target(%arg9 : memref<64x128xf32, #tpu.memory_space<vmem>>) offsets(%dma_start3A_40 : memref<64xi32, #tpu.memory_space<vmem>>) semaphore(%arg13 : memref<!tpu.dma_semaphore, #tpu.memory_space<semaphore_mem>>)
      %dma_start3A_48 = arith.constant 2 : i32
      %dma_start3A_49 = arith.constant 0 : i32
      %dma_start3A_50 = tpu.memref_slice %arg6[%dma_start3A_48, %dma_start3A_49] : memref<40x64xi32, #tpu.memory_space<vmem>> -> memref<1x64xi32, #tpu.memory_space<vmem>>
      %dma_start3A_51 = tpu.memref_squeeze %dma_start3A_50 : memref<1x64xi32, #tpu.memory_space<vmem>> -> memref<64xi32, #tpu.memory_space<vmem>>
      %dma_start3A_52 = arith.constant 0 : i32
      %dma_start3A_53 = arith.constant 0 : i32
      %dma_start3A_54 = tpu.memref_slice %arg2[%add3A_3, %dma_start3A_52, %dma_start3A_53] : memref<4x10240x128xf32, #tpu.memory_space<hbm>> -> memref<1x10240x128xf32, #tpu.memory_space<hbm>>
      %dma_start3A_55 = tpu.memref_squeeze %dma_start3A_54 : memref<1x10240x128xf32, #tpu.memory_space<hbm>> -> memref<10240x128xf32, #tpu.memory_space<hbm>>
      %dma_start3A_56 = arith.constant 0 : i32
      %dma_start3A_57 = arith.constant 0 : i32
      %dma_start3A_58 = tpu.memref_slice %dma_start3A_55[%dma_start3A_56, %dma_start3A_57] : memref<10240x128xf32, #tpu.memory_space<hbm>> -> memref<10240x128xf32, #tpu.memory_space<hbm>>
      tpu.enqueue_indirect_dma source(%dma_start3A_58 : memref<10240x128xf32, #tpu.memory_space<hbm>>) target(%arg10 : memref<64x128xf32, #tpu.memory_space<vmem>>) offsets(%dma_start3A_51 : memref<64xi32, #tpu.memory_space<vmem>>) semaphore(%arg14 : memref<!tpu.dma_semaphore, #tpu.memory_space<semaphore_mem>>)
      %dma_start3A_59 = arith.constant 3 : i32
      %dma_start3A_60 = arith.constant 0 : i32
      %dma_start3A_61 = tpu.memref_slice %arg6[%dma_start3A_59, %dma_start3A_60] : memref<40x64xi32, #tpu.memory_space<vmem>> -> memref<1x64xi32, #tpu.memory_space<vmem>>
      %dma_start3A_62 = tpu.memref_squeeze %dma_start3A_61 : memref<1x64xi32, #tpu.memory_space<vmem>> -> memref<64xi32, #tpu.memory_space<vmem>>
      %dma_start3A_63 = arith.constant 0 : i32
      %dma_start3A_64 = arith.constant 0 : i32
      %dma_start3A_65 = tpu.memref_slice %arg2[%add3A_3, %dma_start3A_63, %dma_start3A_64] : memref<4x10240x128xf32, #tpu.memory_space<hbm>> -> memref<1x10240x128xf32, #tpu.memory_space<hbm>>
      %dma_start3A_66 = tpu.memref_squeeze %dma_start3A_65 : memref<1x10240x128xf32, #tpu.memory_space<hbm>> -> memref<10240x128xf32, #tpu.memory_space<hbm>>
      %dma_start3A_67 = arith.constant 0 : i32
      %dma_start3A_68 = arith.constant 0 : i32
      %dma_start3A_69 = tpu.memref_slice %dma_start3A_66[%dma_start3A_67, %dma_start3A_68] : memref<10240x128xf32, #tpu.memory_space<hbm>> -> memref<10240x128xf32, #tpu.memory_space<hbm>>
      tpu.enqueue_indirect_dma source(%dma_start3A_69 : memref<10240x128xf32, #tpu.memory_space<hbm>>) target(%arg11 : memref<64x128xf32, #tpu.memory_space<vmem>>) offsets(%dma_start3A_62 : memref<64xi32, #tpu.memory_space<vmem>>) semaphore(%arg15 : memref<!tpu.dma_semaphore, #tpu.memory_space<semaphore_mem>>)
      %scan3A_70 = arith.constant 0 : i32
      %scan3A_71 = arith.constant 0 : i32
      %scan3A_72 = arith.constant 10 : i32
      %scan3A_73 = arith.addi %scan3A_71, %scan3A_72 : i32
      %scan3A_74 = arith.constant 1 : i32
      scf.for %scan3A_76 = %scan3A_71 to %scan3A_73 step %scan3A_74  : i32 {
        %mul3A_77 = arith.constant 4 : i32
        %mul3A_78 = arith.muli %scan3A_76, %mul3A_77 : i32
        %add3A_79 = arith.constant 0 : i32
        %add3A_80 = arith.addi %mul3A_78, %add3A_79 : i32
        %dma_wait3A = arith.constant 0 : i32
        %dma_wait3A_81 = tpu.memref_slice %arg6[%add3A_80, %dma_wait3A] : memref<40x64xi32, #tpu.memory_space<vmem>> -> memref<1x64xi32, #tpu.memory_space<vmem>>
        %dma_wait3A_82 = tpu.memref_squeeze %dma_wait3A_81 : memref<1x64xi32, #tpu.memory_space<vmem>> -> memref<64xi32, #tpu.memory_space<vmem>>
        %dma_wait3A_83 = arith.constant 0 : i32
        %dma_wait3A_84 = arith.constant 0 : i32
        %dma_wait3A_85 = tpu.memref_slice %arg2[%add3A_3, %dma_wait3A_83, %dma_wait3A_84] : memref<4x10240x128xf32, #tpu.memory_space<hbm>> -> memref<1x10240x128xf32, #tpu.memory_space<hbm>>
        %dma_wait3A_86 = tpu.memref_squeeze %dma_wait3A_85 : memref<1x10240x128xf32, #tpu.memory_space<hbm>> -> memref<10240x128xf32, #tpu.memory_space<hbm>>
        %dma_wait3A_87 = arith.constant 0 : i32
        %dma_wait3A_88 = arith.constant 0 : i32
        %dma_wait3A_89 = tpu.memref_slice %dma_wait3A_86[%dma_wait3A_87, %dma_wait3A_88] : memref<10240x128xf32, #tpu.memory_space<hbm>> -> memref<10240x128xf32, #tpu.memory_space<hbm>>
        tpu.wait_indirect_dma semaphore(%arg12 : memref<!tpu.dma_semaphore, #tpu.memory_space<semaphore_mem>>) src(%dma_wait3A_89 : memref<10240x128xf32, #tpu.memory_space<hbm>>) dst(%arg8 : memref<64x128xf32, #tpu.memory_space<vmem>>)
        %add3A_90 = arith.constant 0 : i32
        %add3A_91 = arith.addi %mul3A_78, %add3A_90 : i32
        %dma_start3A_92 = arith.constant 0 : i32
        %dma_start3A_93 = tpu.memref_slice %arg7[%add3A_91, %dma_start3A_92] : memref<40x64xi32, #tpu.memory_space<vmem>> -> memref<1x64xi32, #tpu.memory_space<vmem>>
        %dma_start3A_94 = tpu.memref_squeeze %dma_start3A_93 : memref<1x64xi32, #tpu.memory_space<vmem>> -> memref<64xi32, #tpu.memory_space<vmem>>
        %dma_start3A_95 = arith.constant 0 : i32
        %dma_start3A_96 = arith.constant 0 : i32
        %dma_start3A_97 = tpu.memref_slice %arg20[%dma_start3A_95, %dma_start3A_96] : memref<10240x128xf32, #tpu.memory_space<vmem_shared>> -> memref<10240x128xf32, #tpu.memory_space<vmem_shared>>
        tpu.enqueue_indirect_dma source(%arg8 : memref<64x128xf32, #tpu.memory_space<vmem>>) target(%dma_start3A_97 : memref<10240x128xf32, #tpu.memory_space<vmem_shared>>) offsets(%dma_start3A_94 : memref<64xi32, #tpu.memory_space<vmem>>) semaphore(%arg16 : memref<!tpu.dma_semaphore, #tpu.memory_space<semaphore_mem>>) {add = true}
        %add3A_98 = arith.constant 1 : i32
        %add3A_99 = arith.addi %mul3A_78, %add3A_98 : i32
        %dma_wait3A_100 = arith.constant 0 : i32
        %dma_wait3A_101 = tpu.memref_slice %arg6[%add3A_99, %dma_wait3A_100] : memref<40x64xi32, #tpu.memory_space<vmem>> -> memref<1x64xi32, #tpu.memory_space<vmem>>
        %dma_wait3A_102 = tpu.memref_squeeze %dma_wait3A_101 : memref<1x64xi32, #tpu.memory_space<vmem>> -> memref<64xi32, #tpu.memory_space<vmem>>
        %dma_wait3A_103 = arith.constant 0 : i32
        %dma_wait3A_104 = arith.constant 0 : i32
        %dma_wait3A_105 = tpu.memref_slice %arg2[%add3A_3, %dma_wait3A_103, %dma_wait3A_104] : memref<4x10240x128xf32, #tpu.memory_space<hbm>> -> memref<1x10240x128xf32, #tpu.memory_space<hbm>>
        %dma_wait3A_106 = tpu.memref_squeeze %dma_wait3A_105 : memref<1x10240x128xf32, #tpu.memory_space<hbm>> -> memref<10240x128xf32, #tpu.memory_space<hbm>>
        %dma_wait3A_107 = arith.constant 0 : i32
        %dma_wait3A_108 = arith.constant 0 : i32
        %dma_wait3A_109 = tpu.memref_slice %dma_wait3A_106[%dma_wait3A_107, %dma_wait3A_108] : memref<10240x128xf32, #tpu.memory_space<hbm>> -> memref<10240x128xf32, #tpu.memory_space<hbm>>
        tpu.wait_indirect_dma semaphore(%arg13 : memref<!tpu.dma_semaphore, #tpu.memory_space<semaphore_mem>>) src(%dma_wait3A_109 : memref<10240x128xf32, #tpu.memory_space<hbm>>) dst(%arg9 : memref<64x128xf32, #tpu.memory_space<vmem>>)
        %add3A_110 = arith.constant 1 : i32
        %add3A_111 = arith.addi %mul3A_78, %add3A_110 : i32
        %dma_start3A_112 = arith.constant 0 : i32
        %dma_start3A_113 = tpu.memref_slice %arg7[%add3A_111, %dma_start3A_112] : memref<40x64xi32, #tpu.memory_space<vmem>> -> memref<1x64xi32, #tpu.memory_space<vmem>>
        %dma_start3A_114 = tpu.memref_squeeze %dma_start3A_113 : memref<1x64xi32, #tpu.memory_space<vmem>> -> memref<64xi32, #tpu.memory_space<vmem>>
        %dma_start3A_115 = arith.constant 0 : i32
        %dma_start3A_116 = arith.constant 0 : i32
        %dma_start3A_117 = tpu.memref_slice %arg20[%dma_start3A_115, %dma_start3A_116] : memref<10240x128xf32, #tpu.memory_space<vmem_shared>> -> memref<10240x128xf32, #tpu.memory_space<vmem_shared>>
        tpu.enqueue_indirect_dma source(%arg9 : memref<64x128xf32, #tpu.memory_space<vmem>>) target(%dma_start3A_117 : memref<10240x128xf32, #tpu.memory_space<vmem_shared>>) offsets(%dma_start3A_114 : memref<64xi32, #tpu.memory_space<vmem>>) semaphore(%arg17 : memref<!tpu.dma_semaphore, #tpu.memory_space<semaphore_mem>>) {add = true}
        %add3A_118 = arith.constant 2 : i32
        %add3A_119 = arith.addi %mul3A_78, %add3A_118 : i32
        %dma_wait3A_120 = arith.constant 0 : i32
        %dma_wait3A_121 = tpu.memref_slice %arg6[%add3A_119, %dma_wait3A_120] : memref<40x64xi32, #tpu.memory_space<vmem>> -> memref<1x64xi32, #tpu.memory_space<vmem>>
        %dma_wait3A_122 = tpu.memref_squeeze %dma_wait3A_121 : memref<1x64xi32, #tpu.memory_space<vmem>> -> memref<64xi32, #tpu.memory_space<vmem>>
        %dma_wait3A_123 = arith.constant 0 : i32
        %dma_wait3A_124 = arith.constant 0 : i32
        %dma_wait3A_125 = tpu.memref_slice %arg2[%add3A_3, %dma_wait3A_123, %dma_wait3A_124] : memref<4x10240x128xf32, #tpu.memory_space<hbm>> -> memref<1x10240x128xf32, #tpu.memory_space<hbm>>
        %dma_wait3A_126 = tpu.memref_squeeze %dma_wait3A_125 : memref<1x10240x128xf32, #tpu.memory_space<hbm>> -> memref<10240x128xf32, #tpu.memory_space<hbm>>
        %dma_wait3A_127 = arith.constant 0 : i32
        %dma_wait3A_128 = arith.constant 0 : i32
        %dma_wait3A_129 = tpu.memref_slice %dma_wait3A_126[%dma_wait3A_127, %dma_wait3A_128] : memref<10240x128xf32, #tpu.memory_space<hbm>> -> memref<10240x128xf32, #tpu.memory_space<hbm>>
        tpu.wait_indirect_dma semaphore(%arg14 : memref<!tpu.dma_semaphore, #tpu.memory_space<semaphore_mem>>) src(%dma_wait3A_129 : memref<10240x128xf32, #tpu.memory_space<hbm>>) dst(%arg10 : memref<64x128xf32, #tpu.memory_space<vmem>>)
        %add3A_130 = arith.constant 2 : i32
        %add3A_131 = arith.addi %mul3A_78, %add3A_130 : i32
        %dma_start3A_132 = arith.constant 0 : i32
        %dma_start3A_133 = tpu.memref_slice %arg7[%add3A_131, %dma_start3A_132] : memref<40x64xi32, #tpu.memory_space<vmem>> -> memref<1x64xi32, #tpu.memory_space<vmem>>
        %dma_start3A_134 = tpu.memref_squeeze %dma_start3A_133 : memref<1x64xi32, #tpu.memory_space<vmem>> -> memref<64xi32, #tpu.memory_space<vmem>>
        %dma_start3A_135 = arith.constant 0 : i32
        %dma_start3A_136 = arith.constant 0 : i32
        %dma_start3A_137 = tpu.memref_slice %arg20[%dma_start3A_135, %dma_start3A_136] : memref<10240x128xf32, #tpu.memory_space<vmem_shared>> -> memref<10240x128xf32, #tpu.memory_space<vmem_shared>>
        tpu.enqueue_indirect_dma source(%arg10 : memref<64x128xf32, #tpu.memory_space<vmem>>) target(%dma_start3A_137 : memref<10240x128xf32, #tpu.memory_space<vmem_shared>>) offsets(%dma_start3A_134 : memref<64xi32, #tpu.memory_space<vmem>>) semaphore(%arg18 : memref<!tpu.dma_semaphore, #tpu.memory_space<semaphore_mem>>) {add = true}
        %add3A_138 = arith.constant 3 : i32
        %add3A_139 = arith.addi %mul3A_78, %add3A_138 : i32
        %dma_wait3A_140 = arith.constant 0 : i32
        %dma_wait3A_141 = tpu.memref_slice %arg6[%add3A_139, %dma_wait3A_140] : memref<40x64xi32, #tpu.memory_space<vmem>> -> memref<1x64xi32, #tpu.memory_space<vmem>>
        %dma_wait3A_142 = tpu.memref_squeeze %dma_wait3A_141 : memref<1x64xi32, #tpu.memory_space<vmem>> -> memref<64xi32, #tpu.memory_space<vmem>>
        %dma_wait3A_143 = arith.constant 0 : i32
        %dma_wait3A_144 = arith.constant 0 : i32
        %dma_wait3A_145 = tpu.memref_slice %arg2[%add3A_3, %dma_wait3A_143, %dma_wait3A_144] : memref<4x10240x128xf32, #tpu.memory_space<hbm>> -> memref<1x10240x128xf32, #tpu.memory_space<hbm>>
        %dma_wait3A_146 = tpu.memref_squeeze %dma_wait3A_145 : memref<1x10240x128xf32, #tpu.memory_space<hbm>> -> memref<10240x128xf32, #tpu.memory_space<hbm>>
        %dma_wait3A_147 = arith.constant 0 : i32
        %dma_wait3A_148 = arith.constant 0 : i32
        %dma_wait3A_149 = tpu.memref_slice %dma_wait3A_146[%dma_wait3A_147, %dma_wait3A_148] : memref<10240x128xf32, #tpu.memory_space<hbm>> -> memref<10240x128xf32, #tpu.memory_space<hbm>>
        tpu.wait_indirect_dma semaphore(%arg15 : memref<!tpu.dma_semaphore, #tpu.memory_space<semaphore_mem>>) src(%dma_wait3A_149 : memref<10240x128xf32, #tpu.memory_space<hbm>>) dst(%arg11 : memref<64x128xf32, #tpu.memory_space<vmem>>)
        %add3A_150 = arith.constant 3 : i32
        %add3A_151 = arith.addi %mul3A_78, %add3A_150 : i32
        %dma_start3A_152 = arith.constant 0 : i32
        %dma_start3A_153 = tpu.memref_slice %arg7[%add3A_151, %dma_start3A_152] : memref<40x64xi32, #tpu.memory_space<vmem>> -> memref<1x64xi32, #tpu.memory_space<vmem>>
        %dma_start3A_154 = tpu.memref_squeeze %dma_start3A_153 : memref<1x64xi32, #tpu.memory_space<vmem>> -> memref<64xi32, #tpu.memory_space<vmem>>
        %dma_start3A_155 = arith.constant 0 : i32
        %dma_start3A_156 = arith.constant 0 : i32
        %dma_start3A_157 = tpu.memref_slice %arg20[%dma_start3A_155, %dma_start3A_156] : memref<10240x128xf32, #tpu.memory_space<vmem_shared>> -> memref<10240x128xf32, #tpu.memory_space<vmem_shared>>
        tpu.enqueue_indirect_dma source(%arg11 : memref<64x128xf32, #tpu.memory_space<vmem>>) target(%dma_start3A_157 : memref<10240x128xf32, #tpu.memory_space<vmem_shared>>) offsets(%dma_start3A_154 : memref<64xi32, #tpu.memory_space<vmem>>) semaphore(%arg19 : memref<!tpu.dma_semaphore, #tpu.memory_space<semaphore_mem>>) {add = true}
        %add3A_158 = arith.constant 0 : i32
        %add3A_159 = arith.addi %mul3A_78, %add3A_158 : i32
        %dma_wait3A_160 = arith.constant 0 : i32
        %dma_wait3A_161 = tpu.memref_slice %arg7[%add3A_159, %dma_wait3A_160] : memref<40x64xi32, #tpu.memory_space<vmem>> -> memref<1x64xi32, #tpu.memory_space<vmem>>
        %dma_wait3A_162 = tpu.memref_squeeze %dma_wait3A_161 : memref<1x64xi32, #tpu.memory_space<vmem>> -> memref<64xi32, #tpu.memory_space<vmem>>
        %dma_wait3A_163 = arith.constant 0 : i32
        %dma_wait3A_164 = arith.constant 0 : i32
        %dma_wait3A_165 = tpu.memref_slice %arg20[%dma_wait3A_163, %dma_wait3A_164] : memref<10240x128xf32, #tpu.memory_space<vmem_shared>> -> memref<10240x128xf32, #tpu.memory_space<vmem_shared>>
        tpu.wait_indirect_dma semaphore(%arg16 : memref<!tpu.dma_semaphore, #tpu.memory_space<semaphore_mem>>) src(%arg8 : memref<64x128xf32, #tpu.memory_space<vmem>>) dst(%dma_wait3A_165 : memref<10240x128xf32, #tpu.memory_space<vmem_shared>>)
        %add3A_166 = arith.constant 4 : i32
        %add3A_167 = arith.addi %mul3A_78, %add3A_166 : i32
        %add3A_168 = arith.constant 0 : i32
        %add3A_169 = arith.addi %add3A_167, %add3A_168 : i32
        %lt3A = arith.constant 40 : i32
        %lt3A_170 = arith.cmpi slt, %add3A_169, %lt3A : i32
        %convert_element_type3A = arith.extui %lt3A_170 : i1 to i32
        %cond3A = arith.constant 0 : i32
        %cond3A_171 = arith.cmpi ne, %convert_element_type3A, %cond3A : i32
        scf.if %cond3A_171 {
          %add3A_223 = arith.constant 4 : i32
          %add3A_224 = arith.addi %mul3A_78, %add3A_223 : i32
          %add3A_225 = arith.constant 0 : i32
          %add3A_226 = arith.addi %add3A_224, %add3A_225 : i32
          %dma_start3A_227 = arith.constant 0 : i32
          %dma_start3A_228 = tpu.memref_slice %arg6[%add3A_226, %dma_start3A_227] : memref<40x64xi32, #tpu.memory_space<vmem>> -> memref<1x64xi32, #tpu.memory_space<vmem>>
          %dma_start3A_229 = tpu.memref_squeeze %dma_start3A_228 : memref<1x64xi32, #tpu.memory_space<vmem>> -> memref<64xi32, #tpu.memory_space<vmem>>
          %dma_start3A_230 = arith.constant 0 : i32
          %dma_start3A_231 = arith.constant 0 : i32
          %dma_start3A_232 = tpu.memref_slice %arg2[%add3A_3, %dma_start3A_230, %dma_start3A_231] : memref<4x10240x128xf32, #tpu.memory_space<hbm>> -> memref<1x10240x128xf32, #tpu.memory_space<hbm>>
          %dma_start3A_233 = tpu.memref_squeeze %dma_start3A_232 : memref<1x10240x128xf32, #tpu.memory_space<hbm>> -> memref<10240x128xf32, #tpu.memory_space<hbm>>
          %dma_start3A_234 = arith.constant 0 : i32
          %dma_start3A_235 = arith.constant 0 : i32
          %dma_start3A_236 = tpu.memref_slice %dma_start3A_233[%dma_start3A_234, %dma_start3A_235] : memref<10240x128xf32, #tpu.memory_space<hbm>> -> memref<10240x128xf32, #tpu.memory_space<hbm>>
          tpu.enqueue_indirect_dma source(%dma_start3A_236 : memref<10240x128xf32, #tpu.memory_space<hbm>>) target(%arg8 : memref<64x128xf32, #tpu.memory_space<vmem>>) offsets(%dma_start3A_229 : memref<64xi32, #tpu.memory_space<vmem>>) semaphore(%arg12 : memref<!tpu.dma_semaphore, #tpu.memory_space<semaphore_mem>>)
        } else {
        }
        %add3A_172 = arith.constant 1 : i32
        %add3A_173 = arith.addi %mul3A_78, %add3A_172 : i32
        %dma_wait3A_174 = arith.constant 0 : i32
        %dma_wait3A_175 = tpu.memref_slice %arg7[%add3A_173, %dma_wait3A_174] : memref<40x64xi32, #tpu.memory_space<vmem>> -> memref<1x64xi32, #tpu.memory_space<vmem>>
        %dma_wait3A_176 = tpu.memref_squeeze %dma_wait3A_175 : memref<1x64xi32, #tpu.memory_space<vmem>> -> memref<64xi32, #tpu.memory_space<vmem>>
        %dma_wait3A_177 = arith.constant 0 : i32
        %dma_wait3A_178 = arith.constant 0 : i32
        %dma_wait3A_179 = tpu.memref_slice %arg20[%dma_wait3A_177, %dma_wait3A_178] : memref<10240x128xf32, #tpu.memory_space<vmem_shared>> -> memref<10240x128xf32, #tpu.memory_space<vmem_shared>>
        tpu.wait_indirect_dma semaphore(%arg17 : memref<!tpu.dma_semaphore, #tpu.memory_space<semaphore_mem>>) src(%arg9 : memref<64x128xf32, #tpu.memory_space<vmem>>) dst(%dma_wait3A_179 : memref<10240x128xf32, #tpu.memory_space<vmem_shared>>)
        %add3A_180 = arith.constant 4 : i32
        %add3A_181 = arith.addi %mul3A_78, %add3A_180 : i32
        %add3A_182 = arith.constant 1 : i32
        %add3A_183 = arith.addi %add3A_181, %add3A_182 : i32
        %lt3A_184 = arith.constant 40 : i32
        %lt3A_185 = arith.cmpi slt, %add3A_183, %lt3A_184 : i32
        %convert_element_type3A_186 = arith.extui %lt3A_185 : i1 to i32
        %cond3A_187 = arith.constant 0 : i32
        %cond3A_188 = arith.cmpi ne, %convert_element_type3A_186, %cond3A_187 : i32
        scf.if %cond3A_188 {
          %add3A_223 = arith.constant 4 : i32
          %add3A_224 = arith.addi %mul3A_78, %add3A_223 : i32
          %add3A_225 = arith.constant 1 : i32
          %add3A_226 = arith.addi %add3A_224, %add3A_225 : i32
          %dma_start3A_227 = arith.constant 0 : i32
          %dma_start3A_228 = tpu.memref_slice %arg6[%add3A_226, %dma_start3A_227] : memref<40x64xi32, #tpu.memory_space<vmem>> -> memref<1x64xi32, #tpu.memory_space<vmem>>
          %dma_start3A_229 = tpu.memref_squeeze %dma_start3A_228 : memref<1x64xi32, #tpu.memory_space<vmem>> -> memref<64xi32, #tpu.memory_space<vmem>>
          %dma_start3A_230 = arith.constant 0 : i32
          %dma_start3A_231 = arith.constant 0 : i32
          %dma_start3A_232 = tpu.memref_slice %arg2[%add3A_3, %dma_start3A_230, %dma_start3A_231] : memref<4x10240x128xf32, #tpu.memory_space<hbm>> -> memref<1x10240x128xf32, #tpu.memory_space<hbm>>
          %dma_start3A_233 = tpu.memref_squeeze %dma_start3A_232 : memref<1x10240x128xf32, #tpu.memory_space<hbm>> -> memref<10240x128xf32, #tpu.memory_space<hbm>>
          %dma_start3A_234 = arith.constant 0 : i32
          %dma_start3A_235 = arith.constant 0 : i32
          %dma_start3A_236 = tpu.memref_slice %dma_start3A_233[%dma_start3A_234, %dma_start3A_235] : memref<10240x128xf32, #tpu.memory_space<hbm>> -> memref<10240x128xf32, #tpu.memory_space<hbm>>
          tpu.enqueue_indirect_dma source(%dma_start3A_236 : memref<10240x128xf32, #tpu.memory_space<hbm>>) target(%arg9 : memref<64x128xf32, #tpu.memory_space<vmem>>) offsets(%dma_start3A_229 : memref<64xi32, #tpu.memory_space<vmem>>) semaphore(%arg13 : memref<!tpu.dma_semaphore, #tpu.memory_space<semaphore_mem>>)
        } else {
        }
        %add3A_189 = arith.constant 2 : i32
        %add3A_190 = arith.addi %mul3A_78, %add3A_189 : i32
        %dma_wait3A_191 = arith.constant 0 : i32
        %dma_wait3A_192 = tpu.memref_slice %arg7[%add3A_190, %dma_wait3A_191] : memref<40x64xi32, #tpu.memory_space<vmem>> -> memref<1x64xi32, #tpu.memory_space<vmem>>
        %dma_wait3A_193 = tpu.memref_squeeze %dma_wait3A_192 : memref<1x64xi32, #tpu.memory_space<vmem>> -> memref<64xi32, #tpu.memory_space<vmem>>
        %dma_wait3A_194 = arith.constant 0 : i32
        %dma_wait3A_195 = arith.constant 0 : i32
        %dma_wait3A_196 = tpu.memref_slice %arg20[%dma_wait3A_194, %dma_wait3A_195] : memref<10240x128xf32, #tpu.memory_space<vmem_shared>> -> memref<10240x128xf32, #tpu.memory_space<vmem_shared>>
        tpu.wait_indirect_dma semaphore(%arg18 : memref<!tpu.dma_semaphore, #tpu.memory_space<semaphore_mem>>) src(%arg10 : memref<64x128xf32, #tpu.memory_space<vmem>>) dst(%dma_wait3A_196 : memref<10240x128xf32, #tpu.memory_space<vmem_shared>>)
        %add3A_197 = arith.constant 4 : i32
        %add3A_198 = arith.addi %mul3A_78, %add3A_197 : i32
        %add3A_199 = arith.constant 2 : i32
        %add3A_200 = arith.addi %add3A_198, %add3A_199 : i32
        %lt3A_201 = arith.constant 40 : i32
        %lt3A_202 = arith.cmpi slt, %add3A_200, %lt3A_201 : i32
        %convert_element_type3A_203 = arith.extui %lt3A_202 : i1 to i32
        %cond3A_204 = arith.constant 0 : i32
        %cond3A_205 = arith.cmpi ne, %convert_element_type3A_203, %cond3A_204 : i32
        scf.if %cond3A_205 {
          %add3A_223 = arith.constant 4 : i32
          %add3A_224 = arith.addi %mul3A_78, %add3A_223 : i32
          %add3A_225 = arith.constant 2 : i32
          %add3A_226 = arith.addi %add3A_224, %add3A_225 : i32
          %dma_start3A_227 = arith.constant 0 : i32
          %dma_start3A_228 = tpu.memref_slice %arg6[%add3A_226, %dma_start3A_227] : memref<40x64xi32, #tpu.memory_space<vmem>> -> memref<1x64xi32, #tpu.memory_space<vmem>>
          %dma_start3A_229 = tpu.memref_squeeze %dma_start3A_228 : memref<1x64xi32, #tpu.memory_space<vmem>> -> memref<64xi32, #tpu.memory_space<vmem>>
          %dma_start3A_230 = arith.constant 0 : i32
          %dma_start3A_231 = arith.constant 0 : i32
          %dma_start3A_232 = tpu.memref_slice %arg2[%add3A_3, %dma_start3A_230, %dma_start3A_231] : memref<4x10240x128xf32, #tpu.memory_space<hbm>> -> memref<1x10240x128xf32, #tpu.memory_space<hbm>>
          %dma_start3A_233 = tpu.memref_squeeze %dma_start3A_232 : memref<1x10240x128xf32, #tpu.memory_space<hbm>> -> memref<10240x128xf32, #tpu.memory_space<hbm>>
          %dma_start3A_234 = arith.constant 0 : i32
          %dma_start3A_235 = arith.constant 0 : i32
          %dma_start3A_236 = tpu.memref_slice %dma_start3A_233[%dma_start3A_234, %dma_start3A_235] : memref<10240x128xf32, #tpu.memory_space<hbm>> -> memref<10240x128xf32, #tpu.memory_space<hbm>>
          tpu.enqueue_indirect_dma source(%dma_start3A_236 : memref<10240x128xf32, #tpu.memory_space<hbm>>) target(%arg10 : memref<64x128xf32, #tpu.memory_space<vmem>>) offsets(%dma_start3A_229 : memref<64xi32, #tpu.memory_space<vmem>>) semaphore(%arg14 : memref<!tpu.dma_semaphore, #tpu.memory_space<semaphore_mem>>)
        } else {
        }
        %add3A_206 = arith.constant 3 : i32
        %add3A_207 = arith.addi %mul3A_78, %add3A_206 : i32
        %dma_wait3A_208 = arith.constant 0 : i32
        %dma_wait3A_209 = tpu.memref_slice %arg7[%add3A_207, %dma_wait3A_208] : memref<40x64xi32, #tpu.memory_space<vmem>> -> memref<1x64xi32, #tpu.memory_space<vmem>>
        %dma_wait3A_210 = tpu.memref_squeeze %dma_wait3A_209 : memref<1x64xi32, #tpu.memory_space<vmem>> -> memref<64xi32, #tpu.memory_space<vmem>>
        %dma_wait3A_211 = arith.constant 0 : i32
        %dma_wait3A_212 = arith.constant 0 : i32
        %dma_wait3A_213 = tpu.memref_slice %arg20[%dma_wait3A_211, %dma_wait3A_212] : memref<10240x128xf32, #tpu.memory_space<vmem_shared>> -> memref<10240x128xf32, #tpu.memory_space<vmem_shared>>
        tpu.wait_indirect_dma semaphore(%arg19 : memref<!tpu.dma_semaphore, #tpu.memory_space<semaphore_mem>>) src(%arg11 : memref<64x128xf32, #tpu.memory_space<vmem>>) dst(%dma_wait3A_213 : memref<10240x128xf32, #tpu.memory_space<vmem_shared>>)
        %add3A_214 = arith.constant 4 : i32
        %add3A_215 = arith.addi %mul3A_78, %add3A_214 : i32
        %add3A_216 = arith.constant 3 : i32
        %add3A_217 = arith.addi %add3A_215, %add3A_216 : i32
        %lt3A_218 = arith.constant 40 : i32
        %lt3A_219 = arith.cmpi slt, %add3A_217, %lt3A_218 : i32
        %convert_element_type3A_220 = arith.extui %lt3A_219 : i1 to i32
        %cond3A_221 = arith.constant 0 : i32
        %cond3A_222 = arith.cmpi ne, %convert_element_type3A_220, %cond3A_221 : i32
        scf.if %cond3A_222 {
          %add3A_223 = arith.constant 4 : i32
          %add3A_224 = arith.addi %mul3A_78, %add3A_223 : i32
          %add3A_225 = arith.constant 3 : i32
          %add3A_226 = arith.addi %add3A_224, %add3A_225 : i32
          %dma_start3A_227 = arith.constant 0 : i32
          %dma_start3A_228 = tpu.memref_slice %arg6[%add3A_226, %dma_start3A_227] : memref<40x64xi32, #tpu.memory_space<vmem>> -> memref<1x64xi32, #tpu.memory_space<vmem>>
          %dma_start3A_229 = tpu.memref_squeeze %dma_start3A_228 : memref<1x64xi32, #tpu.memory_space<vmem>> -> memref<64xi32, #tpu.memory_space<vmem>>
          %dma_start3A_230 = arith.constant 0 : i32
          %dma_start3A_231 = arith.constant 0 : i32
          %dma_start3A_232 = tpu.memref_slice %arg2[%add3A_3, %dma_start3A_230, %dma_start3A_231] : memref<4x10240x128xf32, #tpu.memory_space<hbm>> -> memref<1x10240x128xf32, #tpu.memory_space<hbm>>
          %dma_start3A_233 = tpu.memref_squeeze %dma_start3A_232 : memref<1x10240x128xf32, #tpu.memory_space<hbm>> -> memref<10240x128xf32, #tpu.memory_space<hbm>>
          %dma_start3A_234 = arith.constant 0 : i32
          %dma_start3A_235 = arith.constant 0 : i32
          %dma_start3A_236 = tpu.memref_slice %dma_start3A_233[%dma_start3A_234, %dma_start3A_235] : memref<10240x128xf32, #tpu.memory_space<hbm>> -> memref<10240x128xf32, #tpu.memory_space<hbm>>
          tpu.enqueue_indirect_dma source(%dma_start3A_236 : memref<10240x128xf32, #tpu.memory_space<hbm>>) target(%arg11 : memref<64x128xf32, #tpu.memory_space<vmem>>) offsets(%dma_start3A_229 : memref<64xi32, #tpu.memory_space<vmem>>) semaphore(%arg15 : memref<!tpu.dma_semaphore, #tpu.memory_space<semaphore_mem>>)
        } else {
        }
      }
      %scan3A_75 = arith.constant 10 : i32
    }
    %scan3A_8 = arith.constant 4 : i32
    %barrier3A_9 = arith.constant 0 : index
    tpu.barrier barrier_id(%barrier3A_9)
    "tpu.region"() ({
      %run_scoped3A = tpu.sem_alloc : memref<!tpu.dma_semaphore, #tpu.memory_space<semaphore_mem>>
      %dma_start3A = arith.constant 0 : i32
      %dma_start3A_22 = tpu.memref_slice %arg5[%add3A_3, %mul3A_0, %dma_start3A] : memref<4x10240x128xf32, #tpu.memory_space<hbm>> -> memref<1x640x128xf32, #tpu.memory_space<hbm>>
      %dma_start3A_23 = tpu.memref_squeeze %dma_start3A_22 : memref<1x640x128xf32, #tpu.memory_space<hbm>> -> memref<640x128xf32, #tpu.memory_space<hbm>>
      %dma_start3A_24 = arith.constant 0 : i32
      %dma_start3A_25 = tpu.memref_slice %arg20[%mul3A_0, %dma_start3A_24] : memref<10240x128xf32, #tpu.memory_space<vmem_shared>> -> memref<640x128xf32, #tpu.memory_space<vmem_shared>>
      tpu.enqueue_dma source(%dma_start3A_25 : memref<640x128xf32, #tpu.memory_space<vmem_shared>>) target(%dma_start3A_23 : memref<640x128xf32, #tpu.memory_space<hbm>>) target_semaphore(%run_scoped3A : memref<!tpu.dma_semaphore, #tpu.memory_space<semaphore_mem>>)
      %dma_wait3A = arith.constant 0 : i32
      %dma_wait3A_26 = tpu.memref_slice %arg5[%add3A_3, %mul3A_0, %dma_wait3A] : memref<4x10240x128xf32, #tpu.memory_space<hbm>> -> memref<1x640x128xf32, #tpu.memory_space<hbm>>
      %dma_wait3A_27 = tpu.memref_squeeze %dma_wait3A_26 : memref<1x640x128xf32, #tpu.memory_space<hbm>> -> memref<640x128xf32, #tpu.memory_space<hbm>>
      %dma_wait3A_28 = arith.constant 0 : i32
      %dma_wait3A_29 = tpu.memref_slice %arg20[%mul3A_0, %dma_wait3A_28] : memref<10240x128xf32, #tpu.memory_space<vmem_shared>> -> memref<640x128xf32, #tpu.memory_space<vmem_shared>>
      tpu.wait_dma2 semaphore(%run_scoped3A : memref<!tpu.dma_semaphore, #tpu.memory_space<semaphore_mem>>) src(%dma_wait3A_29 : memref<640x128xf32, #tpu.memory_space<vmem_shared>>) dst(%dma_wait3A_27 : memref<640x128xf32, #tpu.memory_space<hbm>>)
      tpu.yield
    }) : () -> ()
    %mul3A_10 = arith.constant 2 : i32
    %mul3A_11 = arith.muli %arg0, %mul3A_10 : i32
    %add3A_12 = arith.constant 1 : i32
    %add3A_13 = arith.addi %mul3A_11, %add3A_12 : i32
    "tpu.region"() ({
      %run_scoped3A = tpu.sem_alloc : memref<!tpu.dma_semaphore, #tpu.memory_space<semaphore_mem>>
      %dma_start3A = arith.constant 0 : i32
      %dma_start3A_22 = tpu.memref_slice %arg20[%mul3A_0, %dma_start3A] : memref<10240x128xf32, #tpu.memory_space<vmem_shared>> -> memref<640x128xf32, #tpu.memory_space<vmem_shared>>
      %dma_start3A_23 = arith.constant 0 : i32
      %dma_start3A_24 = tpu.memref_slice %arg2[%add3A_13, %mul3A_0, %dma_start3A_23] : memref<4x10240x128xf32, #tpu.memory_space<hbm>> -> memref<1x640x128xf32, #tpu.memory_space<hbm>>
      %dma_start3A_25 = tpu.memref_squeeze %dma_start3A_24 : memref<1x640x128xf32, #tpu.memory_space<hbm>> -> memref<640x128xf32, #tpu.memory_space<hbm>>
      tpu.enqueue_dma source(%dma_start3A_25 : memref<640x128xf32, #tpu.memory_space<hbm>>) target(%dma_start3A_22 : memref<640x128xf32, #tpu.memory_space<vmem_shared>>) target_semaphore(%run_scoped3A : memref<!tpu.dma_semaphore, #tpu.memory_space<semaphore_mem>>)
      %dma_wait3A = arith.constant 0 : i32
      %dma_wait3A_26 = tpu.memref_slice %arg20[%mul3A_0, %dma_wait3A] : memref<10240x128xf32, #tpu.memory_space<vmem_shared>> -> memref<640x128xf32, #tpu.memory_space<vmem_shared>>
      %dma_wait3A_27 = arith.constant 0 : i32
      %dma_wait3A_28 = tpu.memref_slice %arg2[%add3A_13, %mul3A_0, %dma_wait3A_27] : memref<4x10240x128xf32, #tpu.memory_space<hbm>> -> memref<1x640x128xf32, #tpu.memory_space<hbm>>
      %dma_wait3A_29 = tpu.memref_squeeze %dma_wait3A_28 : memref<1x640x128xf32, #tpu.memory_space<hbm>> -> memref<640x128xf32, #tpu.memory_space<hbm>>
      tpu.wait_dma2 semaphore(%run_scoped3A : memref<!tpu.dma_semaphore, #tpu.memory_space<semaphore_mem>>) src(%dma_wait3A_29 : memref<640x128xf32, #tpu.memory_space<hbm>>) dst(%dma_wait3A_26 : memref<640x128xf32, #tpu.memory_space<vmem_shared>>)
      tpu.yield
    }) : () -> ()
    %barrier3A_14 = arith.constant 0 : index
    tpu.barrier barrier_id(%barrier3A_14)
    %scan3A_15 = arith.constant 0 : i32
    %scan3A_16 = arith.constant 0 : i32
    %scan3A_17 = arith.constant 4 : i32
    %scan3A_18 = arith.addi %scan3A_16, %scan3A_17 : i32
    %scan3A_19 = arith.constant 1 : i32
    scf.for %scan3A_22 = %scan3A_16 to %scan3A_18 step %scan3A_19  : i32 {
      %mul3A_23 = arith.constant 40 : i32
      %mul3A_24 = arith.muli %scan3A_22, %mul3A_23 : i32
      "tpu.region"() ({
        %run_scoped3A = tpu.sem_alloc : memref<!tpu.dma_semaphore, #tpu.memory_space<semaphore_mem>>
        %dma_start3A_76 = arith.constant 0 : i32
        %dma_start3A_77 = tpu.memref_slice %arg3[%arg1, %mul3A_24, %dma_start3A_76] : memref<16x160x64xi32, #tpu.memory_space<hbm>> -> memref<1x40x64xi32, #tpu.memory_space<hbm>>
        %dma_start3A_78 = tpu.memref_squeeze %dma_start3A_77 : memref<1x40x64xi32, #tpu.memory_space<hbm>> -> memref<40x64xi32, #tpu.memory_space<hbm>>
        %dma_start3A_79 = arith.constant 0 : i32
        %dma_start3A_80 = tpu.memref_slice %arg3[%arg1, %mul3A_24, %dma_start3A_79] : memref<16x160x64xi32, #tpu.memory_space<hbm>> -> memref<1x40x64xi32, #tpu.memory_space<hbm>>
        %dma_start3A_81 = tpu.memref_squeeze %dma_start3A_80 : memref<1x40x64xi32, #tpu.memory_space<hbm>> -> memref<40x64xi32, #tpu.memory_space<hbm>>
        tpu.enqueue_dma source(%dma_start3A_81 : memref<40x64xi32, #tpu.memory_space<hbm>>) target(%arg6 : memref<40x64xi32, #tpu.memory_space<vmem>>) target_semaphore(%run_scoped3A : memref<!tpu.dma_semaphore, #tpu.memory_space<semaphore_mem>>)
        %dma_wait3A = arith.constant 0 : i32
        %dma_wait3A_82 = tpu.memref_slice %arg3[%arg1, %mul3A_24, %dma_wait3A] : memref<16x160x64xi32, #tpu.memory_space<hbm>> -> memref<1x40x64xi32, #tpu.memory_space<hbm>>
        %dma_wait3A_83 = tpu.memref_squeeze %dma_wait3A_82 : memref<1x40x64xi32, #tpu.memory_space<hbm>> -> memref<40x64xi32, #tpu.memory_space<hbm>>
        %dma_wait3A_84 = arith.constant 0 : i32
        %dma_wait3A_85 = tpu.memref_slice %arg3[%arg1, %mul3A_24, %dma_wait3A_84] : memref<16x160x64xi32, #tpu.memory_space<hbm>> -> memref<1x40x64xi32, #tpu.memory_space<hbm>>
        %dma_wait3A_86 = tpu.memref_squeeze %dma_wait3A_85 : memref<1x40x64xi32, #tpu.memory_space<hbm>> -> memref<40x64xi32, #tpu.memory_space<hbm>>
        tpu.wait_dma2 semaphore(%run_scoped3A : memref<!tpu.dma_semaphore, #tpu.memory_space<semaphore_mem>>) src(%dma_wait3A_86 : memref<40x64xi32, #tpu.memory_space<hbm>>) dst(%arg6 : memref<40x64xi32, #tpu.memory_space<vmem>>)
        tpu.yield
      }) : () -> ()
      %mul3A_25 = arith.constant 40 : i32
      %mul3A_26 = arith.muli %scan3A_22, %mul3A_25 : i32
      "tpu.region"() ({
        %run_scoped3A = tpu.sem_alloc : memref<!tpu.dma_semaphore, #tpu.memory_space<semaphore_mem>>
        %dma_start3A_76 = arith.constant 0 : i32
        %dma_start3A_77 = tpu.memref_slice %arg4[%arg1, %mul3A_26, %dma_start3A_76] : memref<16x160x64xi32, #tpu.memory_space<hbm>> -> memref<1x40x64xi32, #tpu.memory_space<hbm>>
        %dma_start3A_78 = tpu.memref_squeeze %dma_start3A_77 : memref<1x40x64xi32, #tpu.memory_space<hbm>> -> memref<40x64xi32, #tpu.memory_space<hbm>>
        %dma_start3A_79 = arith.constant 0 : i32
        %dma_start3A_80 = tpu.memref_slice %arg4[%arg1, %mul3A_26, %dma_start3A_79] : memref<16x160x64xi32, #tpu.memory_space<hbm>> -> memref<1x40x64xi32, #tpu.memory_space<hbm>>
        %dma_start3A_81 = tpu.memref_squeeze %dma_start3A_80 : memref<1x40x64xi32, #tpu.memory_space<hbm>> -> memref<40x64xi32, #tpu.memory_space<hbm>>
        tpu.enqueue_dma source(%dma_start3A_81 : memref<40x64xi32, #tpu.memory_space<hbm>>) target(%arg7 : memref<40x64xi32, #tpu.memory_space<vmem>>) target_semaphore(%run_scoped3A : memref<!tpu.dma_semaphore, #tpu.memory_space<semaphore_mem>>)
        %dma_wait3A = arith.constant 0 : i32
        %dma_wait3A_82 = tpu.memref_slice %arg4[%arg1, %mul3A_26, %dma_wait3A] : memref<16x160x64xi32, #tpu.memory_space<hbm>> -> memref<1x40x64xi32, #tpu.memory_space<hbm>>
        %dma_wait3A_83 = tpu.memref_squeeze %dma_wait3A_82 : memref<1x40x64xi32, #tpu.memory_space<hbm>> -> memref<40x64xi32, #tpu.memory_space<hbm>>
        %dma_wait3A_84 = arith.constant 0 : i32
        %dma_wait3A_85 = tpu.memref_slice %arg4[%arg1, %mul3A_26, %dma_wait3A_84] : memref<16x160x64xi32, #tpu.memory_space<hbm>> -> memref<1x40x64xi32, #tpu.memory_space<hbm>>
        %dma_wait3A_86 = tpu.memref_squeeze %dma_wait3A_85 : memref<1x40x64xi32, #tpu.memory_space<hbm>> -> memref<40x64xi32, #tpu.memory_space<hbm>>
        tpu.wait_dma2 semaphore(%run_scoped3A : memref<!tpu.dma_semaphore, #tpu.memory_space<semaphore_mem>>) src(%dma_wait3A_86 : memref<40x64xi32, #tpu.memory_space<hbm>>) dst(%arg7 : memref<40x64xi32, #tpu.memory_space<vmem>>)
        tpu.yield
      }) : () -> ()
      %dma_start3A = arith.constant 0 : i32
      %dma_start3A_27 = arith.constant 0 : i32
      %dma_start3A_28 = tpu.memref_slice %arg6[%dma_start3A, %dma_start3A_27] : memref<40x64xi32, #tpu.memory_space<vmem>> -> memref<1x64xi32, #tpu.memory_space<vmem>>
      %dma_start3A_29 = tpu.memref_squeeze %dma_start3A_28 : memref<1x64xi32, #tpu.memory_space<vmem>> -> memref<64xi32, #tpu.memory_space<vmem>>
      %dma_start3A_30 = arith.constant 0 : i32
      %dma_start3A_31 = arith.constant 0 : i32
      %dma_start3A_32 = tpu.memref_slice %arg2[%add3A_13, %dma_start3A_30, %dma_start3A_31] : memref<4x10240x128xf32, #tpu.memory_space<hbm>> -> memref<1x10240x128xf32, #tpu.memory_space<hbm>>
      %dma_start3A_33 = tpu.memref_squeeze %dma_start3A_32 : memref<1x10240x128xf32, #tpu.memory_space<hbm>> -> memref<10240x128xf32, #tpu.memory_space<hbm>>
      %dma_start3A_34 = arith.constant 0 : i32
      %dma_start3A_35 = arith.constant 0 : i32
      %dma_start3A_36 = tpu.memref_slice %dma_start3A_33[%dma_start3A_34, %dma_start3A_35] : memref<10240x128xf32, #tpu.memory_space<hbm>> -> memref<10240x128xf32, #tpu.memory_space<hbm>>
      tpu.enqueue_indirect_dma source(%dma_start3A_36 : memref<10240x128xf32, #tpu.memory_space<hbm>>) target(%arg8 : memref<64x128xf32, #tpu.memory_space<vmem>>) offsets(%dma_start3A_29 : memref<64xi32, #tpu.memory_space<vmem>>) semaphore(%arg12 : memref<!tpu.dma_semaphore, #tpu.memory_space<semaphore_mem>>)
      %dma_start3A_37 = arith.constant 1 : i32
      %dma_start3A_38 = arith.constant 0 : i32
      %dma_start3A_39 = tpu.memref_slice %arg6[%dma_start3A_37, %dma_start3A_38] : memref<40x64xi32, #tpu.memory_space<vmem>> -> memref<1x64xi32, #tpu.memory_space<vmem>>
      %dma_start3A_40 = tpu.memref_squeeze %dma_start3A_39 : memref<1x64xi32, #tpu.memory_space<vmem>> -> memref<64xi32, #tpu.memory_space<vmem>>
      %dma_start3A_41 = arith.constant 0 : i32
      %dma_start3A_42 = arith.constant 0 : i32
      %dma_start3A_43 = tpu.memref_slice %arg2[%add3A_13, %dma_start3A_41, %dma_start3A_42] : memref<4x10240x128xf32, #tpu.memory_space<hbm>> -> memref<1x10240x128xf32, #tpu.memory_space<hbm>>
      %dma_start3A_44 = tpu.memref_squeeze %dma_start3A_43 : memref<1x10240x128xf32, #tpu.memory_space<hbm>> -> memref<10240x128xf32, #tpu.memory_space<hbm>>
      %dma_start3A_45 = arith.constant 0 : i32
      %dma_start3A_46 = arith.constant 0 : i32
      %dma_start3A_47 = tpu.memref_slice %dma_start3A_44[%dma_start3A_45, %dma_start3A_46] : memref<10240x128xf32, #tpu.memory_space<hbm>> -> memref<10240x128xf32, #tpu.memory_space<hbm>>
      tpu.enqueue_indirect_dma source(%dma_start3A_47 : memref<10240x128xf32, #tpu.memory_space<hbm>>) target(%arg9 : memref<64x128xf32, #tpu.memory_space<vmem>>) offsets(%dma_start3A_40 : memref<64xi32, #tpu.memory_space<vmem>>) semaphore(%arg13 : memref<!tpu.dma_semaphore, #tpu.memory_space<semaphore_mem>>)
      %dma_start3A_48 = arith.constant 2 : i32
      %dma_start3A_49 = arith.constant 0 : i32
      %dma_start3A_50 = tpu.memref_slice %arg6[%dma_start3A_48, %dma_start3A_49] : memref<40x64xi32, #tpu.memory_space<vmem>> -> memref<1x64xi32, #tpu.memory_space<vmem>>
      %dma_start3A_51 = tpu.memref_squeeze %dma_start3A_50 : memref<1x64xi32, #tpu.memory_space<vmem>> -> memref<64xi32, #tpu.memory_space<vmem>>
      %dma_start3A_52 = arith.constant 0 : i32
      %dma_start3A_53 = arith.constant 0 : i32
      %dma_start3A_54 = tpu.memref_slice %arg2[%add3A_13, %dma_start3A_52, %dma_start3A_53] : memref<4x10240x128xf32, #tpu.memory_space<hbm>> -> memref<1x10240x128xf32, #tpu.memory_space<hbm>>
      %dma_start3A_55 = tpu.memref_squeeze %dma_start3A_54 : memref<1x10240x128xf32, #tpu.memory_space<hbm>> -> memref<10240x128xf32, #tpu.memory_space<hbm>>
      %dma_start3A_56 = arith.constant 0 : i32
      %dma_start3A_57 = arith.constant 0 : i32
      %dma_start3A_58 = tpu.memref_slice %dma_start3A_55[%dma_start3A_56, %dma_start3A_57] : memref<10240x128xf32, #tpu.memory_space<hbm>> -> memref<10240x128xf32, #tpu.memory_space<hbm>>
      tpu.enqueue_indirect_dma source(%dma_start3A_58 : memref<10240x128xf32, #tpu.memory_space<hbm>>) target(%arg10 : memref<64x128xf32, #tpu.memory_space<vmem>>) offsets(%dma_start3A_51 : memref<64xi32, #tpu.memory_space<vmem>>) semaphore(%arg14 : memref<!tpu.dma_semaphore, #tpu.memory_space<semaphore_mem>>)
      %dma_start3A_59 = arith.constant 3 : i32
      %dma_start3A_60 = arith.constant 0 : i32
      %dma_start3A_61 = tpu.memref_slice %arg6[%dma_start3A_59, %dma_start3A_60] : memref<40x64xi32, #tpu.memory_space<vmem>> -> memref<1x64xi32, #tpu.memory_space<vmem>>
      %dma_start3A_62 = tpu.memref_squeeze %dma_start3A_61 : memref<1x64xi32, #tpu.memory_space<vmem>> -> memref<64xi32, #tpu.memory_space<vmem>>
      %dma_start3A_63 = arith.constant 0 : i32
      %dma_start3A_64 = arith.constant 0 : i32
      %dma_start3A_65 = tpu.memref_slice %arg2[%add3A_13, %dma_start3A_63, %dma_start3A_64] : memref<4x10240x128xf32, #tpu.memory_space<hbm>> -> memref<1x10240x128xf32, #tpu.memory_space<hbm>>
      %dma_start3A_66 = tpu.memref_squeeze %dma_start3A_65 : memref<1x10240x128xf32, #tpu.memory_space<hbm>> -> memref<10240x128xf32, #tpu.memory_space<hbm>>
      %dma_start3A_67 = arith.constant 0 : i32
      %dma_start3A_68 = arith.constant 0 : i32
      %dma_start3A_69 = tpu.memref_slice %dma_start3A_66[%dma_start3A_67, %dma_start3A_68] : memref<10240x128xf32, #tpu.memory_space<hbm>> -> memref<10240x128xf32, #tpu.memory_space<hbm>>
      tpu.enqueue_indirect_dma source(%dma_start3A_69 : memref<10240x128xf32, #tpu.memory_space<hbm>>) target(%arg11 : memref<64x128xf32, #tpu.memory_space<vmem>>) offsets(%dma_start3A_62 : memref<64xi32, #tpu.memory_space<vmem>>) semaphore(%arg15 : memref<!tpu.dma_semaphore, #tpu.memory_space<semaphore_mem>>)
      %scan3A_70 = arith.constant 0 : i32
      %scan3A_71 = arith.constant 0 : i32
      %scan3A_72 = arith.constant 10 : i32
      %scan3A_73 = arith.addi %scan3A_71, %scan3A_72 : i32
      %scan3A_74 = arith.constant 1 : i32
      scf.for %scan3A_76 = %scan3A_71 to %scan3A_73 step %scan3A_74  : i32 {
        %mul3A_77 = arith.constant 4 : i32
        %mul3A_78 = arith.muli %scan3A_76, %mul3A_77 : i32
        %add3A_79 = arith.constant 0 : i32
        %add3A_80 = arith.addi %mul3A_78, %add3A_79 : i32
        %dma_wait3A = arith.constant 0 : i32
        %dma_wait3A_81 = tpu.memref_slice %arg6[%add3A_80, %dma_wait3A] : memref<40x64xi32, #tpu.memory_space<vmem>> -> memref<1x64xi32, #tpu.memory_space<vmem>>
        %dma_wait3A_82 = tpu.memref_squeeze %dma_wait3A_81 : memref<1x64xi32, #tpu.memory_space<vmem>> -> memref<64xi32, #tpu.memory_space<vmem>>
        %dma_wait3A_83 = arith.constant 0 : i32
        %dma_wait3A_84 = arith.constant 0 : i32
        %dma_wait3A_85 = tpu.memref_slice %arg2[%add3A_13, %dma_wait3A_83, %dma_wait3A_84] : memref<4x10240x128xf32, #tpu.memory_space<hbm>> -> memref<1x10240x128xf32, #tpu.memory_space<hbm>>
        %dma_wait3A_86 = tpu.memref_squeeze %dma_wait3A_85 : memref<1x10240x128xf32, #tpu.memory_space<hbm>> -> memref<10240x128xf32, #tpu.memory_space<hbm>>
        %dma_wait3A_87 = arith.constant 0 : i32
        %dma_wait3A_88 = arith.constant 0 : i32
        %dma_wait3A_89 = tpu.memref_slice %dma_wait3A_86[%dma_wait3A_87, %dma_wait3A_88] : memref<10240x128xf32, #tpu.memory_space<hbm>> -> memref<10240x128xf32, #tpu.memory_space<hbm>>
        tpu.wait_indirect_dma semaphore(%arg12 : memref<!tpu.dma_semaphore, #tpu.memory_space<semaphore_mem>>) src(%dma_wait3A_89 : memref<10240x128xf32, #tpu.memory_space<hbm>>) dst(%arg8 : memref<64x128xf32, #tpu.memory_space<vmem>>)
        %add3A_90 = arith.constant 0 : i32
        %add3A_91 = arith.addi %mul3A_78, %add3A_90 : i32
        %dma_start3A_92 = arith.constant 0 : i32
        %dma_start3A_93 = tpu.memref_slice %arg7[%add3A_91, %dma_start3A_92] : memref<40x64xi32, #tpu.memory_space<vmem>> -> memref<1x64xi32, #tpu.memory_space<vmem>>
        %dma_start3A_94 = tpu.memref_squeeze %dma_start3A_93 : memref<1x64xi32, #tpu.memory_space<vmem>> -> memref<64xi32, #tpu.memory_space<vmem>>
        %dma_start3A_95 = arith.constant 0 : i32
        %dma_start3A_96 = arith.constant 0 : i32
        %dma_start3A_97 = tpu.memref_slice %arg20[%dma_start3A_95, %dma_start3A_96] : memref<10240x128xf32, #tpu.memory_space<vmem_shared>> -> memref<10240x128xf32, #tpu.memory_space<vmem_shared>>
        tpu.enqueue_indirect_dma source(%arg8 : memref<64x128xf32, #tpu.memory_space<vmem>>) target(%dma_start3A_97 : memref<10240x128xf32, #tpu.memory_space<vmem_shared>>) offsets(%dma_start3A_94 : memref<64xi32, #tpu.memory_space<vmem>>) semaphore(%arg16 : memref<!tpu.dma_semaphore, #tpu.memory_space<semaphore_mem>>) {add = true}
        %add3A_98 = arith.constant 1 : i32
        %add3A_99 = arith.addi %mul3A_78, %add3A_98 : i32
        %dma_wait3A_100 = arith.constant 0 : i32
        %dma_wait3A_101 = tpu.memref_slice %arg6[%add3A_99, %dma_wait3A_100] : memref<40x64xi32, #tpu.memory_space<vmem>> -> memref<1x64xi32, #tpu.memory_space<vmem>>
        %dma_wait3A_102 = tpu.memref_squeeze %dma_wait3A_101 : memref<1x64xi32, #tpu.memory_space<vmem>> -> memref<64xi32, #tpu.memory_space<vmem>>
        %dma_wait3A_103 = arith.constant 0 : i32
        %dma_wait3A_104 = arith.constant 0 : i32
        %dma_wait3A_105 = tpu.memref_slice %arg2[%add3A_13, %dma_wait3A_103, %dma_wait3A_104] : memref<4x10240x128xf32, #tpu.memory_space<hbm>> -> memref<1x10240x128xf32, #tpu.memory_space<hbm>>
        %dma_wait3A_106 = tpu.memref_squeeze %dma_wait3A_105 : memref<1x10240x128xf32, #tpu.memory_space<hbm>> -> memref<10240x128xf32, #tpu.memory_space<hbm>>
        %dma_wait3A_107 = arith.constant 0 : i32
        %dma_wait3A_108 = arith.constant 0 : i32
        %dma_wait3A_109 = tpu.memref_slice %dma_wait3A_106[%dma_wait3A_107, %dma_wait3A_108] : memref<10240x128xf32, #tpu.memory_space<hbm>> -> memref<10240x128xf32, #tpu.memory_space<hbm>>
        tpu.wait_indirect_dma semaphore(%arg13 : memref<!tpu.dma_semaphore, #tpu.memory_space<semaphore_mem>>) src(%dma_wait3A_109 : memref<10240x128xf32, #tpu.memory_space<hbm>>) dst(%arg9 : memref<64x128xf32, #tpu.memory_space<vmem>>)
        %add3A_110 = arith.constant 1 : i32
        %add3A_111 = arith.addi %mul3A_78, %add3A_110 : i32
        %dma_start3A_112 = arith.constant 0 : i32
        %dma_start3A_113 = tpu.memref_slice %arg7[%add3A_111, %dma_start3A_112] : memref<40x64xi32, #tpu.memory_space<vmem>> -> memref<1x64xi32, #tpu.memory_space<vmem>>
        %dma_start3A_114 = tpu.memref_squeeze %dma_start3A_113 : memref<1x64xi32, #tpu.memory_space<vmem>> -> memref<64xi32, #tpu.memory_space<vmem>>
        %dma_start3A_115 = arith.constant 0 : i32
        %dma_start3A_116 = arith.constant 0 : i32
        %dma_start3A_117 = tpu.memref_slice %arg20[%dma_start3A_115, %dma_start3A_116] : memref<10240x128xf32, #tpu.memory_space<vmem_shared>> -> memref<10240x128xf32, #tpu.memory_space<vmem_shared>>
        tpu.enqueue_indirect_dma source(%arg9 : memref<64x128xf32, #tpu.memory_space<vmem>>) target(%dma_start3A_117 : memref<10240x128xf32, #tpu.memory_space<vmem_shared>>) offsets(%dma_start3A_114 : memref<64xi32, #tpu.memory_space<vmem>>) semaphore(%arg17 : memref<!tpu.dma_semaphore, #tpu.memory_space<semaphore_mem>>) {add = true}
        %add3A_118 = arith.constant 2 : i32
        %add3A_119 = arith.addi %mul3A_78, %add3A_118 : i32
        %dma_wait3A_120 = arith.constant 0 : i32
        %dma_wait3A_121 = tpu.memref_slice %arg6[%add3A_119, %dma_wait3A_120] : memref<40x64xi32, #tpu.memory_space<vmem>> -> memref<1x64xi32, #tpu.memory_space<vmem>>
        %dma_wait3A_122 = tpu.memref_squeeze %dma_wait3A_121 : memref<1x64xi32, #tpu.memory_space<vmem>> -> memref<64xi32, #tpu.memory_space<vmem>>
        %dma_wait3A_123 = arith.constant 0 : i32
        %dma_wait3A_124 = arith.constant 0 : i32
        %dma_wait3A_125 = tpu.memref_slice %arg2[%add3A_13, %dma_wait3A_123, %dma_wait3A_124] : memref<4x10240x128xf32, #tpu.memory_space<hbm>> -> memref<1x10240x128xf32, #tpu.memory_space<hbm>>
        %dma_wait3A_126 = tpu.memref_squeeze %dma_wait3A_125 : memref<1x10240x128xf32, #tpu.memory_space<hbm>> -> memref<10240x128xf32, #tpu.memory_space<hbm>>
        %dma_wait3A_127 = arith.constant 0 : i32
        %dma_wait3A_128 = arith.constant 0 : i32
        %dma_wait3A_129 = tpu.memref_slice %dma_wait3A_126[%dma_wait3A_127, %dma_wait3A_128] : memref<10240x128xf32, #tpu.memory_space<hbm>> -> memref<10240x128xf32, #tpu.memory_space<hbm>>
        tpu.wait_indirect_dma semaphore(%arg14 : memref<!tpu.dma_semaphore, #tpu.memory_space<semaphore_mem>>) src(%dma_wait3A_129 : memref<10240x128xf32, #tpu.memory_space<hbm>>) dst(%arg10 : memref<64x128xf32, #tpu.memory_space<vmem>>)
        %add3A_130 = arith.constant 2 : i32
        %add3A_131 = arith.addi %mul3A_78, %add3A_130 : i32
        %dma_start3A_132 = arith.constant 0 : i32
        %dma_start3A_133 = tpu.memref_slice %arg7[%add3A_131, %dma_start3A_132] : memref<40x64xi32, #tpu.memory_space<vmem>> -> memref<1x64xi32, #tpu.memory_space<vmem>>
        %dma_start3A_134 = tpu.memref_squeeze %dma_start3A_133 : memref<1x64xi32, #tpu.memory_space<vmem>> -> memref<64xi32, #tpu.memory_space<vmem>>
        %dma_start3A_135 = arith.constant 0 : i32
        %dma_start3A_136 = arith.constant 0 : i32
        %dma_start3A_137 = tpu.memref_slice %arg20[%dma_start3A_135, %dma_start3A_136] : memref<10240x128xf32, #tpu.memory_space<vmem_shared>> -> memref<10240x128xf32, #tpu.memory_space<vmem_shared>>
        tpu.enqueue_indirect_dma source(%arg10 : memref<64x128xf32, #tpu.memory_space<vmem>>) target(%dma_start3A_137 : memref<10240x128xf32, #tpu.memory_space<vmem_shared>>) offsets(%dma_start3A_134 : memref<64xi32, #tpu.memory_space<vmem>>) semaphore(%arg18 : memref<!tpu.dma_semaphore, #tpu.memory_space<semaphore_mem>>) {add = true}
        %add3A_138 = arith.constant 3 : i32
        %add3A_139 = arith.addi %mul3A_78, %add3A_138 : i32
        %dma_wait3A_140 = arith.constant 0 : i32
        %dma_wait3A_141 = tpu.memref_slice %arg6[%add3A_139, %dma_wait3A_140] : memref<40x64xi32, #tpu.memory_space<vmem>> -> memref<1x64xi32, #tpu.memory_space<vmem>>
        %dma_wait3A_142 = tpu.memref_squeeze %dma_wait3A_141 : memref<1x64xi32, #tpu.memory_space<vmem>> -> memref<64xi32, #tpu.memory_space<vmem>>
        %dma_wait3A_143 = arith.constant 0 : i32
        %dma_wait3A_144 = arith.constant 0 : i32
        %dma_wait3A_145 = tpu.memref_slice %arg2[%add3A_13, %dma_wait3A_143, %dma_wait3A_144] : memref<4x10240x128xf32, #tpu.memory_space<hbm>> -> memref<1x10240x128xf32, #tpu.memory_space<hbm>>
        %dma_wait3A_146 = tpu.memref_squeeze %dma_wait3A_145 : memref<1x10240x128xf32, #tpu.memory_space<hbm>> -> memref<10240x128xf32, #tpu.memory_space<hbm>>
        %dma_wait3A_147 = arith.constant 0 : i32
        %dma_wait3A_148 = arith.constant 0 : i32
        %dma_wait3A_149 = tpu.memref_slice %dma_wait3A_146[%dma_wait3A_147, %dma_wait3A_148] : memref<10240x128xf32, #tpu.memory_space<hbm>> -> memref<10240x128xf32, #tpu.memory_space<hbm>>
        tpu.wait_indirect_dma semaphore(%arg15 : memref<!tpu.dma_semaphore, #tpu.memory_space<semaphore_mem>>) src(%dma_wait3A_149 : memref<10240x128xf32, #tpu.memory_space<hbm>>) dst(%arg11 : memref<64x128xf32, #tpu.memory_space<vmem>>)
        %add3A_150 = arith.constant 3 : i32
        %add3A_151 = arith.addi %mul3A_78, %add3A_150 : i32
        %dma_start3A_152 = arith.constant 0 : i32
        %dma_start3A_153 = tpu.memref_slice %arg7[%add3A_151, %dma_start3A_152] : memref<40x64xi32, #tpu.memory_space<vmem>> -> memref<1x64xi32, #tpu.memory_space<vmem>>
        %dma_start3A_154 = tpu.memref_squeeze %dma_start3A_153 : memref<1x64xi32, #tpu.memory_space<vmem>> -> memref<64xi32, #tpu.memory_space<vmem>>
        %dma_start3A_155 = arith.constant 0 : i32
        %dma_start3A_156 = arith.constant 0 : i32
        %dma_start3A_157 = tpu.memref_slice %arg20[%dma_start3A_155, %dma_start3A_156] : memref<10240x128xf32, #tpu.memory_space<vmem_shared>> -> memref<10240x128xf32, #tpu.memory_space<vmem_shared>>
        tpu.enqueue_indirect_dma source(%arg11 : memref<64x128xf32, #tpu.memory_space<vmem>>) target(%dma_start3A_157 : memref<10240x128xf32, #tpu.memory_space<vmem_shared>>) offsets(%dma_start3A_154 : memref<64xi32, #tpu.memory_space<vmem>>) semaphore(%arg19 : memref<!tpu.dma_semaphore, #tpu.memory_space<semaphore_mem>>) {add = true}
        %add3A_158 = arith.constant 0 : i32
        %add3A_159 = arith.addi %mul3A_78, %add3A_158 : i32
        %dma_wait3A_160 = arith.constant 0 : i32
        %dma_wait3A_161 = tpu.memref_slice %arg7[%add3A_159, %dma_wait3A_160] : memref<40x64xi32, #tpu.memory_space<vmem>> -> memref<1x64xi32, #tpu.memory_space<vmem>>
        %dma_wait3A_162 = tpu.memref_squeeze %dma_wait3A_161 : memref<1x64xi32, #tpu.memory_space<vmem>> -> memref<64xi32, #tpu.memory_space<vmem>>
        %dma_wait3A_163 = arith.constant 0 : i32
        %dma_wait3A_164 = arith.constant 0 : i32
        %dma_wait3A_165 = tpu.memref_slice %arg20[%dma_wait3A_163, %dma_wait3A_164] : memref<10240x128xf32, #tpu.memory_space<vmem_shared>> -> memref<10240x128xf32, #tpu.memory_space<vmem_shared>>
        tpu.wait_indirect_dma semaphore(%arg16 : memref<!tpu.dma_semaphore, #tpu.memory_space<semaphore_mem>>) src(%arg8 : memref<64x128xf32, #tpu.memory_space<vmem>>) dst(%dma_wait3A_165 : memref<10240x128xf32, #tpu.memory_space<vmem_shared>>)
        %add3A_166 = arith.constant 4 : i32
        %add3A_167 = arith.addi %mul3A_78, %add3A_166 : i32
        %add3A_168 = arith.constant 0 : i32
        %add3A_169 = arith.addi %add3A_167, %add3A_168 : i32
        %lt3A = arith.constant 40 : i32
        %lt3A_170 = arith.cmpi slt, %add3A_169, %lt3A : i32
        %convert_element_type3A = arith.extui %lt3A_170 : i1 to i32
        %cond3A = arith.constant 0 : i32
        %cond3A_171 = arith.cmpi ne, %convert_element_type3A, %cond3A : i32
        scf.if %cond3A_171 {
          %add3A_223 = arith.constant 4 : i32
          %add3A_224 = arith.addi %mul3A_78, %add3A_223 : i32
          %add3A_225 = arith.constant 0 : i32
          %add3A_226 = arith.addi %add3A_224, %add3A_225 : i32
          %dma_start3A_227 = arith.constant 0 : i32
          %dma_start3A_228 = tpu.memref_slice %arg6[%add3A_226, %dma_start3A_227] : memref<40x64xi32, #tpu.memory_space<vmem>> -> memref<1x64xi32, #tpu.memory_space<vmem>>
          %dma_start3A_229 = tpu.memref_squeeze %dma_start3A_228 : memref<1x64xi32, #tpu.memory_space<vmem>> -> memref<64xi32, #tpu.memory_space<vmem>>
          %dma_start3A_230 = arith.constant 0 : i32
          %dma_start3A_231 = arith.constant 0 : i32
          %dma_start3A_232 = tpu.memref_slice %arg2[%add3A_13, %dma_start3A_230, %dma_start3A_231] : memref<4x10240x128xf32, #tpu.memory_space<hbm>> -> memref<1x10240x128xf32, #tpu.memory_space<hbm>>
          %dma_start3A_233 = tpu.memref_squeeze %dma_start3A_232 : memref<1x10240x128xf32, #tpu.memory_space<hbm>> -> memref<10240x128xf32, #tpu.memory_space<hbm>>
          %dma_start3A_234 = arith.constant 0 : i32
          %dma_start3A_235 = arith.constant 0 : i32
          %dma_start3A_236 = tpu.memref_slice %dma_start3A_233[%dma_start3A_234, %dma_start3A_235] : memref<10240x128xf32, #tpu.memory_space<hbm>> -> memref<10240x128xf32, #tpu.memory_space<hbm>>
          tpu.enqueue_indirect_dma source(%dma_start3A_236 : memref<10240x128xf32, #tpu.memory_space<hbm>>) target(%arg8 : memref<64x128xf32, #tpu.memory_space<vmem>>) offsets(%dma_start3A_229 : memref<64xi32, #tpu.memory_space<vmem>>) semaphore(%arg12 : memref<!tpu.dma_semaphore, #tpu.memory_space<semaphore_mem>>)
        } else {
        }
        %add3A_172 = arith.constant 1 : i32
        %add3A_173 = arith.addi %mul3A_78, %add3A_172 : i32
        %dma_wait3A_174 = arith.constant 0 : i32
        %dma_wait3A_175 = tpu.memref_slice %arg7[%add3A_173, %dma_wait3A_174] : memref<40x64xi32, #tpu.memory_space<vmem>> -> memref<1x64xi32, #tpu.memory_space<vmem>>
        %dma_wait3A_176 = tpu.memref_squeeze %dma_wait3A_175 : memref<1x64xi32, #tpu.memory_space<vmem>> -> memref<64xi32, #tpu.memory_space<vmem>>
        %dma_wait3A_177 = arith.constant 0 : i32
        %dma_wait3A_178 = arith.constant 0 : i32
        %dma_wait3A_179 = tpu.memref_slice %arg20[%dma_wait3A_177, %dma_wait3A_178] : memref<10240x128xf32, #tpu.memory_space<vmem_shared>> -> memref<10240x128xf32, #tpu.memory_space<vmem_shared>>
        tpu.wait_indirect_dma semaphore(%arg17 : memref<!tpu.dma_semaphore, #tpu.memory_space<semaphore_mem>>) src(%arg9 : memref<64x128xf32, #tpu.memory_space<vmem>>) dst(%dma_wait3A_179 : memref<10240x128xf32, #tpu.memory_space<vmem_shared>>)
        %add3A_180 = arith.constant 4 : i32
        %add3A_181 = arith.addi %mul3A_78, %add3A_180 : i32
        %add3A_182 = arith.constant 1 : i32
        %add3A_183 = arith.addi %add3A_181, %add3A_182 : i32
        %lt3A_184 = arith.constant 40 : i32
        %lt3A_185 = arith.cmpi slt, %add3A_183, %lt3A_184 : i32
        %convert_element_type3A_186 = arith.extui %lt3A_185 : i1 to i32
        %cond3A_187 = arith.constant 0 : i32
        %cond3A_188 = arith.cmpi ne, %convert_element_type3A_186, %cond3A_187 : i32
        scf.if %cond3A_188 {
          %add3A_223 = arith.constant 4 : i32
          %add3A_224 = arith.addi %mul3A_78, %add3A_223 : i32
          %add3A_225 = arith.constant 1 : i32
          %add3A_226 = arith.addi %add3A_224, %add3A_225 : i32
          %dma_start3A_227 = arith.constant 0 : i32
          %dma_start3A_228 = tpu.memref_slice %arg6[%add3A_226, %dma_start3A_227] : memref<40x64xi32, #tpu.memory_space<vmem>> -> memref<1x64xi32, #tpu.memory_space<vmem>>
          %dma_start3A_229 = tpu.memref_squeeze %dma_start3A_228 : memref<1x64xi32, #tpu.memory_space<vmem>> -> memref<64xi32, #tpu.memory_space<vmem>>
          %dma_start3A_230 = arith.constant 0 : i32
          %dma_start3A_231 = arith.constant 0 : i32
          %dma_start3A_232 = tpu.memref_slice %arg2[%add3A_13, %dma_start3A_230, %dma_start3A_231] : memref<4x10240x128xf32, #tpu.memory_space<hbm>> -> memref<1x10240x128xf32, #tpu.memory_space<hbm>>
          %dma_start3A_233 = tpu.memref_squeeze %dma_start3A_232 : memref<1x10240x128xf32, #tpu.memory_space<hbm>> -> memref<10240x128xf32, #tpu.memory_space<hbm>>
          %dma_start3A_234 = arith.constant 0 : i32
          %dma_start3A_235 = arith.constant 0 : i32
          %dma_start3A_236 = tpu.memref_slice %dma_start3A_233[%dma_start3A_234, %dma_start3A_235] : memref<10240x128xf32, #tpu.memory_space<hbm>> -> memref<10240x128xf32, #tpu.memory_space<hbm>>
          tpu.enqueue_indirect_dma source(%dma_start3A_236 : memref<10240x128xf32, #tpu.memory_space<hbm>>) target(%arg9 : memref<64x128xf32, #tpu.memory_space<vmem>>) offsets(%dma_start3A_229 : memref<64xi32, #tpu.memory_space<vmem>>) semaphore(%arg13 : memref<!tpu.dma_semaphore, #tpu.memory_space<semaphore_mem>>)
        } else {
        }
        %add3A_189 = arith.constant 2 : i32
        %add3A_190 = arith.addi %mul3A_78, %add3A_189 : i32
        %dma_wait3A_191 = arith.constant 0 : i32
        %dma_wait3A_192 = tpu.memref_slice %arg7[%add3A_190, %dma_wait3A_191] : memref<40x64xi32, #tpu.memory_space<vmem>> -> memref<1x64xi32, #tpu.memory_space<vmem>>
        %dma_wait3A_193 = tpu.memref_squeeze %dma_wait3A_192 : memref<1x64xi32, #tpu.memory_space<vmem>> -> memref<64xi32, #tpu.memory_space<vmem>>
        %dma_wait3A_194 = arith.constant 0 : i32
        %dma_wait3A_195 = arith.constant 0 : i32
        %dma_wait3A_196 = tpu.memref_slice %arg20[%dma_wait3A_194, %dma_wait3A_195] : memref<10240x128xf32, #tpu.memory_space<vmem_shared>> -> memref<10240x128xf32, #tpu.memory_space<vmem_shared>>
        tpu.wait_indirect_dma semaphore(%arg18 : memref<!tpu.dma_semaphore, #tpu.memory_space<semaphore_mem>>) src(%arg10 : memref<64x128xf32, #tpu.memory_space<vmem>>) dst(%dma_wait3A_196 : memref<10240x128xf32, #tpu.memory_space<vmem_shared>>)
        %add3A_197 = arith.constant 4 : i32
        %add3A_198 = arith.addi %mul3A_78, %add3A_197 : i32
        %add3A_199 = arith.constant 2 : i32
        %add3A_200 = arith.addi %add3A_198, %add3A_199 : i32
        %lt3A_201 = arith.constant 40 : i32
        %lt3A_202 = arith.cmpi slt, %add3A_200, %lt3A_201 : i32
        %convert_element_type3A_203 = arith.extui %lt3A_202 : i1 to i32
        %cond3A_204 = arith.constant 0 : i32
        %cond3A_205 = arith.cmpi ne, %convert_element_type3A_203, %cond3A_204 : i32
        scf.if %cond3A_205 {
          %add3A_223 = arith.constant 4 : i32
          %add3A_224 = arith.addi %mul3A_78, %add3A_223 : i32
          %add3A_225 = arith.constant 2 : i32
          %add3A_226 = arith.addi %add3A_224, %add3A_225 : i32
          %dma_start3A_227 = arith.constant 0 : i32
          %dma_start3A_228 = tpu.memref_slice %arg6[%add3A_226, %dma_start3A_227] : memref<40x64xi32, #tpu.memory_space<vmem>> -> memref<1x64xi32, #tpu.memory_space<vmem>>
          %dma_start3A_229 = tpu.memref_squeeze %dma_start3A_228 : memref<1x64xi32, #tpu.memory_space<vmem>> -> memref<64xi32, #tpu.memory_space<vmem>>
          %dma_start3A_230 = arith.constant 0 : i32
          %dma_start3A_231 = arith.constant 0 : i32
          %dma_start3A_232 = tpu.memref_slice %arg2[%add3A_13, %dma_start3A_230, %dma_start3A_231] : memref<4x10240x128xf32, #tpu.memory_space<hbm>> -> memref<1x10240x128xf32, #tpu.memory_space<hbm>>
          %dma_start3A_233 = tpu.memref_squeeze %dma_start3A_232 : memref<1x10240x128xf32, #tpu.memory_space<hbm>> -> memref<10240x128xf32, #tpu.memory_space<hbm>>
          %dma_start3A_234 = arith.constant 0 : i32
          %dma_start3A_235 = arith.constant 0 : i32
          %dma_start3A_236 = tpu.memref_slice %dma_start3A_233[%dma_start3A_234, %dma_start3A_235] : memref<10240x128xf32, #tpu.memory_space<hbm>> -> memref<10240x128xf32, #tpu.memory_space<hbm>>
          tpu.enqueue_indirect_dma source(%dma_start3A_236 : memref<10240x128xf32, #tpu.memory_space<hbm>>) target(%arg10 : memref<64x128xf32, #tpu.memory_space<vmem>>) offsets(%dma_start3A_229 : memref<64xi32, #tpu.memory_space<vmem>>) semaphore(%arg14 : memref<!tpu.dma_semaphore, #tpu.memory_space<semaphore_mem>>)
        } else {
        }
        %add3A_206 = arith.constant 3 : i32
        %add3A_207 = arith.addi %mul3A_78, %add3A_206 : i32
        %dma_wait3A_208 = arith.constant 0 : i32
        %dma_wait3A_209 = tpu.memref_slice %arg7[%add3A_207, %dma_wait3A_208] : memref<40x64xi32, #tpu.memory_space<vmem>> -> memref<1x64xi32, #tpu.memory_space<vmem>>
        %dma_wait3A_210 = tpu.memref_squeeze %dma_wait3A_209 : memref<1x64xi32, #tpu.memory_space<vmem>> -> memref<64xi32, #tpu.memory_space<vmem>>
        %dma_wait3A_211 = arith.constant 0 : i32
        %dma_wait3A_212 = arith.constant 0 : i32
        %dma_wait3A_213 = tpu.memref_slice %arg20[%dma_wait3A_211, %dma_wait3A_212] : memref<10240x128xf32, #tpu.memory_space<vmem_shared>> -> memref<10240x128xf32, #tpu.memory_space<vmem_shared>>
        tpu.wait_indirect_dma semaphore(%arg19 : memref<!tpu.dma_semaphore, #tpu.memory_space<semaphore_mem>>) src(%arg11 : memref<64x128xf32, #tpu.memory_space<vmem>>) dst(%dma_wait3A_213 : memref<10240x128xf32, #tpu.memory_space<vmem_shared>>)
        %add3A_214 = arith.constant 4 : i32
        %add3A_215 = arith.addi %mul3A_78, %add3A_214 : i32
        %add3A_216 = arith.constant 3 : i32
        %add3A_217 = arith.addi %add3A_215, %add3A_216 : i32
        %lt3A_218 = arith.constant 40 : i32
        %lt3A_219 = arith.cmpi slt, %add3A_217, %lt3A_218 : i32
        %convert_element_type3A_220 = arith.extui %lt3A_219 : i1 to i32
        %cond3A_221 = arith.constant 0 : i32
        %cond3A_222 = arith.cmpi ne, %convert_element_type3A_220, %cond3A_221 : i32
        scf.if %cond3A_222 {
          %add3A_223 = arith.constant 4 : i32
          %add3A_224 = arith.addi %mul3A_78, %add3A_223 : i32
          %add3A_225 = arith.constant 3 : i32
          %add3A_226 = arith.addi %add3A_224, %add3A_225 : i32
          %dma_start3A_227 = arith.constant 0 : i32
          %dma_start3A_228 = tpu.memref_slice %arg6[%add3A_226, %dma_start3A_227] : memref<40x64xi32, #tpu.memory_space<vmem>> -> memref<1x64xi32, #tpu.memory_space<vmem>>
          %dma_start3A_229 = tpu.memref_squeeze %dma_start3A_228 : memref<1x64xi32, #tpu.memory_space<vmem>> -> memref<64xi32, #tpu.memory_space<vmem>>
          %dma_start3A_230 = arith.constant 0 : i32
          %dma_start3A_231 = arith.constant 0 : i32
          %dma_start3A_232 = tpu.memref_slice %arg2[%add3A_13, %dma_start3A_230, %dma_start3A_231] : memref<4x10240x128xf32, #tpu.memory_space<hbm>> -> memref<1x10240x128xf32, #tpu.memory_space<hbm>>
          %dma_start3A_233 = tpu.memref_squeeze %dma_start3A_232 : memref<1x10240x128xf32, #tpu.memory_space<hbm>> -> memref<10240x128xf32, #tpu.memory_space<hbm>>
          %dma_start3A_234 = arith.constant 0 : i32
          %dma_start3A_235 = arith.constant 0 : i32
          %dma_start3A_236 = tpu.memref_slice %dma_start3A_233[%dma_start3A_234, %dma_start3A_235] : memref<10240x128xf32, #tpu.memory_space<hbm>> -> memref<10240x128xf32, #tpu.memory_space<hbm>>
          tpu.enqueue_indirect_dma source(%dma_start3A_236 : memref<10240x128xf32, #tpu.memory_space<hbm>>) target(%arg11 : memref<64x128xf32, #tpu.memory_space<vmem>>) offsets(%dma_start3A_229 : memref<64xi32, #tpu.memory_space<vmem>>) semaphore(%arg15 : memref<!tpu.dma_semaphore, #tpu.memory_space<semaphore_mem>>)
        } else {
        }
      }
      %scan3A_75 = arith.constant 10 : i32
    }
    %scan3A_20 = arith.constant 4 : i32
    %barrier3A_21 = arith.constant 0 : index
    tpu.barrier barrier_id(%barrier3A_21)
    "tpu.region"() ({
      %run_scoped3A = tpu.sem_alloc : memref<!tpu.dma_semaphore, #tpu.memory_space<semaphore_mem>>
      %dma_start3A = arith.constant 0 : i32
      %dma_start3A_22 = tpu.memref_slice %arg5[%add3A_13, %mul3A_0, %dma_start3A] : memref<4x10240x128xf32, #tpu.memory_space<hbm>> -> memref<1x640x128xf32, #tpu.memory_space<hbm>>
      %dma_start3A_23 = tpu.memref_squeeze %dma_start3A_22 : memref<1x640x128xf32, #tpu.memory_space<hbm>> -> memref<640x128xf32, #tpu.memory_space<hbm>>
      %dma_start3A_24 = arith.constant 0 : i32
      %dma_start3A_25 = tpu.memref_slice %arg20[%mul3A_0, %dma_start3A_24] : memref<10240x128xf32, #tpu.memory_space<vmem_shared>> -> memref<640x128xf32, #tpu.memory_space<vmem_shared>>
      tpu.enqueue_dma source(%dma_start3A_25 : memref<640x128xf32, #tpu.memory_space<vmem_shared>>) target(%dma_start3A_23 : memref<640x128xf32, #tpu.memory_space<hbm>>) target_semaphore(%run_scoped3A : memref<!tpu.dma_semaphore, #tpu.memory_space<semaphore_mem>>)
      %dma_wait3A = arith.constant 0 : i32
      %dma_wait3A_26 = tpu.memref_slice %arg5[%add3A_13, %mul3A_0, %dma_wait3A] : memref<4x10240x128xf32, #tpu.memory_space<hbm>> -> memref<1x640x128xf32, #tpu.memory_space<hbm>>
      %dma_wait3A_27 = tpu.memref_squeeze %dma_wait3A_26 : memref<1x640x128xf32, #tpu.memory_space<hbm>> -> memref<640x128xf32, #tpu.memory_space<hbm>>
      %dma_wait3A_28 = arith.constant 0 : i32
      %dma_wait3A_29 = tpu.memref_slice %arg20[%mul3A_0, %dma_wait3A_28] : memref<10240x128xf32, #tpu.memory_space<vmem_shared>> -> memref<640x128xf32, #tpu.memory_space<vmem_shared>>
      tpu.wait_dma2 semaphore(%run_scoped3A : memref<!tpu.dma_semaphore, #tpu.memory_space<semaphore_mem>>) src(%dma_wait3A_29 : memref<640x128xf32, #tpu.memory_space<vmem_shared>>) dst(%dma_wait3A_27 : memref<640x128xf32, #tpu.memory_space<hbm>>)
      tpu.yield
    }) : () -> ()
    return
  }
}

module attributes {stable_mosaic.version = 14 : i64} {
  func.func @_mm1_body(%arg0: i32, %arg1: memref<1024x256xf32, #tpu.memory_space<vmem>>, %arg2: memref<256x512xbf16, #tpu.memory_space<vmem>>, %arg3: memref<1024x1xf32, #tpu.memory_space<vmem>>, %arg4: memref<4x1024x128xf32, #tpu.memory_space<vmem>>) attributes {dimension_semantics = [#tpu.dimension_semantics<arbitrary>], iteration_bounds = array<i64: 10>, scalar_prefetch = 0 : i64, scratch_operands = 0 : i64, tpu.core_type = #tpu.core_type<tc>, window_params = [{transform_indices = @transform_0, window_bounds = array<i64: 1024, 256>}, {pipeline_mode = #tpu.pipeline_mode<synchronous>, transform_indices = @transform_1, window_bounds = array<i64: 256, 512>}, {transform_indices = @transform_2, window_bounds = array<i64: 1024, 1>}, {transform_indices = @transform_3, window_bounds = array<i64: 4, 1024, 128>}]} {
    %get3A = arith.constant 0 : index
    %get3A_0 = arith.constant 0 : index
    %get3A_1 = vector.load %arg1[%get3A, %get3A_0] : memref<1024x256xf32, #tpu.memory_space<vmem>>, vector<1024x256xf32>
    %convert_element_type3A = arith.truncf %get3A_1 : vector<1024x256xf32> to vector<1024x256xbf16>
    %get3A_2 = arith.constant 0 : index
    %get3A_3 = arith.constant 0 : index
    %get3A_4 = vector.load %arg2[%get3A_2, %get3A_3] : memref<256x512xbf16, #tpu.memory_space<vmem>>, vector<256x512xbf16>
    %dot_general3A = arith.constant dense<0.000000e+00> : vector<1024x512xf32>
    %dot_general3A_5 = tpu.matmul %convert_element_type3A, %get3A_4, %dot_general3A {dimension_numbers = #tpu.dot_dimension_numbers<[1], [0], [0], [1], [0, 0, 1, 1], [], []>, transpose_lhs_hint = false} : vector<1024x256xbf16>, vector<256x512xbf16>, vector<1024x512xf32> -> vector<1024x512xf32>
    %get3A_6 = arith.constant 0 : index
    %get3A_7 = arith.constant 0 : index
    %get3A_8 = vector.load %arg3[%get3A_6, %get3A_7] : memref<1024x1xf32, #tpu.memory_space<vmem>>, vector<1024x1xf32>
    %add3A = arith.constant 1.000000e+00 : f32
    %add3A_9 = vector.broadcast %add3A : f32 to vector<1024x1xf32>
    %add3A_10 = arith.addf %get3A_8, %add3A_9 : vector<1024x1xf32>
    %rsqrt3A = math.rsqrt %add3A_10 : vector<1024x1xf32>
    %slice3A = vector.extract_strided_slice %dot_general3A_5 {offsets = [0, 0], sizes = [1024, 128], strides = [1, 1]} : vector<1024x512xf32> to vector<1024x128xf32>
    %mul3A = vector.broadcast %rsqrt3A : vector<1024x1xf32> to vector<1024x128xf32>
    %mul3A_11 = arith.mulf %mul3A, %slice3A : vector<1024x128xf32>
    %swap3A = arith.constant 0 : index
    %swap3A_12 = arith.constant 0 : index
    %swap3A_13 = arith.constant 0 : index
    %swap3A_14 = vector.load %arg4[%swap3A, %swap3A_12, %swap3A_13] : memref<4x1024x128xf32, #tpu.memory_space<vmem>>, vector<1x1024x128xf32>
    %swap3A_15 = vector.shape_cast %swap3A_14 : vector<1x1024x128xf32> to vector<1024x128xf32>
    %swap3A_16 = vector.shape_cast %mul3A_11 : vector<1024x128xf32> to vector<1x1024x128xf32>
    tpu.vector_store %arg4[%swap3A, %swap3A_12, %swap3A_13], %swap3A_16 {strides = array<i32>} : memref<4x1024x128xf32, #tpu.memory_space<vmem>>, vector<1x1024x128xf32>,
    %slice3A_17 = vector.extract_strided_slice %dot_general3A_5 {offsets = [0, 128], sizes = [1024, 128], strides = [1, 1]} : vector<1024x512xf32> to vector<1024x128xf32>
    %mul3A_18 = vector.broadcast %rsqrt3A : vector<1024x1xf32> to vector<1024x128xf32>
    %mul3A_19 = arith.mulf %mul3A_18, %slice3A_17 : vector<1024x128xf32>
    %swap3A_20 = arith.constant 1 : index
    %swap3A_21 = arith.constant 0 : index
    %swap3A_22 = arith.constant 0 : index
    %swap3A_23 = vector.load %arg4[%swap3A_20, %swap3A_21, %swap3A_22] : memref<4x1024x128xf32, #tpu.memory_space<vmem>>, vector<1x1024x128xf32>
    %swap3A_24 = vector.shape_cast %swap3A_23 : vector<1x1024x128xf32> to vector<1024x128xf32>
    %swap3A_25 = vector.shape_cast %mul3A_19 : vector<1024x128xf32> to vector<1x1024x128xf32>
    tpu.vector_store %arg4[%swap3A_20, %swap3A_21, %swap3A_22], %swap3A_25 {strides = array<i32>} : memref<4x1024x128xf32, #tpu.memory_space<vmem>>, vector<1x1024x128xf32>,
    %slice3A_26 = vector.extract_strided_slice %dot_general3A_5 {offsets = [0, 256], sizes = [1024, 128], strides = [1, 1]} : vector<1024x512xf32> to vector<1024x128xf32>
    %mul3A_27 = vector.broadcast %rsqrt3A : vector<1024x1xf32> to vector<1024x128xf32>
    %mul3A_28 = arith.mulf %mul3A_27, %slice3A_26 : vector<1024x128xf32>
    %swap3A_29 = arith.constant 2 : index
    %swap3A_30 = arith.constant 0 : index
    %swap3A_31 = arith.constant 0 : index
    %swap3A_32 = vector.load %arg4[%swap3A_29, %swap3A_30, %swap3A_31] : memref<4x1024x128xf32, #tpu.memory_space<vmem>>, vector<1x1024x128xf32>
    %swap3A_33 = vector.shape_cast %swap3A_32 : vector<1x1024x128xf32> to vector<1024x128xf32>
    %swap3A_34 = vector.shape_cast %mul3A_28 : vector<1024x128xf32> to vector<1x1024x128xf32>
    tpu.vector_store %arg4[%swap3A_29, %swap3A_30, %swap3A_31], %swap3A_34 {strides = array<i32>} : memref<4x1024x128xf32, #tpu.memory_space<vmem>>, vector<1x1024x128xf32>,
    %slice3A_35 = vector.extract_strided_slice %dot_general3A_5 {offsets = [0, 384], sizes = [1024, 128], strides = [1, 1]} : vector<1024x512xf32> to vector<1024x128xf32>
    %mul3A_36 = vector.broadcast %rsqrt3A : vector<1024x1xf32> to vector<1024x128xf32>
    %mul3A_37 = arith.mulf %mul3A_36, %slice3A_35 : vector<1024x128xf32>
    %swap3A_38 = arith.constant 3 : index
    %swap3A_39 = arith.constant 0 : index
    %swap3A_40 = arith.constant 0 : index
    %swap3A_41 = vector.load %arg4[%swap3A_38, %swap3A_39, %swap3A_40] : memref<4x1024x128xf32, #tpu.memory_space<vmem>>, vector<1x1024x128xf32>
    %swap3A_42 = vector.shape_cast %swap3A_41 : vector<1x1024x128xf32> to vector<1024x128xf32>
    %swap3A_43 = vector.shape_cast %mul3A_37 : vector<1024x128xf32> to vector<1x1024x128xf32>
    tpu.vector_store %arg4[%swap3A_38, %swap3A_39, %swap3A_40], %swap3A_43 {strides = array<i32>} : memref<4x1024x128xf32, #tpu.memory_space<vmem>>, vector<1x1024x128xf32>,
    return
  }
  func.func @transform_0(%arg0: i32) -> (i32, i32) {
    %c0_i32 = arith.constant 0 : i32
    %c0_i32_0 = arith.constant 0 : i32
    return %arg0, %c0_i32 : i32, i32
  }
  func.func @transform_1(%arg0: i32) -> (i32, i32) {
    %c0_i32 = arith.constant 0 : i32
    %c0_i32_0 = arith.constant 0 : i32
    %c0_i32_1 = arith.constant 0 : i32
    return %c0_i32, %c0_i32_0 : i32, i32
  }
  func.func @transform_2(%arg0: i32) -> (i32, i32) {
    %c0_i32 = arith.constant 0 : i32
    %c0_i32_0 = arith.constant 0 : i32
    return %arg0, %c0_i32 : i32, i32
  }
  func.func @transform_3(%arg0: i32) -> (i32, i32, i32) {
    %c0_i32 = arith.constant 0 : i32
    %c0_i32_0 = arith.constant 0 : i32
    %c0_i32_1 = arith.constant 0 : i32
    return %c0_i32, %arg0, %c0_i32_0 : i32, i32, i32
  }
}

module attributes {stable_mosaic.version = 14 : i64} {
  func.func @_mm2_body(%arg0: i32, %arg1: i32, %arg2: memref<4x1024x128xf32, #tpu.memory_space<vmem>>, %arg3: memref<1024x1xf32, #tpu.memory_space<vmem>>, %arg4: memref<4x1x128xf32, #tpu.memory_space<vmem>>, %arg5: memref<1x4x128x128xbf16, #tpu.memory_space<vmem>>, %arg6: memref<1x1024x128xf32, #tpu.memory_space<vmem>>) attributes {dimension_semantics = [#tpu.dimension_semantics<arbitrary>, #tpu.dimension_semantics<arbitrary>], iteration_bounds = array<i64: 10, 2>, scalar_prefetch = 0 : i64, scratch_operands = 0 : i64, tpu.core_type = #tpu.core_type<tc>, window_params = [{transform_indices = @transform_0, window_bounds = array<i64: 4, 1024, 128>}, {transform_indices = @transform_1, window_bounds = array<i64: 1024, 1>}, {pipeline_mode = #tpu.pipeline_mode<synchronous>, transform_indices = @transform_2, window_bounds = array<i64: 4, 1, 128>}, {transform_indices = @transform_3, window_bounds = array<i64: 1, 4, 128, 128>}, {transform_indices = @transform_4, window_bounds = array<i64: 1, 1024, 128>}]} {
    %get3A = arith.constant 0 : index
    %get3A_0 = arith.constant 0 : index
    %get3A_1 = vector.load %arg3[%get3A, %get3A_0] : memref<1024x1xf32, #tpu.memory_space<vmem>>, vector<1024x1xf32>
    %add3A = arith.constant 1.000000e+00 : f32
    %add3A_2 = vector.broadcast %add3A : f32 to vector<1024x1xf32>
    %add3A_3 = arith.addf %get3A_1, %add3A_2 : vector<1024x1xf32>
    %rsqrt3A = math.rsqrt %add3A_3 : vector<1024x1xf32>
    %broadcast_in_dim3A = arith.constant 0.000000e+00 : f32
    %broadcast_in_dim3A_4 = vector.broadcast %broadcast_in_dim3A : f32 to vector<1024x128xf32>
    %get3A_5 = arith.constant 0 : index
    %get3A_6 = arith.constant 0 : index
    %get3A_7 = arith.constant 0 : index
    %get3A_8 = vector.load %arg2[%get3A_5, %get3A_6, %get3A_7] : memref<4x1024x128xf32, #tpu.memory_space<vmem>>, vector<1x1024x128xf32>
    %get3A_9 = vector.shape_cast %get3A_8 : vector<1x1024x128xf32> to vector<1024x128xf32>
    %mul3A = vector.broadcast %rsqrt3A : vector<1024x1xf32> to vector<1024x128xf32>
    %mul3A_10 = arith.mulf %mul3A, %get3A_9 : vector<1024x128xf32>
    %get3A_11 = arith.constant 0 : index
    %get3A_12 = arith.constant 0 : index
    %get3A_13 = arith.constant 0 : index
    %get3A_14 = vector.load %arg4[%get3A_11, %get3A_12, %get3A_13] : memref<4x1x128xf32, #tpu.memory_space<vmem>>, vector<1x1x128xf32>
    %get3A_15 = vector.shape_cast %get3A_14 : vector<1x1x128xf32> to vector<128xf32>
    %broadcast_in_dim3A_16 = vector.shape_cast %get3A_15 : vector<128xf32> to vector<1x128xf32>
    %add3A_17 = vector.broadcast %broadcast_in_dim3A_16 : vector<1x128xf32> to vector<1024x128xf32>
    %add3A_18 = arith.addf %mul3A_10, %add3A_17 : vector<1024x128xf32>
    %max3A = arith.constant 0.000000e+00 : f32
    %max3A_19 = vector.broadcast %max3A : f32 to vector<1024x128xf32>
    %max3A_20 = arith.maximumf %add3A_18, %max3A_19 : vector<1024x128xf32>
    %convert_element_type3A = arith.truncf %max3A_20 : vector<1024x128xf32> to vector<1024x128xbf16>
    %get3A_21 = arith.constant 0 : index
    %get3A_22 = arith.constant 0 : index
    %get3A_23 = arith.constant 0 : index
    %get3A_24 = arith.constant 0 : index
    %get3A_25 = vector.load %arg5[%get3A_21, %get3A_22, %get3A_23, %get3A_24] : memref<1x4x128x128xbf16, #tpu.memory_space<vmem>>, vector<1x1x128x128xbf16>
    %get3A_26 = vector.shape_cast %get3A_25 : vector<1x1x128x128xbf16> to vector<128x128xbf16>
    %dot_general3A = arith.constant dense<0.000000e+00> : vector<1024x128xf32>
    %dot_general3A_27 = tpu.matmul %convert_element_type3A, %get3A_26, %dot_general3A {dimension_numbers = #tpu.dot_dimension_numbers<[1], [0], [0], [1], [0, 0, 1, 1], [], []>, transpose_lhs_hint = false} : vector<1024x128xbf16>, vector<128x128xbf16>, vector<1024x128xf32> -> vector<1024x128xf32>
    %add3A_28 = arith.addf %broadcast_in_dim3A_4, %dot_general3A_27 : vector<1024x128xf32>
    %get3A_29 = arith.constant 1 : index
    %get3A_30 = arith.constant 0 : index
    %get3A_31 = arith.constant 0 : index
    %get3A_32 = vector.load %arg2[%get3A_29, %get3A_30, %get3A_31] : memref<4x1024x128xf32, #tpu.memory_space<vmem>>, vector<1x1024x128xf32>
    %get3A_33 = vector.shape_cast %get3A_32 : vector<1x1024x128xf32> to vector<1024x128xf32>
    %mul3A_34 = vector.broadcast %rsqrt3A : vector<1024x1xf32> to vector<1024x128xf32>
    %mul3A_35 = arith.mulf %mul3A_34, %get3A_33 : vector<1024x128xf32>
    %get3A_36 = arith.constant 1 : index
    %get3A_37 = arith.constant 0 : index
    %get3A_38 = arith.constant 0 : index
    %get3A_39 = vector.load %arg4[%get3A_36, %get3A_37, %get3A_38] : memref<4x1x128xf32, #tpu.memory_space<vmem>>, vector<1x1x128xf32>
    %get3A_40 = vector.shape_cast %get3A_39 : vector<1x1x128xf32> to vector<128xf32>
    %broadcast_in_dim3A_41 = vector.shape_cast %get3A_40 : vector<128xf32> to vector<1x128xf32>
    %add3A_42 = vector.broadcast %broadcast_in_dim3A_41 : vector<1x128xf32> to vector<1024x128xf32>
    %add3A_43 = arith.addf %mul3A_35, %add3A_42 : vector<1024x128xf32>
    %max3A_44 = arith.constant 0.000000e+00 : f32
    %max3A_45 = vector.broadcast %max3A_44 : f32 to vector<1024x128xf32>
    %max3A_46 = arith.maximumf %add3A_43, %max3A_45 : vector<1024x128xf32>
    %convert_element_type3A_47 = arith.truncf %max3A_46 : vector<1024x128xf32> to vector<1024x128xbf16>
    %get3A_48 = arith.constant 0 : index
    %get3A_49 = arith.constant 1 : index
    %get3A_50 = arith.constant 0 : index
    %get3A_51 = arith.constant 0 : index
    %get3A_52 = vector.load %arg5[%get3A_48, %get3A_49, %get3A_50, %get3A_51] : memref<1x4x128x128xbf16, #tpu.memory_space<vmem>>, vector<1x1x128x128xbf16>
    %get3A_53 = vector.shape_cast %get3A_52 : vector<1x1x128x128xbf16> to vector<128x128xbf16>
    %dot_general3A_54 = arith.constant dense<0.000000e+00> : vector<1024x128xf32>
    %dot_general3A_55 = tpu.matmul %convert_element_type3A_47, %get3A_53, %dot_general3A_54 {dimension_numbers = #tpu.dot_dimension_numbers<[1], [0], [0], [1], [0, 0, 1, 1], [], []>, transpose_lhs_hint = false} : vector<1024x128xbf16>, vector<128x128xbf16>, vector<1024x128xf32> -> vector<1024x128xf32>
    %add3A_56 = arith.addf %add3A_28, %dot_general3A_55 : vector<1024x128xf32>
    %get3A_57 = arith.constant 2 : index
    %get3A_58 = arith.constant 0 : index
    %get3A_59 = arith.constant 0 : index
    %get3A_60 = vector.load %arg2[%get3A_57, %get3A_58, %get3A_59] : memref<4x1024x128xf32, #tpu.memory_space<vmem>>, vector<1x1024x128xf32>
    %get3A_61 = vector.shape_cast %get3A_60 : vector<1x1024x128xf32> to vector<1024x128xf32>
    %mul3A_62 = vector.broadcast %rsqrt3A : vector<1024x1xf32> to vector<1024x128xf32>
    %mul3A_63 = arith.mulf %mul3A_62, %get3A_61 : vector<1024x128xf32>
    %get3A_64 = arith.constant 2 : index
    %get3A_65 = arith.constant 0 : index
    %get3A_66 = arith.constant 0 : index
    %get3A_67 = vector.load %arg4[%get3A_64, %get3A_65, %get3A_66] : memref<4x1x128xf32, #tpu.memory_space<vmem>>, vector<1x1x128xf32>
    %get3A_68 = vector.shape_cast %get3A_67 : vector<1x1x128xf32> to vector<128xf32>
    %broadcast_in_dim3A_69 = vector.shape_cast %get3A_68 : vector<128xf32> to vector<1x128xf32>
    %add3A_70 = vector.broadcast %broadcast_in_dim3A_69 : vector<1x128xf32> to vector<1024x128xf32>
    %add3A_71 = arith.addf %mul3A_63, %add3A_70 : vector<1024x128xf32>
    %max3A_72 = arith.constant 0.000000e+00 : f32
    %max3A_73 = vector.broadcast %max3A_72 : f32 to vector<1024x128xf32>
    %max3A_74 = arith.maximumf %add3A_71, %max3A_73 : vector<1024x128xf32>
    %convert_element_type3A_75 = arith.truncf %max3A_74 : vector<1024x128xf32> to vector<1024x128xbf16>
    %get3A_76 = arith.constant 0 : index
    %get3A_77 = arith.constant 2 : index
    %get3A_78 = arith.constant 0 : index
    %get3A_79 = arith.constant 0 : index
    %get3A_80 = vector.load %arg5[%get3A_76, %get3A_77, %get3A_78, %get3A_79] : memref<1x4x128x128xbf16, #tpu.memory_space<vmem>>, vector<1x1x128x128xbf16>
    %get3A_81 = vector.shape_cast %get3A_80 : vector<1x1x128x128xbf16> to vector<128x128xbf16>
    %dot_general3A_82 = arith.constant dense<0.000000e+00> : vector<1024x128xf32>
    %dot_general3A_83 = tpu.matmul %convert_element_type3A_75, %get3A_81, %dot_general3A_82 {dimension_numbers = #tpu.dot_dimension_numbers<[1], [0], [0], [1], [0, 0, 1, 1], [], []>, transpose_lhs_hint = false} : vector<1024x128xbf16>, vector<128x128xbf16>, vector<1024x128xf32> -> vector<1024x128xf32>
    %add3A_84 = arith.addf %add3A_56, %dot_general3A_83 : vector<1024x128xf32>
    %get3A_85 = arith.constant 3 : index
    %get3A_86 = arith.constant 0 : index
    %get3A_87 = arith.constant 0 : index
    %get3A_88 = vector.load %arg2[%get3A_85, %get3A_86, %get3A_87] : memref<4x1024x128xf32, #tpu.memory_space<vmem>>, vector<1x1024x128xf32>
    %get3A_89 = vector.shape_cast %get3A_88 : vector<1x1024x128xf32> to vector<1024x128xf32>
    %mul3A_90 = vector.broadcast %rsqrt3A : vector<1024x1xf32> to vector<1024x128xf32>
    %mul3A_91 = arith.mulf %mul3A_90, %get3A_89 : vector<1024x128xf32>
    %get3A_92 = arith.constant 3 : index
    %get3A_93 = arith.constant 0 : index
    %get3A_94 = arith.constant 0 : index
    %get3A_95 = vector.load %arg4[%get3A_92, %get3A_93, %get3A_94] : memref<4x1x128xf32, #tpu.memory_space<vmem>>, vector<1x1x128xf32>
    %get3A_96 = vector.shape_cast %get3A_95 : vector<1x1x128xf32> to vector<128xf32>
    %broadcast_in_dim3A_97 = vector.shape_cast %get3A_96 : vector<128xf32> to vector<1x128xf32>
    %add3A_98 = vector.broadcast %broadcast_in_dim3A_97 : vector<1x128xf32> to vector<1024x128xf32>
    %add3A_99 = arith.addf %mul3A_91, %add3A_98 : vector<1024x128xf32>
    %max3A_100 = arith.constant 0.000000e+00 : f32
    %max3A_101 = vector.broadcast %max3A_100 : f32 to vector<1024x128xf32>
    %max3A_102 = arith.maximumf %add3A_99, %max3A_101 : vector<1024x128xf32>
    %convert_element_type3A_103 = arith.truncf %max3A_102 : vector<1024x128xf32> to vector<1024x128xbf16>
    %get3A_104 = arith.constant 0 : index
    %get3A_105 = arith.constant 3 : index
    %get3A_106 = arith.constant 0 : index
    %get3A_107 = arith.constant 0 : index
    %get3A_108 = vector.load %arg5[%get3A_104, %get3A_105, %get3A_106, %get3A_107] : memref<1x4x128x128xbf16, #tpu.memory_space<vmem>>, vector<1x1x128x128xbf16>
    %get3A_109 = vector.shape_cast %get3A_108 : vector<1x1x128x128xbf16> to vector<128x128xbf16>
    %dot_general3A_110 = arith.constant dense<0.000000e+00> : vector<1024x128xf32>
    %dot_general3A_111 = tpu.matmul %convert_element_type3A_103, %get3A_109, %dot_general3A_110 {dimension_numbers = #tpu.dot_dimension_numbers<[1], [0], [0], [1], [0, 0, 1, 1], [], []>, transpose_lhs_hint = false} : vector<1024x128xbf16>, vector<128x128xbf16>, vector<1024x128xf32> -> vector<1024x128xf32>
    %add3A_112 = arith.addf %add3A_84, %dot_general3A_111 : vector<1024x128xf32>
    %mul3A_113 = vector.broadcast %rsqrt3A : vector<1024x1xf32> to vector<1024x128xf32>
    %mul3A_114 = arith.mulf %mul3A_113, %add3A_112 : vector<1024x128xf32>
    %swap3A = arith.constant 0 : index
    %swap3A_115 = arith.constant 0 : index
    %swap3A_116 = arith.constant 0 : index
    %swap3A_117 = vector.load %arg6[%swap3A, %swap3A_115, %swap3A_116] : memref<1x1024x128xf32, #tpu.memory_space<vmem>>, vector<1x1024x128xf32>
    %swap3A_118 = vector.shape_cast %swap3A_117 : vector<1x1024x128xf32> to vector<1024x128xf32>
    %swap3A_119 = vector.shape_cast %mul3A_114 : vector<1024x128xf32> to vector<1x1024x128xf32>
    tpu.vector_store %arg6[%swap3A, %swap3A_115, %swap3A_116], %swap3A_119 {strides = array<i32>} : memref<1x1024x128xf32, #tpu.memory_space<vmem>>, vector<1x1024x128xf32>,
    return
  }
  func.func @transform_0(%arg0: i32, %arg1: i32) -> (i32, i32, i32) {
    %c0_i32 = arith.constant 0 : i32
    %c0_i32_0 = arith.constant 0 : i32
    %c0_i32_1 = arith.constant 0 : i32
    return %c0_i32, %arg0, %c0_i32_0 : i32, i32, i32
  }
  func.func @transform_1(%arg0: i32, %arg1: i32) -> (i32, i32) {
    %c0_i32 = arith.constant 0 : i32
    %c0_i32_0 = arith.constant 0 : i32
    return %arg0, %c0_i32 : i32, i32
  }
  func.func @transform_2(%arg0: i32, %arg1: i32) -> (i32, i32, i32) {
    %c0_i32 = arith.constant 0 : i32
    %c0_i32_0 = arith.constant 0 : i32
    %c0_i32_1 = arith.constant 0 : i32
    %c0_i32_2 = arith.constant 0 : i32
    return %c0_i32, %c0_i32_0, %c0_i32_1 : i32, i32, i32
  }
  func.func @transform_3(%arg0: i32, %arg1: i32) -> (i32, i32, i32, i32) {
    %c0_i32 = arith.constant 0 : i32
    %c0_i32_0 = arith.constant 0 : i32
    %c0_i32_1 = arith.constant 0 : i32
    %c0_i32_2 = arith.constant 0 : i32
    return %arg1, %c0_i32, %c0_i32_0, %c0_i32_1 : i32, i32, i32, i32
  }
  func.func @transform_4(%arg0: i32, %arg1: i32) -> (i32, i32, i32) {
    %c0_i32 = arith.constant 0 : i32
    %c0_i32_0 = arith.constant 0 : i32
    return %arg1, %arg0, %c0_i32 : i32, i32, i32
  }
}

module attributes {stable_mosaic.version = 14 : i64} {
  func.func @_fin_body(%arg0: i32, %arg1: memref<2x400x128xf32, #tpu.memory_space<vmem>>, %arg2: memref<400x1xf32, #tpu.memory_space<vmem>>, %arg3: memref<2x1x128xf32, #tpu.memory_space<vmem>>, %arg4: memref<400x256xf32, #tpu.memory_space<vmem>>) attributes {dimension_semantics = [#tpu.dimension_semantics<arbitrary>], iteration_bounds = array<i64: 25>, scalar_prefetch = 0 : i64, scratch_operands = 0 : i64, tpu.core_type = #tpu.core_type<tc>, window_params = [{transform_indices = @transform_0, window_bounds = array<i64: 2, 400, 128>}, {transform_indices = @transform_1, window_bounds = array<i64: 400, 1>}, {pipeline_mode = #tpu.pipeline_mode<synchronous>, transform_indices = @transform_2, window_bounds = array<i64: 2, 1, 128>}, {transform_indices = @transform_3, window_bounds = array<i64: 400, 256>}]} {
    %get3A = arith.constant 0 : index
    %get3A_0 = arith.constant 0 : index
    %get3A_1 = vector.load %arg2[%get3A, %get3A_0] : memref<400x1xf32, #tpu.memory_space<vmem>>, vector<400x1xf32>
    %add3A = arith.constant 1.000000e+00 : f32
    %add3A_2 = vector.broadcast %add3A : f32 to vector<400x1xf32>
    %add3A_3 = arith.addf %get3A_1, %add3A_2 : vector<400x1xf32>
    %rsqrt3A = math.rsqrt %add3A_3 : vector<400x1xf32>
    %get3A_4 = arith.constant 0 : index
    %get3A_5 = arith.constant 0 : index
    %get3A_6 = arith.constant 0 : index
    %get3A_7 = vector.load %arg1[%get3A_4, %get3A_5, %get3A_6] : memref<2x400x128xf32, #tpu.memory_space<vmem>>, vector<1x400x128xf32>
    %get3A_8 = vector.shape_cast %get3A_7 : vector<1x400x128xf32> to vector<400x128xf32>
    %mul3A = vector.broadcast %rsqrt3A : vector<400x1xf32> to vector<400x128xf32>
    %mul3A_9 = arith.mulf %mul3A, %get3A_8 : vector<400x128xf32>
    %get3A_10 = arith.constant 0 : index
    %get3A_11 = arith.constant 0 : index
    %get3A_12 = arith.constant 0 : index
    %get3A_13 = vector.load %arg3[%get3A_10, %get3A_11, %get3A_12] : memref<2x1x128xf32, #tpu.memory_space<vmem>>, vector<1x1x128xf32>
    %get3A_14 = vector.shape_cast %get3A_13 : vector<1x1x128xf32> to vector<128xf32>
    %broadcast_in_dim3A = vector.shape_cast %get3A_14 : vector<128xf32> to vector<1x128xf32>
    %add3A_15 = vector.broadcast %broadcast_in_dim3A : vector<1x128xf32> to vector<400x128xf32>
    %add3A_16 = arith.addf %mul3A_9, %add3A_15 : vector<400x128xf32>
    %swap3A = arith.constant 0 : index
    %swap3A_17 = arith.constant 0 : index
    %swap3A_18 = vector.load %arg4[%swap3A, %swap3A_17] : memref<400x256xf32, #tpu.memory_space<vmem>>, vector<400x128xf32>
    tpu.vector_store %arg4[%swap3A, %swap3A_17], %add3A_16 {strides = array<i32>} : memref<400x256xf32, #tpu.memory_space<vmem>>, vector<400x128xf32>,
    %get3A_19 = arith.constant 1 : index
    %get3A_20 = arith.constant 0 : index
    %get3A_21 = arith.constant 0 : index
    %get3A_22 = vector.load %arg1[%get3A_19, %get3A_20, %get3A_21] : memref<2x400x128xf32, #tpu.memory_space<vmem>>, vector<1x400x128xf32>
    %get3A_23 = vector.shape_cast %get3A_22 : vector<1x400x128xf32> to vector<400x128xf32>
    %mul3A_24 = vector.broadcast %rsqrt3A : vector<400x1xf32> to vector<400x128xf32>
    %mul3A_25 = arith.mulf %mul3A_24, %get3A_23 : vector<400x128xf32>
    %get3A_26 = arith.constant 1 : index
    %get3A_27 = arith.constant 0 : index
    %get3A_28 = arith.constant 0 : index
    %get3A_29 = vector.load %arg3[%get3A_26, %get3A_27, %get3A_28] : memref<2x1x128xf32, #tpu.memory_space<vmem>>, vector<1x1x128xf32>
    %get3A_30 = vector.shape_cast %get3A_29 : vector<1x1x128xf32> to vector<128xf32>
    %broadcast_in_dim3A_31 = vector.shape_cast %get3A_30 : vector<128xf32> to vector<1x128xf32>
    %add3A_32 = vector.broadcast %broadcast_in_dim3A_31 : vector<1x128xf32> to vector<400x128xf32>
    %add3A_33 = arith.addf %mul3A_25, %add3A_32 : vector<400x128xf32>
    %swap3A_34 = arith.constant 0 : index
    %swap3A_35 = arith.constant 128 : index
    %swap3A_36 = vector.load %arg4[%swap3A_34, %swap3A_35] : memref<400x256xf32, #tpu.memory_space<vmem>>, vector<400x128xf32>
    tpu.vector_store %arg4[%swap3A_34, %swap3A_35], %add3A_33 {strides = array<i32>} : memref<400x256xf32, #tpu.memory_space<vmem>>, vector<400x128xf32>,
    return
  }
  func.func @transform_0(%arg0: i32) -> (i32, i32, i32) {
    %c0_i32 = arith.constant 0 : i32
    %c0_i32_0 = arith.constant 0 : i32
    %c0_i32_1 = arith.constant 0 : i32
    return %c0_i32, %arg0, %c0_i32_0 : i32, i32, i32
  }
  func.func @transform_1(%arg0: i32) -> (i32, i32) {
    %c0_i32 = arith.constant 0 : i32
    %c0_i32_0 = arith.constant 0 : i32
    return %arg0, %c0_i32 : i32, i32
  }
  func.func @transform_2(%arg0: i32) -> (i32, i32, i32) {
    %c0_i32 = arith.constant 0 : i32
    %c0_i32_0 = arith.constant 0 : i32
    %c0_i32_1 = arith.constant 0 : i32
    %c0_i32_2 = arith.constant 0 : i32
    return %c0_i32, %c0_i32_0, %c0_i32_1 : i32, i32, i32
  }
  func.func @transform_3(%arg0: i32) -> (i32, i32) {
    %c0_i32 = arith.constant 0 : i32
    %c0_i32_0 = arith.constant 0 : i32
    return %arg0, %c0_i32 : i32, i32
  }
}

</mosaic_0001>

<sc_bundles>
// kernel: _run.11.cloned.1.call-start
scs
__scs_entry_jumppad:
0x0: {  	(pc) =	sbr.rel $0x88, $3  }
0x1: {  	(tag) =	ssettag $0x0;
	lr =	simm.s32 $0x1  }
0x2: {  	[smem:$0x3F9B] =	sst lr;
	_ =	strace $0xD0000000  }
0x3: {  	_ = 	snop  }
0x4: {  	_ = 	snop  }
0x5: {  	_ = 	snop  }
0x6: {  	_ = 	snop  }
0x7: {  	_ = 	snop  }
__scs_overlays_trampoline_lowered:
0x8: {  	[smem:$0x3FAA] =	sst s0  }
0x9: {  	[smem:$0x3FAB] =	sst s1  }
0xa: {  	[smem:$0x3FAC] =	sst s2  }
0xb: {  	[smem:$0x3FAD] =	sst s3  }
0xc: {  	[smem:$0x3FAE] =	sst s4  }
0xd: {  	[smem:$0x3FAF] =	sst s5  }
0xe: {  	[smem:$0x3FB0] =	sst s6  }
0xf: {  	[smem:$0x3FB1] =	sst s7  }
0x10: {  	[smem:$0x3FB2] =	sst s8  }
0x11: {  	[smem:$0x3FB3] =	sst s9;
	s0 =	simm.s32 @!p0 $0x0  }
0x12: {  	s1 =	sld [smem:$0x3F99];
	s0 =	simm.s32 @p0 $0x1  }
0x13: {  	[smem:$0x3FB4] =	sst s0;
	s0 =	simm.s32 @!p1 $0x0  }
0x14: {  	s2 =	sld [smem:$0x3F98];
	s0 =	simm.s32 @p1 $0x1  }
0x15: {  	[smem:$0x3FB5] =	sst s0;
	s0 =	simm.s32 @!p2 $0x0  }
0x16: {  	s3 =	sld [smem:$0x3FDB];
	s0 =	simm.s32 @p2 $0x1  }
0x17: {  	s4 =	simm.s32 $0x1BF5;
	[smem:$0x3FB7] =	sst s0  }
0x18: {  	s0 =	sld [smem:$0x3F9A];
	_ =	swait.ge [sflag:s4], $0x0  }
0x19: {  	s7 =	sld [smem:$0x3F9B]  }
0x1a: {  	s8 =	sadd.s32 $0xFFFFE003, lr  }
0x1b: {  	s9 =	sadd.s32 $0xFFFFFEF7, lr;
	s5 =	simm.s32 $0xFFFFFFFF;
	p2 =	slt.u32 s8, $0xFFFFF086  }
0x1c: {  	p1 =	slt.u32 s9, $0xF7A;
	s5 =	simm.s32 @!p2 $0x0  }
0x1d: {  	s5 =	simm.s32 @p1 $0x1;
	p0 =	seq.s32 s7, s2  }
0x1e: {  	s7 =	smul.u32 @!p0 $0xF7A, s2;
	p2 =	seq.s32 @!p0 s5, $0x0  }
0x1f: {  	s9 =	smul.u32 $0xF7A, s1;
	s8 =	simm.s32 @!p0 $0x1BF5;
	p2 =	por !p2, p0  }
0x20: {  	[sflag:s8] =	ssyncset.s32 @!p0 $0xFFFFF086;
	s6 =	sadd.s32 @!p0 s3, s7;
	s7 =	simm.s32 @!p0 $0x108  }
0x21: {  	s3 =	sadd.s32 s3, s9;
	s6 =	sadd.s32 @!p0 $0x88, s6;
	s7 =	simm.s32 @p2 $0x1082  }
0x22: {  	[simem:s7], [sflag:s8] =	dma.local @!p0 [hbm:s6], $0xF7A  }
0x23: {  	s9 =	sor.u32 $0xD0000000, s2;
	s6 =	simm.s32 $0x108;
	_ =	swait.ge @!p0 [sflag:s8], $0x0  }
0x24: {  	s3 =	sadd.s32 $0x88, s3;
	s6 =	simm.s32 @!p1 $0x1082;
	[sflag:s4] =	ssyncset.s32 $0xFFFFF086  }
0x25: {  	[simem:s6], [sflag:s4] =	dma.local [hbm:s3], $0xF7A  }
0x26: {  	[smem:$0x3F9B] =	sst s1;
	(tag) =	ssettag s2;
	_ =	strace s9  }
0x27: {  	s1 =	sld [smem:$0x3FAB]  }
0x28: {  	s2 =	sld [smem:$0x3FAC]  }
0x29: {  	s4 =	sld [smem:$0x3FAE]  }
0x2a: {  	p0 =	seq.s32 s5, $0x0;
	s5 =	sld [smem:$0x3FAF]  }
0x2b: {  	s6 =	sld [smem:$0x3FB0]  }
0x2c: {  	s7 =	sld [smem:$0x3FB1]  }
0x2d: {  	s3 =	simm.s32 $0x108;
	s8 =	sld [smem:$0x3FB2]  }
0x2e: {  	s3 =	simm.s32 @!p0 $0x1082;
	s9 =	sld [smem:$0x3FB3]  }
0x2f: {  	lr =	sadd.s32 s0, s3;
	s0 =	sld [smem:$0x3FAA]  }
0x30: {  	s3 =	sld [smem:$0x3FAD]  }
0x31: {  	[smem:$0x3FB6] =	sst s10  }
0x32: {  	s10 =	sld [smem:$0x3FB4];
	_ =	sdelay $0x3  }
0x33: {  	p0 =	seq.s32 s10, $0x1;
	s10 =	sld [smem:$0x3FB6];
	_ =	sdelay $0x3  }
0x34: {  	[smem:$0x3FB6] =	sst s10  }
0x35: {  	s10 =	sld [smem:$0x3FB5];
	_ =	sdelay $0x3  }
0x36: {  	p1 =	seq.s32 s10, $0x1;
	s10 =	sld [smem:$0x3FB6];
	_ =	sdelay $0x3  }
0x37: {  	[smem:$0x3FB6] =	sst s10  }
0x38: {  	s10 =	sld [smem:$0x3FB7]  }
0x39: {  	_ = 	snop;
	(pc) =	sbr.ind lr, $3  }
0x3a: {  	_ = 	snop  }
0x3b: {  	_ = 	snop  }
0x3c: {  	p2 =	seq.s32 s10, $0x1;
	s10 =	sld [smem:$0x3FB6]  }
0x3d: {  	_ =	shalt  }
0x3e: {  	_ =	shalt  }
0x3f: {  	_ =	shalt  }
0x40: {  	_ =	shalt  }
0x41: {  	_ =	shalt  }
0x42: {  	_ =	shalt  }
0x43: {  	_ =	shalt  }
0x44: {  	_ =	shalt  }
0x45: {  	_ =	shalt  }
0x46: {  	_ =	shalt  }
0x47: {  	_ =	shalt  }
0x48: {  	_ =	shalt  }
0x49: {  	_ =	shalt  }
0x4a: {  	_ =	shalt  }
0x4b: {  	_ =	shalt  }
0x4c: {  	_ =	shalt  }
0x4d: {  	_ =	shalt  }
0x4e: {  	_ =	shalt  }
0x4f: {  	_ =	shalt  }
0x50: {  	_ =	shalt  }
0x51: {  	_ =	shalt  }
0x52: {  	_ =	shalt  }
0x53: {  	_ =	shalt  }
0x54: {  	_ =	shalt  }
0x55: {  	_ =	shalt  }
0x56: {  	_ =	shalt  }
0x57: {  	_ =	shalt  }
0x58: {  	_ =	shalt  }
0x59: {  	_ =	shalt  }
0x5a: {  	_ =	shalt  }
0x5b: {  	_ =	shalt  }
0x5c: {  	_ =	shalt  }
0x5d: {  	_ =	shalt  }
0x5e: {  	_ =	shalt  }
0x5f: {  	_ =	shalt  }
0x60: {  	_ =	shalt  }
0x61: {  	_ =	shalt  }
0x62: {  	_ =	shalt  }
0x63: {  	_ =	shalt  }
0x64: {  	_ =	shalt  }
0x65: {  	_ =	shalt  }
0x66: {  	_ =	shalt  }
0x67: {  	_ =	shalt  }
0x68: {  	_ =	shalt  }
0x69: {  	_ =	shalt  }
0x6a: {  	_ =	shalt  }
0x6b: {  	_ =	shalt  }
0x6c: {  	_ =	shalt  }
0x6d: {  	_ =	shalt  }
0x6e: {  	_ =	shalt  }
0x6f: {  	_ =	shalt  }
0x70: {  	_ =	shalt  }
0x71: {  	_ =	shalt  }
0x72: {  	_ =	shalt  }
0x73: {  	_ =	shalt  }
0x74: {  	_ =	shalt  }
0x75: {  	_ =	shalt  }
0x76: {  	_ =	shalt  }
0x77: {  	_ =	shalt  }
0x78: {  	_ =	shalt  }
0x79: {  	_ =	shalt  }
0x7a: {  	_ =	shalt  }
0x7b: {  	_ =	shalt  }
0x7c: {  	_ =	shalt  }
0x7d: {  	_ =	shalt  }
0x7e: {  	_ =	shalt  }
0x7f: {  	_ =	shalt  }
0x80: {  	_ =	shalt  }
0x81: {  	_ =	shalt  }
0x82: {  	_ =	shalt  }
0x83: {  	_ =	shalt  }
0x84: {  	_ =	shalt  }
0x85: {  	_ =	shalt  }
0x86: {  	_ =	shalt  }
0x87: {  	_ =	shalt  }
.Lfunc_end0:
.L_simem_size_0:
called_computation.1_lowered:
.L_overlay_start_0:
0x88: {  	s2 =	sld [smem:$0x3FD9]  }
0x89: {  	s3 =	sld [smem:$0x3FFE];
	_ =	sdelay $0x1  }
0x8a: {  	s1 =	srdreg.scid  }
0x8b: {  	s0 =	sand.u32 $0x1, s1  }
0x8c: {  	s17 =	sshll.u32 s0, $0xA;
	s2 =	sadd.s32 s3, s2  }
0x8d: {  	s2 =	sadd.s32 s2, s17  }
0x8e: {  	[smem:$0x3FC2] =	sst s2  }
0x8f: {  	_ = 	snop  }
0x90: {  	s2 =	sld [smem:$0x3FD0];
	(tm) =	ssettm $0x1  }
0x91: {  	s18 =	sld [smem:$0x3FFB];
	_ =	sdelay $0x3  }
0x92: {  	_ =	strace s18  }
0x93: {  	s3 =	sld [smem:$0x3FFC];
	_ =	sdelay $0x3  }
0x94: {  	_ =	strace s3  }
0x95: {  	s3 =	sld [smem:$0x3FFD];
	_ =	sdelay $0x3  }
0x96: {  	_ =	strace s3  }
0x97: {  	_ =	strace $0x8FFFFFFF  }
0x98: {  	s19 =	sld [smem:$0x3FDB];
	_ =	sdelay $0x1  }
0x99: {  	s4 =	simm.s32 $_scs_section_size  }
0x9a: {  	s5 =	simm.s32 $_size__tile_overlayer_lowered;
	s6 =	simm.s32 $_tile_overlayer_lowered  }
0x9b: {  	s22 =	simm.s32 $0x1BFF;
	s21 =	sshll.u32 s6, $0x1;
	s3 =	sadd.s32 s4, s19  }
0x9c: {  	s7 =	simm.s32 $0x0;
	s20 =	sshll.u32 s5, $0x1;
	s5 =	sadd.s32 s21, s3  }
0x9d: {  	[timem:s7], [sflag:s22] =	dma.local [hbm:s5], s20  }
0x9e: {  	_ =	swait.ge [sflag:s22], s20  }
0x9f: {  	s4 =	ssub.s32 $0x0, s20;
	[sflag:s22] =	ssyncset.done $0x0  }
0xa0: {  	[sflag:s22] =	ssyncadd.s32 s4;
	_ =	sdelay $0x1  }
0xa1: {  	s23 =	simm.s32 $0x1B8B  }
0xa2: {  	_ =	swait.ge [sflag:s23], $0x1  }
0xa3: {  	[sflag:s23] =	ssyncset.done $0x0  }
0xa4: {  	s25 =	simm.s32 $0x1B8E;
	s24 =	sld [smem:$0x3FFE];
	[sflag:s23] =	ssyncadd.s32 $0xFFFFFFFF  }
0xa5: {  	s26 =	simm.s32 $execute0_lowered;
	[smem:$0x3FD2] =	sst s25  }
0xa6: {  	s5 =	sshll.u32 s26, $0x1;
	_ =	strace $0x80000049;
	[dreg:$0x1] =	wrdreg $0xFFFFFFFF  }
0xa7: {  	s28 =	simm.s32 $_size_execute0_lowered;
	s3 =	sadd.s32 s3, s5;
	[dreg:$0x0] =	wrdreg $0x0  }
0xa8: {  	s5 =	sshll.u32 s28, $0x1;
	[dreg:$0x2] =	wrdreg s3  }
0xa9: {  	[dreg:$0x3] =	wrdreg s5  }
0xaa: {  	[dreg:$0x4] =	wrdreg $0xC0  }
0xab: {  	_ =	task [dreg:s7], $0x5FFFF  }
0xac: {  	[dreg:$0x1] =	wrdreg $0xFFFFFFFF  }
0xad: {  	[dreg:$0x0] =	wrdreg $0x60  }
0xae: {  	[dreg:$0x2] =	wrdreg s24  }
0xaf: {  	[dreg:$0x3] =	wrdreg s2  }
0xb0: {  	[dreg:$0x4] =	wrdreg $0xA8000  }
0xb1: {  	[dreg:$0x5] =	wrdreg $0x9  }
0xb2: {  	_ =	task.clear_ibuf [dreg:s7], $0x6FFFF;
	_ =	strace $0x90000049  }
0xb3: {  	s29 =	simm.s32 $0x9;
	_ =	strace $0x8000004B  }
0xb4: {  	_ =	swait.ge [sflag:s29], $0x1  }
0xb5: {  	[sflag:s29] =	ssyncadd.s32 $0xFFFFFFFF  }
0xb6: {  	_ =	strace $0x9000004B  }
0xb7: {  	_ =	sfence  }
0xb8: {  	s30 =	sld [smem:$0x0];
	_ =	sdelay $0x2  }
0xb9: {  	s31 =	sshll.u32 s1, $0xD;
	s1 =	sshrl.u32 s1, $0x2  }
0xba: {  	s3 =	sand.u32 $0x4000, s31;
	s1 =	sadd.s32 s1, s30  }
0xbb: {  	s0 =	sor.u32 s3, s0;
	s1 =	sshll.u32 s1, $0x11  }
0xbc: {  	s0 =	sor.u32 s1, s0  }
0xbd: {  	s0 =	sadd.s32 $0x8F2B, s0  }
0xbe: {  	[sflag:s0] =	ssyncadd.remote.s32 $0x1  }
0xbf: {  	_ =	sfence.sel $0xFFFF  }
0xc0: {  	[dreg:$0x0] =	wrdreg $0xFFFFFFFF;
	(pc) =	sbr.abs _section_cstart, $3  }
0xc1: {  	[dreg:$0x1] =	wrdreg $0xFFFFFFFF  }
0xc2: {  	_ =	task.clear_ibuf [dreg:s7], $0x2FFFF;
	_ =	strace $0x9FFFFFFF  }
0xc3: {  	(tm) =	ssettm $0x7FFFFFFF  }
tec
execute0_lowered:
.L_overlay_start_1:
0x0: {  	(tag) =	ssettag $0x1  }
0x1: {  	s0 =	rddreg [dreg:$0x0]  }
0x2: {  	s17 =	rddreg [dreg:$0x1]  }
0x3: {  	s2 =	rddreg [dreg:$0x2];
	s15 =	simm.s32 $0x0;
	s1 =	srdreg.scid  }
0x4: {  	s11 =	stileid.u32;
	s16 =	simm.s32 $0x9;
	s18 =	simm.s32 $0x40  }
0x5: {  	s19 =	simm.s32 $0x2800;
	s21 =	simm.s32 $0x4800;
	s28 =	simm.s32 $0x2  }
0x6: {  	s29 =	simm.s32 $0x3;
	s30 =	simm.s32 $0x4;
	s31 =	simm.s32 $0x5  }
0x7: {  	s13 =	simm.s32 $0x2700;
	s14 =	simm.s32 $0x2780;
	[smem:$0x7FF] =	sst s15  }
0x8: {  	s1 =	sand.u32 $0x1, s1;
	s4 =	sadd.s32 $0x11000, s0;
	s6 =	smul.u32 $0x14000, s11  }
0x9: {  	s5 =	sadd.s32 $0x7000, s0;
	s7 =	smul.u32 $0x50000, s11;
	s0 =	sadd.s32 $0xB1000, s0  }
0xa: {  	s23 =	sshll.u32 s11, $0x6;
	s3 =	smul.u32 $0x280000, s1;
	_ =	strace $0x8000004A  }
0xb: {  	s1 =	ssub.s32 $0x2, s1;
	s20 =	sor.u32 $0x1C09, s23;
	s23 =	simm.s32 $0x6800  }
0xc: {  	s8 =	sshrl.u32 s1, $0x1;
	s7 =	sshrl.u32 s7, $0x2;
	[dreg:$0x6] =	wrdreg s20  }
0xd: {  	s9 =	sadd.s32 s6, s3;
	s1 =	ssub.s32 s1, s8;
	s7 =	sadd.s32 s7, s2  }
0xe: {  	s24 =	sshrl.u32 s3, $0x3;
	s3 =	sadd.s32 $0x140000, s3;
	s8 =	smul.u32 $0x5000, s11  }
0xf: {  	s11 =	simm.s32 $0x2680;
	s10 =	sshrl.u32 s9, $0x3;
	s9 =	sadd.s32 s4, s24  }
0x10: {  	s6 =	sadd.s32 s6, s3;
	s3 =	sshrl.u32 s3, $0x3;
	s26 =	smax.u32 s1, $0x1  }
0x11: {  	s24 =	simm.s32 $0x180;
	s22 =	sadd.s32 s4, s10;
	s10 =	sadd.s32 s0, s10  }
0x12: {  	s6 =	sshrl.u32 s6, $0x3;
	s12 =	sadd.s32 s4, s3;
	[dreg:$0xa] =	wrdreg s26  }
0x13: {  	s26 =	simm.s32 $0x1;
	s3 =	simm.s32 $0x7;
	[dreg:$0x5] =	wrdreg s22  }
0x14: {  	[dreg:$0x7] =	wrdreg s10;
	s25 =	sadd.s32 s4, s6;
	s0 =	sadd.s32 s0, s6  }
0x15: {  	s4 =	sshrl.u32 s7, $0x3;
	s22 =	simm.s32 $0x100;
	[dreg:$0x8] =	wrdreg s25  }
0x16: {  	s6 =	simm.s32 $0x8;
	s10 =	simm.s32 $0x2600;
	[dreg:$0x9] =	wrdreg s0  }
0x17: {  	s25 =	simm.s32 $0x8800;
	s0 =	simm.s32 $0x6;
	[dreg:$0xb] =	wrdreg s4  }
.LBB2_1:
0x18: {  	[dreg:$0x4] =	wrdreg s15  }
0x19: {  	s1 =	rddreg [dreg:$0x5]  }
0x1a: {  	[spmem:s4], [sflag:s20] =	dma.local [hbm:s1], $0x2800  }
0x1b: {  	_ =	swait.ge [sflag:s16], $0x2800  }
0x1c: {  	[sflag:s16] =	ssyncset.done $0x0  }
0x1d: {  	[sflag:s16] =	ssyncadd.s32 $0xFFFFD800  }
0x1e: {  	s7 =	simm.s32 $0x0;
	[bflag:$0x0] =	sbarrier.arrive $0xFFFF  }
.LBB2_2:
0x1f: {  	s1 =	smul.u32 $0x1400, s7;
	_ =	sdelay $0x1  }
0x20: {  	s1 =	sadd.s32 s8, s1  }
0x21: {  	s1 =	sshrl.u32 s1, $0x3  }
0x22: {  	s15 =	simm.s32 $0x0;
	s4 =	sadd.s32 s17, s1  }
0x23: {  	[tilespmem:s15], [sflag:$0x9] =	stream.linear.gather [hbm4b:s4+s15], $0x1400, $0x38;
	[tilespmem:$0x1E800] =	vst v63  }
0x24: {  	_ =	swait.ge [sflag:s16], $0x1400  }
0x25: {  	[sflag:s16] =	ssyncset.done $0x0  }
0x26: {  	s1 =	sadd.s32 s5, s1;
	s4 =	simm.s32 $0x1400;
	[sflag:s16] =	ssyncadd.s32 $0xFFFFEC00  }
0x27: {  	[tilespmem:s4], [sflag:$0x9] =	stream.linear.gather [hbm4b:s1+s15], $0x1400, $0x38;
	[tilespmem:$0x1E800] =	vst v63  }
0x28: {  	_ =	swait.ge [sflag:s16], $0x1400  }
0x29: {  	[sflag:s16] =	ssyncset.done $0x0  }
0x2a: {  	[sflag:s16] =	ssyncadd.s32 $0xFFFFEC00  }
0x2b: {  	[tilespmem:s19], [sflag:$0x1] =	stream.indirect.gather [hbm4b:s9+s18], $0x80, s15, s18, $0xb8;
	[tilespmem:$0x1E800] =	vst v63  }
0x2c: {  	s4 =	simm.s32 $0x80  }
0x2d: {  	[tilespmem:s21], [sflag:$0x2] =	stream.indirect.gather [hbm4b:s9+s18], $0x80, s4, s18, $0xb8;
	[tilespmem:$0x1E800] =	vst v63  }
0x2e: {  	_ = 	snop  }
0x2f: {  	[tilespmem:s23], [sflag:$0x3] =	stream.indirect.gather [hbm4b:s9+s18], $0x80, s22, s18, $0xb8;
	[tilespmem:$0x1E800] =	vst v63  }
0x30: {  	_ = 	snop  }
0x31: {  	[tilespmem:s25], [sflag:$0x4] =	stream.indirect.gather [hbm4b:s9+s18], $0x80, s24, s18, $0xb8;
	[tilespmem:$0x1E800] =	vst v63  }
0x32: {  	_ =	swait.ge [sflag:s26], $0x2000  }
0x33: {  	[sflag:s26] =	ssyncset.done $0x0  }
0x34: {  	s15 =	simm.s32 $0x1400;
	[sflag:s26] =	ssyncadd.s32 $0xFFFFE000  }
0x35: {  	[spmem:s2] =	stream.indirect.scatter.add.f32 [tilespmem:s19], [sflag:$0x5], $0x80, s15, s18, $0xb8;
	[tilespmem:$0x1E800] =	vst v63  }
0x36: {  	_ =	swait.ge [sflag:s28], $0x2000  }
0x37: {  	[sflag:s28] =	ssyncset.done $0x0  }
0x38: {  	s4 =	simm.s32 $0x1480;
	[sflag:s28] =	ssyncadd.s32 $0xFFFFE000  }
0x39: {  	[spmem:s2] =	stream.indirect.scatter.add.f32 [tilespmem:s21], [sflag:$0x6], $0x80, s4, s18, $0xb8;
	[tilespmem:$0x1E800] =	vst v63  }
0x3a: {  	_ =	swait.ge [sflag:s29], $0x2000  }
0x3b: {  	[sflag:s29] =	ssyncset.done $0x0  }
0x3c: {  	s15 =	simm.s32 $0x1500;
	[sflag:s29] =	ssyncadd.s32 $0xFFFFE000  }
0x3d: {  	[spmem:s2] =	stream.indirect.scatter.add.f32 [tilespmem:s23], [sflag:$0x7], $0x80, s15, s18, $0xb8;
	[tilespmem:$0x1E800] =	vst v63  }
0x3e: {  	_ =	swait.ge [sflag:s30], $0x2000  }
0x3f: {  	[sflag:s30] =	ssyncset.done $0x0  }
0x40: {  	s4 =	simm.s32 $0x1580;
	[sflag:s30] =	ssyncadd.s32 $0xFFFFE000  }
0x41: {  	[spmem:s2] =	stream.indirect.scatter.add.f32 [tilespmem:s25], [sflag:$0x8], $0x80, s4, s18, $0xb8;
	[tilespmem:$0x1E800] =	vst v63  }
0x42: {  	_ =	swait.ge [sflag:s31], $0x2000  }
0x43: {  	[sflag:s31] =	ssyncset.done $0x0  }
0x44: {  	s15 =	simm.s32 $0x200;
	[sflag:s31] =	ssyncadd.s32 $0xFFFFE000  }
0x45: {  	[tilespmem:s19], [sflag:$0x1] =	stream.indirect.gather [hbm4b:s9+s18], $0x80, s15, s18, $0xb8;
	[tilespmem:$0x1E800] =	vst v63  }
0x46: {  	_ =	swait.ge [sflag:s0], $0x2000  }
0x47: {  	[sflag:s0] =	ssyncset.done $0x0  }
0x48: {  	s4 =	simm.s32 $0x280;
	[sflag:s0] =	ssyncadd.s32 $0xFFFFE000  }
0x49: {  	[tilespmem:s21], [sflag:$0x2] =	stream.indirect.gather [hbm4b:s9+s18], $0x80, s4, s18, $0xb8;
	[tilespmem:$0x1E800] =	vst v63  }
0x4a: {  	_ =	swait.ge [sflag:s3], $0x2000  }
0x4b: {  	[sflag:s3] =	ssyncset.done $0x0  }
0x4c: {  	s15 =	simm.s32 $0x300;
	[sflag:s3] =	ssyncadd.s32 $0xFFFFE000  }
0x4d: {  	[tilespmem:s23], [sflag:$0x3] =	stream.indirect.gather [hbm4b:s9+s18], $0x80, s15, s18, $0xb8;
	[tilespmem:$0x1E800] =	vst v63  }
0x4e: {  	_ =	swait.ge [sflag:s6], $0x2000  }
0x4f: {  	[sflag:s6] =	ssyncset.done $0x0  }
0x50: {  	s1 =	simm.s32 $0x380;
	s15 =	simm.s32 $0x800;
	[sflag:s6] =	ssyncadd.s32 $0xFFFFE000  }
.LBB2_3:
0x51: {  	[tilespmem:s25], [sflag:$0x4] =	stream.indirect.gather [hbm4b:s9+s18], $0x80, s1, s18, $0xb8;
	[tilespmem:$0x1E800] =	vst v63  }
0x52: {  	s1 =	smov.u32 s15  }
0x53: {  	p0 =	sne.s32 s15, $0x4000;
	s15 =	sadd.s32 $0x800, s15;
	_ =	swait.ge [sflag:s26], $0x2000  }
0x54: {  	s4 =	sshra.s32 s1, $0x2;
	[sflag:s26] =	ssyncset.done $0x0  }
0x55: {  	s1 =	sadd.s32 $0x1400, s4;
	[sflag:s26] =	ssyncadd.s32 $0xFFFFE000  }
0x56: {  	[spmem:s2] =	stream.indirect.scatter.add.f32 [tilespmem:s19], [sflag:$0x5], $0x80, s1, s18, $0xb8;
	[tilespmem:$0x1E800] =	vst v63  }
0x57: {  	_ =	swait.ge [sflag:s28], $0x2000  }
0x58: {  	[sflag:s28] =	ssyncset.done $0x0  }
0x59: {  	s1 =	sadd.s32 $0x1480, s4;
	[sflag:s28] =	ssyncadd.s32 $0xFFFFE000  }
0x5a: {  	[spmem:s2] =	stream.indirect.scatter.add.f32 [tilespmem:s21], [sflag:$0x6], $0x80, s1, s18, $0xb8;
	[tilespmem:$0x1E800] =	vst v63  }
0x5b: {  	_ =	swait.ge [sflag:s29], $0x2000  }
0x5c: {  	[sflag:s29] =	ssyncset.done $0x0  }
0x5d: {  	s1 =	sadd.s32 $0x1500, s4;
	[sflag:s29] =	ssyncadd.s32 $0xFFFFE000  }
0x5e: {  	[spmem:s2] =	stream.indirect.scatter.add.f32 [tilespmem:s23], [sflag:$0x7], $0x80, s1, s18, $0xb8;
	[tilespmem:$0x1E800] =	vst v63  }
0x5f: {  	_ =	swait.ge [sflag:s30], $0x2000  }
0x60: {  	[sflag:s30] =	ssyncset.done $0x0  }
0x61: {  	s1 =	sadd.s32 $0x1580, s4;
	[sflag:s30] =	ssyncadd.s32 $0xFFFFE000  }
0x62: {  	[spmem:s2] =	stream.indirect.scatter.add.f32 [tilespmem:s25], [sflag:$0x8], $0x80, s1, s18, $0xb8;
	[tilespmem:$0x1E800] =	vst v63  }
0x63: {  	_ =	swait.ge [sflag:s31], $0x2000  }
0x64: {  	[sflag:s31] =	ssyncset.done $0x0  }
0x65: {  	s1 =	sadd.s32 $0x200, s4;
	[sflag:s31] =	ssyncadd.s32 $0xFFFFE000  }
0x66: {  	[tilespmem:s19], [sflag:$0x1] =	stream.indirect.gather [hbm4b:s9+s18], $0x80, s1, s18, $0xb8;
	[tilespmem:$0x1E800] =	vst v63  }
0x67: {  	_ =	swait.ge [sflag:s0], $0x2000  }
0x68: {  	[sflag:s0] =	ssyncset.done $0x0  }
0x69: {  	s1 =	sadd.s32 $0x280, s4;
	[sflag:s0] =	ssyncadd.s32 $0xFFFFE000  }
0x6a: {  	[tilespmem:s21], [sflag:$0x2] =	stream.indirect.gather [hbm4b:s9+s18], $0x80, s1, s18, $0xb8;
	[tilespmem:$0x1E800] =	vst v63  }
0x6b: {  	_ =	swait.ge [sflag:s3], $0x2000  }
0x6c: {  	[sflag:s3] =	ssyncset.done $0x0  }
.Ltmp0:
0x6d: {  	s1 =	sadd.s32 $0x300, s4;
	[sflag:s3] =	ssyncadd.s32 $0xFFFFE000;
	(pc) =	sbr.rel @p0 .LBB2_3-.Ltmp0, $4  }
0x6e: {  	[tilespmem:s23], [sflag:$0x3] =	stream.indirect.gather [hbm4b:s9+s18], $0x80, s1, s18, $0xb8;
	[tilespmem:$0x1E800] =	vst v63  }
0x6f: {  	_ =	swait.ge [sflag:s6], $0x2000  }
0x70: {  	[sflag:s6] =	ssyncset.done $0x0  }
0x71: {  	s1 =	sadd.s32 $0x380, s4;
	[sflag:s6] =	ssyncadd.s32 $0xFFFFE000  }
0x72: {  	[tilespmem:s25], [sflag:$0x4] =	stream.indirect.gather [hbm4b:s9+s18], $0x80, s1, s18, $0xb8;
	[tilespmem:$0x1E800] =	vst v63  }
0x73: {  	_ =	swait.ge [sflag:s26], $0x2000  }
0x74: {  	[sflag:s26] =	ssyncset.done $0x0  }
0x75: {  	[sflag:s26] =	ssyncadd.s32 $0xFFFFE000  }
0x76: {  	[spmem:s2] =	stream.indirect.scatter.add.f32 [tilespmem:s19], [sflag:$0x5], $0x80, s10, s18, $0xb8;
	[tilespmem:$0x1E800] =	vst v63  }
0x77: {  	_ =	swait.ge [sflag:s28], $0x2000  }
0x78: {  	[sflag:s28] =	ssyncset.done $0x0  }
0x79: {  	[sflag:s28] =	ssyncadd.s32 $0xFFFFE000  }
0x7a: {  	[spmem:s2] =	stream.indirect.scatter.add.f32 [tilespmem:s21], [sflag:$0x6], $0x80, s11, s18, $0xb8;
	[tilespmem:$0x1E800] =	vst v63  }
0x7b: {  	_ =	swait.ge [sflag:s29], $0x2000  }
0x7c: {  	[sflag:s29] =	ssyncset.done $0x0  }
0x7d: {  	[sflag:s29] =	ssyncadd.s32 $0xFFFFE000  }
0x7e: {  	[spmem:s2] =	stream.indirect.scatter.add.f32 [tilespmem:s23], [sflag:$0x7], $0x80, s13, s18, $0xb8;
	[tilespmem:$0x1E800] =	vst v63  }
0x7f: {  	_ =	swait.ge [sflag:s30], $0x2000  }
0x80: {  	[sflag:s30] =	ssyncset.done $0x0  }
0x81: {  	[sflag:s30] =	ssyncadd.s32 $0xFFFFE000  }
0x82: {  	[spmem:s2] =	stream.indirect.scatter.add.f32 [tilespmem:s25], [sflag:$0x8], $0x80, s14, s18, $0xb8;
	[tilespmem:$0x1E800] =	vst v63  }
0x83: {  	_ =	swait.ge [sflag:s31], $0x2000  }
0x84: {  	[sflag:s31] =	ssyncset.done $0x0  }
0x85: {  	[sflag:s31] =	ssyncadd.s32 $0xFFFFE000  }
0x86: {  	_ =	swait.ge [sflag:s0], $0x2000  }
0x87: {  	[sflag:s0] =	ssyncset.done $0x0  }
0x88: {  	s7 =	sadd.s32 $0x1, s7;
	[sflag:s0] =	ssyncadd.s32 $0xFFFFE000  }
0x89: {  	p0 =	sne.s32 s7, $0x4;
	_ =	swait.ge [sflag:s3], $0x2000  }
.Ltmp1:
0x8a: {  	[sflag:s3] =	ssyncset.done $0x0;
	(pc) =	sbr.rel @p0 .LBB2_2-.Ltmp1, $4  }
0x8b: {  	[sflag:s3] =	ssyncadd.s32 $0xFFFFE000  }
0x8c: {  	_ =	swait.ge [sflag:s6], $0x2000  }
0x8d: {  	[sflag:s6] =	ssyncset.done $0x0  }
0x8e: {  	[sflag:s6] =	ssyncadd.s32 $0xFFFFE000  }
0x8f: {  	[bflag:$0x0] =	sbarrier.arrive $0xFFFF  }
0x90: {  	s1 =	rddreg [dreg:$0x7]  }
0x91: {  	s4 =	rddreg [dreg:$0xb]  }
0x92: {  	[hbm:s1], [sflag:s20] =	dma.local [spmem:s4], $0x2800  }
0x93: {  	_ =	swait.ge [sflag:s16], $0x2800  }
0x94: {  	[sflag:s16] =	ssyncset.done $0x0  }
0x95: {  	s15 =	rddreg [dreg:$0x8];
	[sflag:s16] =	ssyncadd.s32 $0xFFFFD800  }
0x96: {  	[spmem:s4], [sflag:s20] =	dma.local [hbm:s15], $0x2800  }
0x97: {  	_ =	swait.ge [sflag:s16], $0x2800  }
0x98: {  	[sflag:s16] =	ssyncset.done $0x0  }
0x99: {  	[sflag:s16] =	ssyncadd.s32 $0xFFFFD800  }
0x9a: {  	s7 =	simm.s32 $0x0;
	s15 =	simm.s32 $0x0;
	[bflag:$0x0] =	sbarrier.arrive $0xFFFF  }
.LBB2_6:
0x9b: {  	s1 =	smul.u32 $0x1400, s15;
	_ =	sdelay $0x1  }
0x9c: {  	s1 =	sadd.s32 s8, s1  }
0x9d: {  	s1 =	sshrl.u32 s1, $0x3  }
0x9e: {  	s4 =	sadd.s32 s17, s1  }
0x9f: {  	[tilespmem:s7], [sflag:$0x9] =	stream.linear.gather [hbm4b:s4+s7], $0x1400, $0x38;
	[tilespmem:$0x1E800] =	vst v63  }
0xa0: {  	_ =	swait.ge [sflag:s16], $0x1400  }
0xa1: {  	s20 =	smov.u32 s17;
	[sflag:s16] =	ssyncset.done $0x0  }
0xa2: {  	s1 =	sadd.s32 s5, s1;
	s17 =	simm.s32 $0x1400;
	[sflag:s16] =	ssyncadd.s32 $0xFFFFEC00  }
0xa3: {  	[tilespmem:s17], [sflag:$0x9] =	stream.linear.gather [hbm4b:s1+s7], $0x1400, $0x38;
	[tilespmem:$0x1E800] =	vst v63  }
0xa4: {  	_ =	swait.ge [sflag:s16], $0x1400  }
0xa5: {  	[sflag:s16] =	ssyncset.done $0x0  }
0xa6: {  	[sflag:s16] =	ssyncadd.s32 $0xFFFFEC00  }
0xa7: {  	[tilespmem:s19], [sflag:$0x1] =	stream.indirect.gather [hbm4b:s12+s18], $0x80, s7, s18, $0xb8;
	[tilespmem:$0x1E800] =	vst v63  }
0xa8: {  	s4 =	simm.s32 $0x80  }
0xa9: {  	[tilespmem:s21], [sflag:$0x2] =	stream.indirect.gather [hbm4b:s12+s18], $0x80, s4, s18, $0xb8;
	[tilespmem:$0x1E800] =	vst v63  }
0xaa: {  	_ = 	snop  }
0xab: {  	[tilespmem:s23], [sflag:$0x3] =	stream.indirect.gather [hbm4b:s12+s18], $0x80, s22, s18, $0xb8;
	[tilespmem:$0x1E800] =	vst v63  }
0xac: {  	_ = 	snop  }
0xad: {  	[tilespmem:s25], [sflag:$0x4] =	stream.indirect.gather [hbm4b:s12+s18], $0x80, s24, s18, $0xb8;
	[tilespmem:$0x1E800] =	vst v63  }
0xae: {  	_ =	swait.ge [sflag:s26], $0x2000  }
0xaf: {  	[sflag:s26] =	ssyncset.done $0x0  }
0xb0: {  	s17 =	simm.s32 $0x1400;
	[sflag:s26] =	ssyncadd.s32 $0xFFFFE000  }
0xb1: {  	[spmem:s2] =	stream.indirect.scatter.add.f32 [tilespmem:s19], [sflag:$0x5], $0x80, s17, s18, $0xb8;
	[tilespmem:$0x1E800] =	vst v63  }
0xb2: {  	_ =	swait.ge [sflag:s28], $0x2000  }
0xb3: {  	[sflag:s28] =	ssyncset.done $0x0  }
0xb4: {  	s4 =	simm.s32 $0x1480;
	[sflag:s28] =	ssyncadd.s32 $0xFFFFE000  }
0xb5: {  	[spmem:s2] =	stream.indirect.scatter.add.f32 [tilespmem:s21], [sflag:$0x6], $0x80, s4, s18, $0xb8;
	[tilespmem:$0x1E800] =	vst v63  }
0xb6: {  	_ =	swait.ge [sflag:s29], $0x2000  }
0xb7: {  	[sflag:s29] =	ssyncset.done $0x0  }
0xb8: {  	s17 =	simm.s32 $0x1500;
	[sflag:s29] =	ssyncadd.s32 $0xFFFFE000  }
0xb9: {  	[spmem:s2] =	stream.indirect.scatter.add.f32 [tilespmem:s23], [sflag:$0x7], $0x80, s17, s18, $0xb8;
	[tilespmem:$0x1E800] =	vst v63  }
0xba: {  	_ =	swait.ge [sflag:s30], $0x2000  }
0xbb: {  	[sflag:s30] =	ssyncset.done $0x0  }
0xbc: {  	s4 =	simm.s32 $0x1580;
	[sflag:s30] =	ssyncadd.s32 $0xFFFFE000  }
0xbd: {  	[spmem:s2] =	stream.indirect.scatter.add.f32 [tilespmem:s25], [sflag:$0x8], $0x80, s4, s18, $0xb8;
	[tilespmem:$0x1E800] =	vst v63  }
0xbe: {  	_ =	swait.ge [sflag:s31], $0x2000  }
0xbf: {  	[sflag:s31] =	ssyncset.done $0x0  }
0xc0: {  	s17 =	simm.s32 $0x200;
	[sflag:s31] =	ssyncadd.s32 $0xFFFFE000  }
0xc1: {  	[tilespmem:s19], [sflag:$0x1] =	stream.indirect.gather [hbm4b:s12+s18], $0x80, s17, s18, $0xb8;
	[tilespmem:$0x1E800] =	vst v63  }
0xc2: {  	_ =	swait.ge [sflag:s0], $0x2000  }
0xc3: {  	[sflag:s0] =	ssyncset.done $0x0  }
0xc4: {  	s4 =	simm.s32 $0x280;
	[sflag:s0] =	ssyncadd.s32 $0xFFFFE000  }
0xc5: {  	[tilespmem:s21], [sflag:$0x2] =	stream.indirect.gather [hbm4b:s12+s18], $0x80, s4, s18, $0xb8;
	[tilespmem:$0x1E800] =	vst v63  }
0xc6: {  	_ =	swait.ge [sflag:s3], $0x2000  }
0xc7: {  	[sflag:s3] =	ssyncset.done $0x0  }
0xc8: {  	s17 =	simm.s32 $0x300;
	[sflag:s3] =	ssyncadd.s32 $0xFFFFE000  }
0xc9: {  	[tilespmem:s23], [sflag:$0x3] =	stream.indirect.gather [hbm4b:s12+s18], $0x80, s17, s18, $0xb8;
	[tilespmem:$0x1E800] =	vst v63  }
0xca: {  	_ =	swait.ge [sflag:s6], $0x2000  }
0xcb: {  	[sflag:s6] =	ssyncset.done $0x0  }
0xcc: {  	s1 =	simm.s32 $0x380;
	s4 =	simm.s32 $0x800;
	[sflag:s6] =	ssyncadd.s32 $0xFFFFE000  }
.LBB2_7:
0xcd: {  	[tilespmem:s25], [sflag:$0x4] =	stream.indirect.gather [hbm4b:s12+s18], $0x80, s1, s18, $0xb8;
	[tilespmem:$0x1E800] =	vst v63  }
0xce: {  	s1 =	smov.u32 s4  }
0xcf: {  	p0 =	sne.s32 s4, $0x4000;
	s4 =	sadd.s32 $0x800, s4;
	_ =	swait.ge [sflag:s26], $0x2000  }
0xd0: {  	s1 =	sshra.s32 s1, $0x2;
	[sflag:s26] =	ssyncset.done $0x0  }
0xd1: {  	s17 =	sadd.s32 $0x1400, s1;
	[sflag:s26] =	ssyncadd.s32 $0xFFFFE000  }
0xd2: {  	[spmem:s2] =	stream.indirect.scatter.add.f32 [tilespmem:s19], [sflag:$0x5], $0x80, s17, s18, $0xb8;
	[tilespmem:$0x1E800] =	vst v63  }
0xd3: {  	_ =	swait.ge [sflag:s28], $0x2000  }
0xd4: {  	[sflag:s28] =	ssyncset.done $0x0  }
0xd5: {  	s17 =	sadd.s32 $0x1480, s1;
	[sflag:s28] =	ssyncadd.s32 $0xFFFFE000  }
0xd6: {  	[spmem:s2] =	stream.indirect.scatter.add.f32 [tilespmem:s21], [sflag:$0x6], $0x80, s17, s18, $0xb8;
	[tilespmem:$0x1E800] =	vst v63  }
0xd7: {  	_ =	swait.ge [sflag:s29], $0x2000  }
0xd8: {  	[sflag:s29] =	ssyncset.done $0x0  }
0xd9: {  	s17 =	sadd.s32 $0x1500, s1;
	[sflag:s29] =	ssyncadd.s32 $0xFFFFE000  }
0xda: {  	[spmem:s2] =	stream.indirect.scatter.add.f32 [tilespmem:s23], [sflag:$0x7], $0x80, s17, s18, $0xb8;
	[tilespmem:$0x1E800] =	vst v63  }
0xdb: {  	_ =	swait.ge [sflag:s30], $0x2000  }
0xdc: {  	[sflag:s30] =	ssyncset.done $0x0  }
0xdd: {  	s17 =	sadd.s32 $0x1580, s1;
	[sflag:s30] =	ssyncadd.s32 $0xFFFFE000  }
0xde: {  	[spmem:s2] =	stream.indirect.scatter.add.f32 [tilespmem:s25], [sflag:$0x8], $0x80, s17, s18, $0xb8;
	[tilespmem:$0x1E800] =	vst v63  }
0xdf: {  	_ =	swait.ge [sflag:s31], $0x2000  }
0xe0: {  	[sflag:s31] =	ssyncset.done $0x0  }
0xe1: {  	s17 =	sadd.s32 $0x200, s1;
	[sflag:s31] =	ssyncadd.s32 $0xFFFFE000  }
0xe2: {  	[tilespmem:s19], [sflag:$0x1] =	stream.indirect.gather [hbm4b:s12+s18], $0x80, s17, s18, $0xb8;
	[tilespmem:$0x1E800] =	vst v63  }
0xe3: {  	_ =	swait.ge [sflag:s0], $0x2000  }
0xe4: {  	[sflag:s0] =	ssyncset.done $0x0  }
0xe5: {  	s17 =	sadd.s32 $0x280, s1;
	[sflag:s0] =	ssyncadd.s32 $0xFFFFE000  }
0xe6: {  	[tilespmem:s21], [sflag:$0x2] =	stream.indirect.gather [hbm4b:s12+s18], $0x80, s17, s18, $0xb8;
	[tilespmem:$0x1E800] =	vst v63  }
0xe7: {  	_ =	swait.ge [sflag:s3], $0x2000  }
0xe8: {  	[sflag:s3] =	ssyncset.done $0x0  }
.Ltmp2:
0xe9: {  	s17 =	sadd.s32 $0x300, s1;
	[sflag:s3] =	ssyncadd.s32 $0xFFFFE000;
	(pc) =	sbr.rel @p0 .LBB2_7-.Ltmp2, $4  }
0xea: {  	[tilespmem:s23], [sflag:$0x3] =	stream.indirect.gather [hbm4b:s12+s18], $0x80, s17, s18, $0xb8;
	[tilespmem:$0x1E800] =	vst v63  }
0xeb: {  	_ =	swait.ge [sflag:s6], $0x2000  }
0xec: {  	[sflag:s6] =	ssyncset.done $0x0  }
0xed: {  	s1 =	sadd.s32 $0x380, s1;
	[sflag:s6] =	ssyncadd.s32 $0xFFFFE000  }
0xee: {  	[tilespmem:s25], [sflag:$0x4] =	stream.indirect.gather [hbm4b:s12+s18], $0x80, s1, s18, $0xb8;
	[tilespmem:$0x1E800] =	vst v63  }
0xef: {  	_ =	swait.ge [sflag:s26], $0x2000  }
0xf0: {  	[sflag:s26] =	ssyncset.done $0x0  }
0xf1: {  	[sflag:s26] =	ssyncadd.s32 $0xFFFFE000  }
0xf2: {  	[spmem:s2] =	stream.indirect.scatter.add.f32 [tilespmem:s19], [sflag:$0x5], $0x80, s10, s18, $0xb8;
	[tilespmem:$0x1E800] =	vst v63  }
0xf3: {  	_ =	swait.ge [sflag:s28], $0x2000  }
0xf4: {  	[sflag:s28] =	ssyncset.done $0x0  }
0xf5: {  	[sflag:s28] =	ssyncadd.s32 $0xFFFFE000  }
0xf6: {  	[spmem:s2] =	stream.indirect.scatter.add.f32 [tilespmem:s21], [sflag:$0x6], $0x80, s11, s18, $0xb8;
	[tilespmem:$0x1E800] =	vst v63  }
0xf7: {  	_ =	swait.ge [sflag:s29], $0x2000  }
0xf8: {  	[sflag:s29] =	ssyncset.done $0x0  }
0xf9: {  	[sflag:s29] =	ssyncadd.s32 $0xFFFFE000  }
0xfa: {  	[spmem:s2] =	stream.indirect.scatter.add.f32 [tilespmem:s23], [sflag:$0x7], $0x80, s13, s18, $0xb8;
	[tilespmem:$0x1E800] =	vst v63  }
0xfb: {  	_ =	swait.ge [sflag:s30], $0x2000  }
0xfc: {  	[sflag:s30] =	ssyncset.done $0x0  }
0xfd: {  	[sflag:s30] =	ssyncadd.s32 $0xFFFFE000  }
0xfe: {  	[spmem:s2] =	stream.indirect.scatter.add.f32 [tilespmem:s25], [sflag:$0x8], $0x80, s14, s18, $0xb8;
	[tilespmem:$0x1E800] =	vst v63  }
0xff: {  	_ =	swait.ge [sflag:s31], $0x2000  }
0x100: {  	[sflag:s31] =	ssyncset.done $0x0  }
0x101: {  	[sflag:s31] =	ssyncadd.s32 $0xFFFFE000  }
0x102: {  	_ =	swait.ge [sflag:s0], $0x2000  }
0x103: {  	[sflag:s0] =	ssyncset.done $0x0  }
0x104: {  	s15 =	sadd.s32 $0x1, s15;
	[sflag:s0] =	ssyncadd.s32 $0xFFFFE000  }
0x105: {  	p0 =	sne.s32 s15, $0x4;
	_ =	swait.ge [sflag:s3], $0x2000  }
.Ltmp3:
0x106: {  	[sflag:s3] =	ssyncset.done $0x0;
	(pc) =	sbr.rel @p0 .LBB2_6-.Ltmp3, $4  }
0x107: {  	[sflag:s3] =	ssyncadd.s32 $0xFFFFE000  }
0x108: {  	_ =	swait.ge [sflag:s6], $0x2000  }
0x109: {  	[sflag:s6] =	ssyncset.done $0x0  }
0x10a: {  	s17 =	smov.u32 s20;
	[sflag:s6] =	ssyncadd.s32 $0xFFFFE000  }
0x10b: {  	[bflag:$0x0] =	sbarrier.arrive $0xFFFF  }
0x10c: {  	s20 =	rddreg [dreg:$0x6]  }
0x10d: {  	s1 =	rddreg [dreg:$0x9]  }
0x10e: {  	s4 =	rddreg [dreg:$0xb]  }
0x10f: {  	[hbm:s1], [sflag:s20] =	dma.local [spmem:s4], $0x2800  }
0x110: {  	_ =	swait.ge [sflag:s16], $0x2800  }
0x111: {  	s15 =	rddreg [dreg:$0x4]  }
0x112: {  	s7 =	rddreg [dreg:$0xa];
	s15 =	sadd.s32 $0x1, s15  }
0x113: {  	p0 =	sne.s32 s15, s7  }
.Ltmp4:
0x114: {  	_ = 	snop;
	(pc) =	sbr.rel @p0 .LBB2_1-.Ltmp4, $3  }
0x115: {  	_ =	sdelay $0x1  }
0x116: {  	[sflag:s16] =	ssyncset.done $0x0  }
0x117: {  	[sflag:s16] =	ssyncadd.s32 $0xFFFFD800  }
0x118: {  	_ =	sfence.sel $0x180000  }
0x119: {  	[bflag:$0x0] =	sbarrier.arrive $0xFFFF  }
0x11a: {  	_ =	strace $0x9000004A  }
0x11b: {  	s0 =	stileid.u32;
	[bflag:$0x2] =	sbarrier.arrive $0xFFFF  }
0x11c: {  	p0 =	sne.s32 s0, $0x0;
	s0 =	rddreg [dreg:$0x3]  }
0x11d: {  	s0 =	sadd.s32 @!p0 $0x100000, s0  }
0x11e: {  	[sflag:s0] =	ssyncadd.tile.s32 @!p0 $0x1;
	_ =	shalt  }
.Lfunc_end2:
_tile_overlayer_lowered:
.L_overlay_start_2:
0x11f: {  	(tag) =	ssettag $0x2  }
0x120: {  	s0 =	rddreg [dreg:$0x0];
	s2 =	stileid.u32  }
0x121: {  	s1 =	rddreg [dreg:$0x1];
	p0 =	sne.s32 s2, $0x0  }
0x122: {  	s3 =	rddreg [dreg:$0x2];
	[bflag:$0x3] =	sbarrier.arrive $0xFFFF;
	s2 =	simm.s32 @!p0 $0x1C09  }
0x123: {  	[timem:s3], [sflag:s2] =	dma.local @!p0 [hbm:s0], s1  }
0x124: {  	s0 =	simm.s32 @!p0 $0x9  }
0x125: {  	_ =	swait.ge @!p0 [sflag:s0], s1  }
0x126: {  	s1 =	ssub.s32 @!p0 $0x0, s1;
	[sflag:s0] =	ssyncset.done @!p0 $0x0  }
0x127: {  	[sflag:s0] =	ssyncadd.s32 @!p0 s1  }
0x128: {  	[bflag:$0x3] =	sbarrier.arrive $0xFFFF  }
0x129: {  	_ =	shalt  }

// kernel: _run.14.cloned.1.call-start
scs
__scs_entry_jumppad:
0x0: {  	(pc) =	sbr.rel $0x88, $3  }
0x1: {  	(tag) =	ssettag $0x0;
	lr =	simm.s32 $0x1  }
0x2: {  	[smem:$0x3F9B] =	sst lr;
	_ =	strace $0xD0000000  }
0x3: {  	_ = 	snop  }
0x4: {  	_ = 	snop  }
0x5: {  	_ = 	snop  }
0x6: {  	_ = 	snop  }
0x7: {  	_ = 	snop  }
__scs_overlays_trampoline_lowered:
0x8: {  	[smem:$0x3FAA] =	sst s0  }
0x9: {  	[smem:$0x3FAB] =	sst s1  }
0xa: {  	[smem:$0x3FAC] =	sst s2  }
0xb: {  	[smem:$0x3FAD] =	sst s3  }
0xc: {  	[smem:$0x3FAE] =	sst s4  }
0xd: {  	[smem:$0x3FAF] =	sst s5  }
0xe: {  	[smem:$0x3FB0] =	sst s6  }
0xf: {  	[smem:$0x3FB1] =	sst s7  }
0x10: {  	[smem:$0x3FB2] =	sst s8  }
0x11: {  	[smem:$0x3FB3] =	sst s9;
	s0 =	simm.s32 @!p0 $0x0  }
0x12: {  	s1 =	sld [smem:$0x3F99];
	s0 =	simm.s32 @p0 $0x1  }
0x13: {  	[smem:$0x3FB4] =	sst s0;
	s0 =	simm.s32 @!p1 $0x0  }
0x14: {  	s2 =	sld [smem:$0x3F98];
	s0 =	simm.s32 @p1 $0x1  }
0x15: {  	[smem:$0x3FB5] =	sst s0;
	s0 =	simm.s32 @!p2 $0x0  }
0x16: {  	s3 =	sld [smem:$0x3FDB];
	s0 =	simm.s32 @p2 $0x1  }
0x17: {  	s4 =	simm.s32 $0x1BF5;
	[smem:$0x3FB7] =	sst s0  }
0x18: {  	s0 =	sld [smem:$0x3F9A];
	_ =	swait.ge [sflag:s4], $0x0  }
0x19: {  	s7 =	sld [smem:$0x3F9B]  }
0x1a: {  	s8 =	sadd.s32 $0xFFFFE003, lr  }
0x1b: {  	s9 =	sadd.s32 $0xFFFFFEF7, lr;
	s5 =	simm.s32 $0xFFFFFFFF;
	p2 =	slt.u32 s8, $0xFFFFF086  }
0x1c: {  	p1 =	slt.u32 s9, $0xF7A;
	s5 =	simm.s32 @!p2 $0x0  }
0x1d: {  	s5 =	simm.s32 @p1 $0x1;
	p0 =	seq.s32 s7, s2  }
0x1e: {  	s7 =	smul.u32 @!p0 $0xF7A, s2;
	p2 =	seq.s32 @!p0 s5, $0x0  }
0x1f: {  	s9 =	smul.u32 $0xF7A, s1;
	s8 =	simm.s32 @!p0 $0x1BF5;
	p2 =	por !p2, p0  }
0x20: {  	[sflag:s8] =	ssyncset.s32 @!p0 $0xFFFFF086;
	s6 =	sadd.s32 @!p0 s3, s7;
	s7 =	simm.s32 @!p0 $0x108  }
0x21: {  	s3 =	sadd.s32 s3, s9;
	s6 =	sadd.s32 @!p0 $0x88, s6;
	s7 =	simm.s32 @p2 $0x1082  }
0x22: {  	[simem:s7], [sflag:s8] =	dma.local @!p0 [hbm:s6], $0xF7A  }
0x23: {  	s9 =	sor.u32 $0xD0000000, s2;
	s6 =	simm.s32 $0x108;
	_ =	swait.ge @!p0 [sflag:s8], $0x0  }
0x24: {  	s3 =	sadd.s32 $0x88, s3;
	s6 =	simm.s32 @!p1 $0x1082;
	[sflag:s4] =	ssyncset.s32 $0xFFFFF086  }
0x25: {  	[simem:s6], [sflag:s4] =	dma.local [hbm:s3], $0xF7A  }
0x26: {  	[smem:$0x3F9B] =	sst s1;
	(tag) =	ssettag s2;
	_ =	strace s9  }
0x27: {  	s1 =	sld [smem:$0x3FAB]  }
0x28: {  	s2 =	sld [smem:$0x3FAC]  }
0x29: {  	s4 =	sld [smem:$0x3FAE]  }
0x2a: {  	p0 =	seq.s32 s5, $0x0;
	s5 =	sld [smem:$0x3FAF]  }
0x2b: {  	s6 =	sld [smem:$0x3FB0]  }
0x2c: {  	s7 =	sld [smem:$0x3FB1]  }
0x2d: {  	s3 =	simm.s32 $0x108;
	s8 =	sld [smem:$0x3FB2]  }
0x2e: {  	s3 =	simm.s32 @!p0 $0x1082;
	s9 =	sld [smem:$0x3FB3]  }
0x2f: {  	lr =	sadd.s32 s0, s3;
	s0 =	sld [smem:$0x3FAA]  }
0x30: {  	s3 =	sld [smem:$0x3FAD]  }
0x31: {  	[smem:$0x3FB6] =	sst s10  }
0x32: {  	s10 =	sld [smem:$0x3FB4];
	_ =	sdelay $0x3  }
0x33: {  	p0 =	seq.s32 s10, $0x1;
	s10 =	sld [smem:$0x3FB6];
	_ =	sdelay $0x3  }
0x34: {  	[smem:$0x3FB6] =	sst s10  }
0x35: {  	s10 =	sld [smem:$0x3FB5];
	_ =	sdelay $0x3  }
0x36: {  	p1 =	seq.s32 s10, $0x1;
	s10 =	sld [smem:$0x3FB6];
	_ =	sdelay $0x3  }
0x37: {  	[smem:$0x3FB6] =	sst s10  }
0x38: {  	s10 =	sld [smem:$0x3FB7]  }
0x39: {  	_ = 	snop;
	(pc) =	sbr.ind lr, $3  }
0x3a: {  	_ = 	snop  }
0x3b: {  	_ = 	snop  }
0x3c: {  	p2 =	seq.s32 s10, $0x1;
	s10 =	sld [smem:$0x3FB6]  }
0x3d: {  	_ =	shalt  }
0x3e: {  	_ =	shalt  }
0x3f: {  	_ =	shalt  }
0x40: {  	_ =	shalt  }
0x41: {  	_ =	shalt  }
0x42: {  	_ =	shalt  }
0x43: {  	_ =	shalt  }
0x44: {  	_ =	shalt  }
0x45: {  	_ =	shalt  }
0x46: {  	_ =	shalt  }
0x47: {  	_ =	shalt  }
0x48: {  	_ =	shalt  }
0x49: {  	_ =	shalt  }
0x4a: {  	_ =	shalt  }
0x4b: {  	_ =	shalt  }
0x4c: {  	_ =	shalt  }
0x4d: {  	_ =	shalt  }
0x4e: {  	_ =	shalt  }
0x4f: {  	_ =	shalt  }
0x50: {  	_ =	shalt  }
0x51: {  	_ =	shalt  }
0x52: {  	_ =	shalt  }
0x53: {  	_ =	shalt  }
0x54: {  	_ =	shalt  }
0x55: {  	_ =	shalt  }
0x56: {  	_ =	shalt  }
0x57: {  	_ =	shalt  }
0x58: {  	_ =	shalt  }
0x59: {  	_ =	shalt  }
0x5a: {  	_ =	shalt  }
0x5b: {  	_ =	shalt  }
0x5c: {  	_ =	shalt  }
0x5d: {  	_ =	shalt  }
0x5e: {  	_ =	shalt  }
0x5f: {  	_ =	shalt  }
0x60: {  	_ =	shalt  }
0x61: {  	_ =	shalt  }
0x62: {  	_ =	shalt  }
0x63: {  	_ =	shalt  }
0x64: {  	_ =	shalt  }
0x65: {  	_ =	shalt  }
0x66: {  	_ =	shalt  }
0x67: {  	_ =	shalt  }
0x68: {  	_ =	shalt  }
0x69: {  	_ =	shalt  }
0x6a: {  	_ =	shalt  }
0x6b: {  	_ =	shalt  }
0x6c: {  	_ =	shalt  }
0x6d: {  	_ =	shalt  }
0x6e: {  	_ =	shalt  }
0x6f: {  	_ =	shalt  }
0x70: {  	_ =	shalt  }
0x71: {  	_ =	shalt  }
0x72: {  	_ =	shalt  }
0x73: {  	_ =	shalt  }
0x74: {  	_ =	shalt  }
0x75: {  	_ =	shalt  }
0x76: {  	_ =	shalt  }
0x77: {  	_ =	shalt  }
0x78: {  	_ =	shalt  }
0x79: {  	_ =	shalt  }
0x7a: {  	_ =	shalt  }
0x7b: {  	_ =	shalt  }
0x7c: {  	_ =	shalt  }
0x7d: {  	_ =	shalt  }
0x7e: {  	_ =	shalt  }
0x7f: {  	_ =	shalt  }
0x80: {  	_ =	shalt  }
0x81: {  	_ =	shalt  }
0x82: {  	_ =	shalt  }
0x83: {  	_ =	shalt  }
0x84: {  	_ =	shalt  }
0x85: {  	_ =	shalt  }
0x86: {  	_ =	shalt  }
0x87: {  	_ =	shalt  }
.Lfunc_end0:
.L_simem_size_0:
called_computation.2_lowered:
.L_overlay_start_0:
0x88: {  	s2 =	sld [smem:$0x3FD9]  }
0x89: {  	s3 =	sld [smem:$0x3FFE];
	_ =	sdelay $0x1  }
0x8a: {  	s1 =	srdreg.scid  }
0x8b: {  	s0 =	sand.u32 $0x1, s1  }
0x8c: {  	s17 =	sshll.u32 s0, $0xA;
	s2 =	sadd.s32 s3, s2  }
0x8d: {  	s2 =	sadd.s32 s2, s17  }
0x8e: {  	[smem:$0x3FC2] =	sst s2  }
0x8f: {  	_ = 	snop  }
0x90: {  	s2 =	sld [smem:$0x3FD0];
	(tm) =	ssettm $0x1  }
0x91: {  	s18 =	sld [smem:$0x3FFB];
	_ =	sdelay $0x3  }
0x92: {  	_ =	strace s18  }
0x93: {  	s3 =	sld [smem:$0x3FFC];
	_ =	sdelay $0x3  }
0x94: {  	_ =	strace s3  }
0x95: {  	s3 =	sld [smem:$0x3FFD];
	_ =	sdelay $0x3  }
0x96: {  	_ =	strace s3  }
0x97: {  	_ =	strace $0x8FFFFFFF  }
0x98: {  	s19 =	sld [smem:$0x3FDB];
	_ =	sdelay $0x1  }
0x99: {  	s4 =	simm.s32 $_scs_section_size  }
0x9a: {  	s5 =	simm.s32 $_size__tile_overlayer_lowered;
	s6 =	simm.s32 $_tile_overlayer_lowered  }
0x9b: {  	s22 =	simm.s32 $0x1BFF;
	s21 =	sshll.u32 s6, $0x1;
	s3 =	sadd.s32 s4, s19  }
0x9c: {  	s7 =	simm.s32 $0x0;
	s20 =	sshll.u32 s5, $0x1;
	s5 =	sadd.s32 s21, s3  }
0x9d: {  	[timem:s7], [sflag:s22] =	dma.local [hbm:s5], s20  }
0x9e: {  	_ =	swait.ge [sflag:s22], s20  }
0x9f: {  	s4 =	ssub.s32 $0x0, s20;
	[sflag:s22] =	ssyncset.done $0x0  }
0xa0: {  	[sflag:s22] =	ssyncadd.s32 s4;
	_ =	sdelay $0x1  }
0xa1: {  	s23 =	simm.s32 $0x1B8B  }
0xa2: {  	_ =	swait.ge [sflag:s23], $0x1  }
0xa3: {  	[sflag:s23] =	ssyncset.done $0x0  }
0xa4: {  	s25 =	simm.s32 $0x1B8E;
	s24 =	sld [smem:$0x3FFE];
	[sflag:s23] =	ssyncadd.s32 $0xFFFFFFFF  }
0xa5: {  	s26 =	simm.s32 $execute0_lowered;
	[smem:$0x3FD2] =	sst s25  }
0xa6: {  	s5 =	sshll.u32 s26, $0x1;
	_ =	strace $0x8000004C;
	[dreg:$0x1] =	wrdreg $0xFFFFFFFF  }
0xa7: {  	s28 =	simm.s32 $_size_execute0_lowered;
	s3 =	sadd.s32 s3, s5;
	[dreg:$0x0] =	wrdreg $0x0  }
0xa8: {  	s5 =	sshll.u32 s28, $0x1;
	[dreg:$0x2] =	wrdreg s3  }
0xa9: {  	[dreg:$0x3] =	wrdreg s5  }
0xaa: {  	[dreg:$0x4] =	wrdreg $0xC0  }
0xab: {  	_ =	task [dreg:s7], $0x5FFFF  }
0xac: {  	[dreg:$0x1] =	wrdreg $0xFFFFFFFF  }
0xad: {  	[dreg:$0x0] =	wrdreg $0x60  }
0xae: {  	[dreg:$0x2] =	wrdreg s24  }
0xaf: {  	[dreg:$0x3] =	wrdreg s2  }
0xb0: {  	[dreg:$0x4] =	wrdreg $0xA8000  }
0xb1: {  	[dreg:$0x5] =	wrdreg $0x9  }
0xb2: {  	_ =	task.clear_ibuf [dreg:s7], $0x6FFFF;
	_ =	strace $0x9000004C  }
0xb3: {  	s29 =	simm.s32 $0x9;
	_ =	strace $0x8000004E  }
0xb4: {  	_ =	swait.ge [sflag:s29], $0x1  }
0xb5: {  	[sflag:s29] =	ssyncadd.s32 $0xFFFFFFFF  }
0xb6: {  	_ =	strace $0x9000004E  }
0xb7: {  	_ =	sfence  }
0xb8: {  	s30 =	sld [smem:$0x0];
	_ =	sdelay $0x2  }
0xb9: {  	s31 =	sshll.u32 s1, $0xD;
	s1 =	sshrl.u32 s1, $0x2  }
0xba: {  	s3 =	sand.u32 $0x4000, s31;
	s1 =	sadd.s32 s1, s30  }
0xbb: {  	s0 =	sor.u32 s3, s0;
	s1 =	sshll.u32 s1, $0x11  }
0xbc: {  	s0 =	sor.u32 s1, s0  }
0xbd: {  	s0 =	sadd.s32 $0x8F2B, s0  }
0xbe: {  	[sflag:s0] =	ssyncadd.remote.s32 $0x1  }
0xbf: {  	_ =	sfence.sel $0xFFFF  }
0xc0: {  	[dreg:$0x0] =	wrdreg $0xFFFFFFFF;
	(pc) =	sbr.abs _section_cstart, $3  }
0xc1: {  	[dreg:$0x1] =	wrdreg $0xFFFFFFFF  }
0xc2: {  	_ =	task.clear_ibuf [dreg:s7], $0x2FFFF;
	_ =	strace $0x9FFFFFFF  }
0xc3: {  	(tm) =	ssettm $0x7FFFFFFF  }
tec
execute0_lowered:
.L_overlay_start_1:
0x0: {  	(tag) =	ssettag $0x1  }
0x1: {  	s0 =	rddreg [dreg:$0x0]  }
0x2: {  	s1 =	rddreg [dreg:$0x1]  }
0x3: {  	s2 =	rddreg [dreg:$0x2];
	s3 =	srdreg.scid  }
0x4: {  	s11 =	simm.s32 $0x0;
	s4 =	stileid.u32;
	s13 =	simm.s32 $0x9  }
0x5: {  	s14 =	simm.s32 $0x1400;
	s15 =	simm.s32 $0x40;
	s16 =	simm.s32 $0x2800  }
0x6: {  	s17 =	simm.s32 $0x80;
	s18 =	simm.s32 $0x4800;
	s19 =	simm.s32 $0x100  }
0x7: {  	s20 =	simm.s32 $0x6800;
	s21 =	simm.s32 $0x180;
	s22 =	simm.s32 $0x8800  }
0x8: {  	s23 =	simm.s32 $0x1;
	s28 =	simm.s32 $0x5;
	s29 =	simm.s32 $0x6  }
0x9: {  	s30 =	simm.s32 $0x7;
	s31 =	simm.s32 $0x8;
	s5 =	smul.u32 $0x14000, s4  }
0xa: {  	s3 =	sand.u32 $0x1, s3;
	[smem:$0x7FF] =	sst s11;
	s9 =	smul.u32 $0x50000, s4  }
0xb: {  	s7 =	sadd.s32 $0x11000, s0;
	s25 =	sshll.u32 s4, $0x6;
	s6 =	smul.u32 $0x140000, s3  }
0xc: {  	_ =	strace $0x8000004D;
	s3 =	ssub.s32 $0x2, s3;
	s12 =	sor.u32 $0x1C09, s25  }
0xd: {  	s25 =	simm.s32 $0x3;
	s10 =	sshrl.u32 s3, $0x1;
	s9 =	sshrl.u32 s9, $0x2  }
0xe: {  	[dreg:$0x6] =	wrdreg s12;
	s8 =	sadd.s32 s5, s6;
	s5 =	sadd.s32 $0x7000, s0  }
0xf: {  	s3 =	ssub.s32 s3, s10;
	s24 =	sadd.s32 s9, s2;
	s6 =	sshrl.u32 s6, $0x3  }
0x10: {  	s10 =	simm.s32 $0x2780;
	s8 =	sshrl.u32 s8, $0x3;
	s9 =	sadd.s32 s7, s6  }
0x11: {  	s26 =	smax.u32 s3, $0x1;
	s3 =	simm.s32 $0x2680;
	s6 =	simm.s32 $0x2700  }
0x12: {  	s0 =	sadd.s32 s8, s0;
	s8 =	sadd.s32 s7, s8;
	[dreg:$0x8] =	wrdreg s26  }
0x13: {  	s7 =	sshrl.u32 s24, $0x3;
	s24 =	simm.s32 $0x2;
	[dreg:$0x5] =	wrdreg s8  }
0x14: {  	s26 =	simm.s32 $0x4;
	s0 =	sadd.s32 $0x61000, s0;
	[dreg:$0x9] =	wrdreg s7  }
0x15: {  	s8 =	smul.u32 $0x5000, s4;
	[dreg:$0x7] =	wrdreg s0;
	s0 =	simm.s32 $0x2600  }
.LBB2_1:
0x16: {  	[dreg:$0x4] =	wrdreg s11  }
0x17: {  	s4 =	rddreg [dreg:$0x5]  }
0x18: {  	[spmem:s7], [sflag:s12] =	dma.local [hbm:s4], $0x2800  }
0x19: {  	_ =	swait.ge [sflag:s13], $0x2800  }
0x1a: {  	[sflag:s13] =	ssyncset.done $0x0  }
0x1b: {  	[sflag:s13] =	ssyncadd.s32 $0xFFFFD800  }
0x1c: {  	s11 =	simm.s32 $0x0;
	[bflag:$0x0] =	sbarrier.arrive $0xFFFF  }
.LBB2_2:
0x1d: {  	s7 =	smul.u32 $0x1400, s11;
	_ =	sdelay $0x1  }
0x1e: {  	s7 =	sadd.s32 s8, s7  }
0x1f: {  	s7 =	sshrl.u32 s7, $0x3  }
0x20: {  	s4 =	simm.s32 $0x0;
	s12 =	sadd.s32 s1, s7  }
0x21: {  	[tilespmem:s4], [sflag:$0x9] =	stream.linear.gather [hbm4b:s12+s4], $0x1400, $0x38;
	[tilespmem:$0x1E800] =	vst v63  }
0x22: {  	_ =	swait.ge [sflag:s13], $0x1400  }
0x23: {  	[sflag:s13] =	ssyncset.done $0x0  }
0x24: {  	s7 =	sadd.s32 s5, s7;
	[sflag:s13] =	ssyncadd.s32 $0xFFFFEC00  }
0x25: {  	[tilespmem:s14], [sflag:$0x9] =	stream.linear.gather [hbm4b:s7+s4], $0x1400, $0x38;
	[tilespmem:$0x1E800] =	vst v63  }
0x26: {  	_ =	swait.ge [sflag:s13], $0x1400  }
0x27: {  	[sflag:s13] =	ssyncset.done $0x0  }
0x28: {  	[sflag:s13] =	ssyncadd.s32 $0xFFFFEC00  }
0x29: {  	[tilespmem:s16], [sflag:$0x1] =	stream.indirect.gather [hbm4b:s9+s15], $0x80, s4, s15, $0xb8;
	[tilespmem:$0x1E800] =	vst v63  }
0x2a: {  	_ = 	snop  }
0x2b: {  	[tilespmem:s18], [sflag:$0x2] =	stream.indirect.gather [hbm4b:s9+s15], $0x80, s17, s15, $0xb8;
	[tilespmem:$0x1E800] =	vst v63  }
0x2c: {  	_ = 	snop  }
0x2d: {  	[tilespmem:s20], [sflag:$0x3] =	stream.indirect.gather [hbm4b:s9+s15], $0x80, s19, s15, $0xb8;
	[tilespmem:$0x1E800] =	vst v63  }
0x2e: {  	_ = 	snop  }
0x2f: {  	[tilespmem:s22], [sflag:$0x4] =	stream.indirect.gather [hbm4b:s9+s15], $0x80, s21, s15, $0xb8;
	[tilespmem:$0x1E800] =	vst v63  }
0x30: {  	_ =	swait.ge [sflag:s23], $0x2000  }
0x31: {  	[sflag:s23] =	ssyncset.done $0x0  }
0x32: {  	s12 =	simm.s32 $0x1400;
	[sflag:s23] =	ssyncadd.s32 $0xFFFFE000  }
0x33: {  	[spmem:s2] =	stream.indirect.scatter.add.f32 [tilespmem:s16], [sflag:$0x5], $0x80, s12, s15, $0xb8;
	[tilespmem:$0x1E800] =	vst v63  }
0x34: {  	_ =	swait.ge [sflag:s24], $0x2000  }
0x35: {  	[sflag:s24] =	ssyncset.done $0x0  }
0x36: {  	s7 =	simm.s32 $0x1480;
	[sflag:s24] =	ssyncadd.s32 $0xFFFFE000  }
0x37: {  	[spmem:s2] =	stream.indirect.scatter.add.f32 [tilespmem:s18], [sflag:$0x6], $0x80, s7, s15, $0xb8;
	[tilespmem:$0x1E800] =	vst v63  }
0x38: {  	_ =	swait.ge [sflag:s25], $0x2000  }
0x39: {  	[sflag:s25] =	ssyncset.done $0x0  }
0x3a: {  	s12 =	simm.s32 $0x1500;
	[sflag:s25] =	ssyncadd.s32 $0xFFFFE000  }
0x3b: {  	[spmem:s2] =	stream.indirect.scatter.add.f32 [tilespmem:s20], [sflag:$0x7], $0x80, s12, s15, $0xb8;
	[tilespmem:$0x1E800] =	vst v63  }
0x3c: {  	_ =	swait.ge [sflag:s26], $0x2000  }
0x3d: {  	[sflag:s26] =	ssyncset.done $0x0  }
0x3e: {  	s7 =	simm.s32 $0x1580;
	[sflag:s26] =	ssyncadd.s32 $0xFFFFE000  }
0x3f: {  	[spmem:s2] =	stream.indirect.scatter.add.f32 [tilespmem:s22], [sflag:$0x8], $0x80, s7, s15, $0xb8;
	[tilespmem:$0x1E800] =	vst v63  }
0x40: {  	_ =	swait.ge [sflag:s28], $0x2000  }
0x41: {  	[sflag:s28] =	ssyncset.done $0x0  }
0x42: {  	s12 =	simm.s32 $0x200;
	[sflag:s28] =	ssyncadd.s32 $0xFFFFE000  }
0x43: {  	[tilespmem:s16], [sflag:$0x1] =	stream.indirect.gather [hbm4b:s9+s15], $0x80, s12, s15, $0xb8;
	[tilespmem:$0x1E800] =	vst v63  }
0x44: {  	_ =	swait.ge [sflag:s29], $0x2000  }
0x45: {  	[sflag:s29] =	ssyncset.done $0x0  }
0x46: {  	s7 =	simm.s32 $0x280;
	[sflag:s29] =	ssyncadd.s32 $0xFFFFE000  }
0x47: {  	[tilespmem:s18], [sflag:$0x2] =	stream.indirect.gather [hbm4b:s9+s15], $0x80, s7, s15, $0xb8;
	[tilespmem:$0x1E800] =	vst v63  }
0x48: {  	_ =	swait.ge [sflag:s30], $0x2000  }
0x49: {  	[sflag:s30] =	ssyncset.done $0x0  }
0x4a: {  	s12 =	simm.s32 $0x300;
	[sflag:s30] =	ssyncadd.s32 $0xFFFFE000  }
0x4b: {  	[tilespmem:s20], [sflag:$0x3] =	stream.indirect.gather [hbm4b:s9+s15], $0x80, s12, s15, $0xb8;
	[tilespmem:$0x1E800] =	vst v63  }
0x4c: {  	_ =	swait.ge [sflag:s31], $0x2000  }
0x4d: {  	[sflag:s31] =	ssyncset.done $0x0  }
0x4e: {  	s7 =	simm.s32 $0x800;
	s12 =	simm.s32 $0x380;
	[sflag:s31] =	ssyncadd.s32 $0xFFFFE000  }
.LBB2_3:
0x4f: {  	[tilespmem:s22], [sflag:$0x4] =	stream.indirect.gather [hbm4b:s9+s15], $0x80, s12, s15, $0xb8;
	[tilespmem:$0x1E800] =	vst v63  }
0x50: {  	s4 =	smov.u32 s7  }
0x51: {  	p0 =	sne.s32 s7, $0x4000;
	s7 =	sadd.s32 $0x800, s7;
	_ =	swait.ge [sflag:s23], $0x2000  }
0x52: {  	s12 =	sshra.s32 s4, $0x2;
	[sflag:s23] =	ssyncset.done $0x0  }
0x53: {  	s4 =	sadd.s32 $0x1400, s12;
	[sflag:s23] =	ssyncadd.s32 $0xFFFFE000  }
0x54: {  	[spmem:s2] =	stream.indirect.scatter.add.f32 [tilespmem:s16], [sflag:$0x5], $0x80, s4, s15, $0xb8;
	[tilespmem:$0x1E800] =	vst v63  }
0x55: {  	_ =	swait.ge [sflag:s24], $0x2000  }
0x56: {  	[sflag:s24] =	ssyncset.done $0x0  }
0x57: {  	s4 =	sadd.s32 $0x1480, s12;
	[sflag:s24] =	ssyncadd.s32 $0xFFFFE000  }
0x58: {  	[spmem:s2] =	stream.indirect.scatter.add.f32 [tilespmem:s18], [sflag:$0x6], $0x80, s4, s15, $0xb8;
	[tilespmem:$0x1E800] =	vst v63  }
0x59: {  	_ =	swait.ge [sflag:s25], $0x2000  }
0x5a: {  	[sflag:s25] =	ssyncset.done $0x0  }
0x5b: {  	s4 =	sadd.s32 $0x1500, s12;
	[sflag:s25] =	ssyncadd.s32 $0xFFFFE000  }
0x5c: {  	[spmem:s2] =	stream.indirect.scatter.add.f32 [tilespmem:s20], [sflag:$0x7], $0x80, s4, s15, $0xb8;
	[tilespmem:$0x1E800] =	vst v63  }
0x5d: {  	_ =	swait.ge [sflag:s26], $0x2000  }
0x5e: {  	[sflag:s26] =	ssyncset.done $0x0  }
0x5f: {  	s4 =	sadd.s32 $0x1580, s12;
	[sflag:s26] =	ssyncadd.s32 $0xFFFFE000  }
0x60: {  	[spmem:s2] =	stream.indirect.scatter.add.f32 [tilespmem:s22], [sflag:$0x8], $0x80, s4, s15, $0xb8;
	[tilespmem:$0x1E800] =	vst v63  }
0x61: {  	_ =	swait.ge [sflag:s28], $0x2000  }
0x62: {  	[sflag:s28] =	ssyncset.done $0x0  }
0x63: {  	s4 =	sadd.s32 $0x200, s12;
	[sflag:s28] =	ssyncadd.s32 $0xFFFFE000  }
0x64: {  	[tilespmem:s16], [sflag:$0x1] =	stream.indirect.gather [hbm4b:s9+s15], $0x80, s4, s15, $0xb8;
	[tilespmem:$0x1E800] =	vst v63  }
0x65: {  	_ =	swait.ge [sflag:s29], $0x2000  }
0x66: {  	[sflag:s29] =	ssyncset.done $0x0  }
0x67: {  	s4 =	sadd.s32 $0x280, s12;
	[sflag:s29] =	ssyncadd.s32 $0xFFFFE000  }
0x68: {  	[tilespmem:s18], [sflag:$0x2] =	stream.indirect.gather [hbm4b:s9+s15], $0x80, s4, s15, $0xb8;
	[tilespmem:$0x1E800] =	vst v63  }
0x69: {  	_ =	swait.ge [sflag:s30], $0x2000  }
0x6a: {  	[sflag:s30] =	ssyncset.done $0x0  }
.Ltmp0:
0x6b: {  	s4 =	sadd.s32 $0x300, s12;
	[sflag:s30] =	ssyncadd.s32 $0xFFFFE000;
	(pc) =	sbr.rel @p0 .LBB2_3-.Ltmp0, $4  }
0x6c: {  	[tilespmem:s20], [sflag:$0x3] =	stream.indirect.gather [hbm4b:s9+s15], $0x80, s4, s15, $0xb8;
	[tilespmem:$0x1E800] =	vst v63  }
0x6d: {  	_ =	swait.ge [sflag:s31], $0x2000  }
0x6e: {  	[sflag:s31] =	ssyncset.done $0x0  }
0x6f: {  	s12 =	sadd.s32 $0x380, s12;
	[sflag:s31] =	ssyncadd.s32 $0xFFFFE000  }
0x70: {  	[tilespmem:s22], [sflag:$0x4] =	stream.indirect.gather [hbm4b:s9+s15], $0x80, s12, s15, $0xb8;
	[tilespmem:$0x1E800] =	vst v63  }
0x71: {  	_ =	swait.ge [sflag:s23], $0x2000  }
0x72: {  	[sflag:s23] =	ssyncset.done $0x0  }
0x73: {  	[sflag:s23] =	ssyncadd.s32 $0xFFFFE000  }
0x74: {  	[spmem:s2] =	stream.indirect.scatter.add.f32 [tilespmem:s16], [sflag:$0x5], $0x80, s0, s15, $0xb8;
	[tilespmem:$0x1E800] =	vst v63  }
0x75: {  	_ =	swait.ge [sflag:s24], $0x2000  }
0x76: {  	[sflag:s24] =	ssyncset.done $0x0  }
0x77: {  	[sflag:s24] =	ssyncadd.s32 $0xFFFFE000  }
0x78: {  	[spmem:s2] =	stream.indirect.scatter.add.f32 [tilespmem:s18], [sflag:$0x6], $0x80, s3, s15, $0xb8;
	[tilespmem:$0x1E800] =	vst v63  }
0x79: {  	_ =	swait.ge [sflag:s25], $0x2000  }
0x7a: {  	[sflag:s25] =	ssyncset.done $0x0  }
0x7b: {  	[sflag:s25] =	ssyncadd.s32 $0xFFFFE000  }
0x7c: {  	[spmem:s2] =	stream.indirect.scatter.add.f32 [tilespmem:s20], [sflag:$0x7], $0x80, s6, s15, $0xb8;
	[tilespmem:$0x1E800] =	vst v63  }
0x7d: {  	_ =	swait.ge [sflag:s26], $0x2000  }
0x7e: {  	[sflag:s26] =	ssyncset.done $0x0  }
0x7f: {  	[sflag:s26] =	ssyncadd.s32 $0xFFFFE000  }
0x80: {  	[spmem:s2] =	stream.indirect.scatter.add.f32 [tilespmem:s22], [sflag:$0x8], $0x80, s10, s15, $0xb8;
	[tilespmem:$0x1E800] =	vst v63  }
0x81: {  	_ =	swait.ge [sflag:s28], $0x2000  }
0x82: {  	[sflag:s28] =	ssyncset.done $0x0  }
0x83: {  	[sflag:s28] =	ssyncadd.s32 $0xFFFFE000  }
0x84: {  	_ =	swait.ge [sflag:s29], $0x2000  }
0x85: {  	[sflag:s29] =	ssyncset.done $0x0  }
0x86: {  	s11 =	sadd.s32 $0x1, s11;
	[sflag:s29] =	ssyncadd.s32 $0xFFFFE000  }
0x87: {  	p0 =	sne.s32 s11, $0x4;
	_ =	swait.ge [sflag:s30], $0x2000  }
.Ltmp1:
0x88: {  	[sflag:s30] =	ssyncset.done $0x0;
	(pc) =	sbr.rel @p0 .LBB2_2-.Ltmp1, $4  }
0x89: {  	[sflag:s30] =	ssyncadd.s32 $0xFFFFE000  }
0x8a: {  	_ =	swait.ge [sflag:s31], $0x2000  }
0x8b: {  	[sflag:s31] =	ssyncset.done $0x0  }
0x8c: {  	[sflag:s31] =	ssyncadd.s32 $0xFFFFE000  }
0x8d: {  	[bflag:$0x0] =	sbarrier.arrive $0xFFFF  }
0x8e: {  	s12 =	rddreg [dreg:$0x6]  }
0x8f: {  	s4 =	rddreg [dreg:$0x7]  }
0x90: {  	s7 =	rddreg [dreg:$0x9]  }
0x91: {  	[hbm:s4], [sflag:s12] =	dma.local [spmem:s7], $0x2800  }
0x92: {  	_ =	swait.ge [sflag:s13], $0x2800  }
0x93: {  	s11 =	rddreg [dreg:$0x4]  }
0x94: {  	s4 =	rddreg [dreg:$0x8];
	s11 =	sadd.s32 $0x1, s11  }
0x95: {  	p0 =	sne.s32 s11, s4  }
.Ltmp2:
0x96: {  	_ = 	snop;
	(pc) =	sbr.rel @p0 .LBB2_1-.Ltmp2, $3  }
0x97: {  	_ =	sdelay $0x1  }
0x98: {  	[sflag:s13] =	ssyncset.done $0x0  }
0x99: {  	[sflag:s13] =	ssyncadd.s32 $0xFFFFD800  }
0x9a: {  	_ =	sfence.sel $0x180000  }
0x9b: {  	[bflag:$0x0] =	sbarrier.arrive $0xFFFF  }
0x9c: {  	_ =	strace $0x9000004D  }
0x9d: {  	s0 =	stileid.u32;
	[bflag:$0x2] =	sbarrier.arrive $0xFFFF  }
0x9e: {  	p0 =	sne.s32 s0, $0x0;
	s0 =	rddreg [dreg:$0x3]  }
0x9f: {  	s0 =	sadd.s32 @!p0 $0x100000, s0  }
0xa0: {  	[sflag:s0] =	ssyncadd.tile.s32 @!p0 $0x1;
	_ =	shalt  }
.Lfunc_end2:
_tile_overlayer_lowered:
.L_overlay_start_2:
0xa1: {  	(tag) =	ssettag $0x2  }
0xa2: {  	s0 =	rddreg [dreg:$0x0];
	s2 =	stileid.u32  }
0xa3: {  	s1 =	rddreg [dreg:$0x1];
	p0 =	sne.s32 s2, $0x0  }
0xa4: {  	s3 =	rddreg [dreg:$0x2];
	[bflag:$0x3] =	sbarrier.arrive $0xFFFF;
	s2 =	simm.s32 @!p0 $0x1C09  }
0xa5: {  	[timem:s3], [sflag:s2] =	dma.local @!p0 [hbm:s0], s1  }
0xa6: {  	s0 =	simm.s32 @!p0 $0x9  }
0xa7: {  	_ =	swait.ge @!p0 [sflag:s0], s1  }
0xa8: {  	s1 =	ssub.s32 @!p0 $0x0, s1;
	[sflag:s0] =	ssyncset.done @!p0 $0x0  }
0xa9: {  	[sflag:s0] =	ssyncadd.s32 @!p0 s1  }
0xaa: {  	[bflag:$0x3] =	sbarrier.arrive $0xFFFF  }
0xab: {  	_ =	shalt  }

// kernel: _run.8.cloned.1.call-start
scs
__scs_entry_jumppad:
0x0: {  	(pc) =	sbr.rel $0x88, $3  }
0x1: {  	(tag) =	ssettag $0x0;
	lr =	simm.s32 $0x1  }
0x2: {  	[smem:$0x3F9B] =	sst lr;
	_ =	strace $0xD0000000  }
0x3: {  	_ = 	snop  }
0x4: {  	_ = 	snop  }
0x5: {  	_ = 	snop  }
0x6: {  	_ = 	snop  }
0x7: {  	_ = 	snop  }
__scs_overlays_trampoline_lowered:
0x8: {  	[smem:$0x3FAA] =	sst s0  }
0x9: {  	[smem:$0x3FAB] =	sst s1  }
0xa: {  	[smem:$0x3FAC] =	sst s2  }
0xb: {  	[smem:$0x3FAD] =	sst s3  }
0xc: {  	[smem:$0x3FAE] =	sst s4  }
0xd: {  	[smem:$0x3FAF] =	sst s5  }
0xe: {  	[smem:$0x3FB0] =	sst s6  }
0xf: {  	[smem:$0x3FB1] =	sst s7  }
0x10: {  	[smem:$0x3FB2] =	sst s8  }
0x11: {  	[smem:$0x3FB3] =	sst s9;
	s0 =	simm.s32 @!p0 $0x0  }
0x12: {  	s1 =	sld [smem:$0x3F99];
	s0 =	simm.s32 @p0 $0x1  }
0x13: {  	[smem:$0x3FB4] =	sst s0;
	s0 =	simm.s32 @!p1 $0x0  }
0x14: {  	s2 =	sld [smem:$0x3F98];
	s0 =	simm.s32 @p1 $0x1  }
0x15: {  	[smem:$0x3FB5] =	sst s0;
	s0 =	simm.s32 @!p2 $0x0  }
0x16: {  	s3 =	sld [smem:$0x3FDB];
	s0 =	simm.s32 @p2 $0x1  }
0x17: {  	s4 =	simm.s32 $0x1BF5;
	[smem:$0x3FB7] =	sst s0  }
0x18: {  	s0 =	sld [smem:$0x3F9A];
	_ =	swait.ge [sflag:s4], $0x0  }
0x19: {  	s7 =	sld [smem:$0x3F9B]  }
0x1a: {  	s8 =	sadd.s32 $0xFFFFE003, lr  }
0x1b: {  	s9 =	sadd.s32 $0xFFFFFEF7, lr;
	s5 =	simm.s32 $0xFFFFFFFF;
	p2 =	slt.u32 s8, $0xFFFFF086  }
0x1c: {  	p1 =	slt.u32 s9, $0xF7A;
	s5 =	simm.s32 @!p2 $0x0  }
0x1d: {  	s5 =	simm.s32 @p1 $0x1;
	p0 =	seq.s32 s7, s2  }
0x1e: {  	s7 =	smul.u32 @!p0 $0xF7A, s2;
	p2 =	seq.s32 @!p0 s5, $0x0  }
0x1f: {  	s9 =	smul.u32 $0xF7A, s1;
	s8 =	simm.s32 @!p0 $0x1BF5;
	p2 =	por !p2, p0  }
0x20: {  	[sflag:s8] =	ssyncset.s32 @!p0 $0xFFFFF086;
	s6 =	sadd.s32 @!p0 s3, s7;
	s7 =	simm.s32 @!p0 $0x108  }
0x21: {  	s3 =	sadd.s32 s3, s9;
	s6 =	sadd.s32 @!p0 $0x88, s6;
	s7 =	simm.s32 @p2 $0x1082  }
0x22: {  	[simem:s7], [sflag:s8] =	dma.local @!p0 [hbm:s6], $0xF7A  }
0x23: {  	s9 =	sor.u32 $0xD0000000, s2;
	s6 =	simm.s32 $0x108;
	_ =	swait.ge @!p0 [sflag:s8], $0x0  }
0x24: {  	s3 =	sadd.s32 $0x88, s3;
	s6 =	simm.s32 @!p1 $0x1082;
	[sflag:s4] =	ssyncset.s32 $0xFFFFF086  }
0x25: {  	[simem:s6], [sflag:s4] =	dma.local [hbm:s3], $0xF7A  }
0x26: {  	[smem:$0x3F9B] =	sst s1;
	(tag) =	ssettag s2;
	_ =	strace s9  }
0x27: {  	s1 =	sld [smem:$0x3FAB]  }
0x28: {  	s2 =	sld [smem:$0x3FAC]  }
0x29: {  	s4 =	sld [smem:$0x3FAE]  }
0x2a: {  	p0 =	seq.s32 s5, $0x0;
	s5 =	sld [smem:$0x3FAF]  }
0x2b: {  	s6 =	sld [smem:$0x3FB0]  }
0x2c: {  	s7 =	sld [smem:$0x3FB1]  }
0x2d: {  	s3 =	simm.s32 $0x108;
	s8 =	sld [smem:$0x3FB2]  }
0x2e: {  	s3 =	simm.s32 @!p0 $0x1082;
	s9 =	sld [smem:$0x3FB3]  }
0x2f: {  	lr =	sadd.s32 s0, s3;
	s0 =	sld [smem:$0x3FAA]  }
0x30: {  	s3 =	sld [smem:$0x3FAD]  }
0x31: {  	[smem:$0x3FB6] =	sst s10  }
0x32: {  	s10 =	sld [smem:$0x3FB4];
	_ =	sdelay $0x3  }
0x33: {  	p0 =	seq.s32 s10, $0x1;
	s10 =	sld [smem:$0x3FB6];
	_ =	sdelay $0x3  }
0x34: {  	[smem:$0x3FB6] =	sst s10  }
0x35: {  	s10 =	sld [smem:$0x3FB5];
	_ =	sdelay $0x3  }
0x36: {  	p1 =	seq.s32 s10, $0x1;
	s10 =	sld [smem:$0x3FB6];
	_ =	sdelay $0x3  }
0x37: {  	[smem:$0x3FB6] =	sst s10  }
0x38: {  	s10 =	sld [smem:$0x3FB7]  }
0x39: {  	_ = 	snop;
	(pc) =	sbr.ind lr, $3  }
0x3a: {  	_ = 	snop  }
0x3b: {  	_ = 	snop  }
0x3c: {  	p2 =	seq.s32 s10, $0x1;
	s10 =	sld [smem:$0x3FB6]  }
0x3d: {  	_ =	shalt  }
0x3e: {  	_ =	shalt  }
0x3f: {  	_ =	shalt  }
0x40: {  	_ =	shalt  }
0x41: {  	_ =	shalt  }
0x42: {  	_ =	shalt  }
0x43: {  	_ =	shalt  }
0x44: {  	_ =	shalt  }
0x45: {  	_ =	shalt  }
0x46: {  	_ =	shalt  }
0x47: {  	_ =	shalt  }
0x48: {  	_ =	shalt  }
0x49: {  	_ =	shalt  }
0x4a: {  	_ =	shalt  }
0x4b: {  	_ =	shalt  }
0x4c: {  	_ =	shalt  }
0x4d: {  	_ =	shalt  }
0x4e: {  	_ =	shalt  }
0x4f: {  	_ =	shalt  }
0x50: {  	_ =	shalt  }
0x51: {  	_ =	shalt  }
0x52: {  	_ =	shalt  }
0x53: {  	_ =	shalt  }
0x54: {  	_ =	shalt  }
0x55: {  	_ =	shalt  }
0x56: {  	_ =	shalt  }
0x57: {  	_ =	shalt  }
0x58: {  	_ =	shalt  }
0x59: {  	_ =	shalt  }
0x5a: {  	_ =	shalt  }
0x5b: {  	_ =	shalt  }
0x5c: {  	_ =	shalt  }
0x5d: {  	_ =	shalt  }
0x5e: {  	_ =	shalt  }
0x5f: {  	_ =	shalt  }
0x60: {  	_ =	shalt  }
0x61: {  	_ =	shalt  }
0x62: {  	_ =	shalt  }
0x63: {  	_ =	shalt  }
0x64: {  	_ =	shalt  }
0x65: {  	_ =	shalt  }
0x66: {  	_ =	shalt  }
0x67: {  	_ =	shalt  }
0x68: {  	_ =	shalt  }
0x69: {  	_ =	shalt  }
0x6a: {  	_ =	shalt  }
0x6b: {  	_ =	shalt  }
0x6c: {  	_ =	shalt  }
0x6d: {  	_ =	shalt  }
0x6e: {  	_ =	shalt  }
0x6f: {  	_ =	shalt  }
0x70: {  	_ =	shalt  }
0x71: {  	_ =	shalt  }
0x72: {  	_ =	shalt  }
0x73: {  	_ =	shalt  }
0x74: {  	_ =	shalt  }
0x75: {  	_ =	shalt  }
0x76: {  	_ =	shalt  }
0x77: {  	_ =	shalt  }
0x78: {  	_ =	shalt  }
0x79: {  	_ =	shalt  }
0x7a: {  	_ =	shalt  }
0x7b: {  	_ =	shalt  }
0x7c: {  	_ =	shalt  }
0x7d: {  	_ =	shalt  }
0x7e: {  	_ =	shalt  }
0x7f: {  	_ =	shalt  }
0x80: {  	_ =	shalt  }
0x81: {  	_ =	shalt  }
0x82: {  	_ =	shalt  }
0x83: {  	_ =	shalt  }
0x84: {  	_ =	shalt  }
0x85: {  	_ =	shalt  }
0x86: {  	_ =	shalt  }
0x87: {  	_ =	shalt  }
.Lfunc_end0:
.L_simem_size_0:
called_computation_lowered:
.L_overlay_start_0:
0x88: {  	s2 =	sld [smem:$0x3FD9]  }
0x89: {  	s3 =	sld [smem:$0x3FFE];
	_ =	sdelay $0x1  }
0x8a: {  	s1 =	srdreg.scid  }
0x8b: {  	s0 =	sand.u32 $0x1, s1  }
0x8c: {  	s16 =	sshll.u32 s0, $0xA;
	s2 =	sadd.s32 s3, s2  }
0x8d: {  	s2 =	sadd.s32 s2, s16  }
0x8e: {  	[smem:$0x3FC2] =	sst s2  }
0x8f: {  	_ = 	snop  }
0x90: {  	(tm) =	ssettm $0x1  }
0x91: {  	s17 =	sld [smem:$0x3FFB];
	_ =	sdelay $0x3  }
0x92: {  	_ =	strace s17  }
0x93: {  	s2 =	sld [smem:$0x3FFC];
	_ =	sdelay $0x3  }
0x94: {  	_ =	strace s2  }
0x95: {  	s2 =	sld [smem:$0x3FFD];
	_ =	sdelay $0x3  }
0x96: {  	_ =	strace s2  }
0x97: {  	_ =	strace $0x8FFFFFFF  }
0x98: {  	s18 =	sld [smem:$0x3FDB];
	_ =	sdelay $0x1  }
0x99: {  	s19 =	simm.s32 $_scs_section_size  }
0x9a: {  	s4 =	simm.s32 $_size__tile_overlayer_lowered;
	s5 =	simm.s32 $_tile_overlayer_lowered  }
0x9b: {  	s22 =	simm.s32 $0x1BFF;
	s21 =	sshll.u32 s5, $0x1;
	s2 =	sadd.s32 s19, s18  }
0x9c: {  	s6 =	simm.s32 $0x0;
	s20 =	sshll.u32 s4, $0x1;
	s4 =	sadd.s32 s21, s2  }
0x9d: {  	[timem:s6], [sflag:s22] =	dma.local [hbm:s4], s20  }
0x9e: {  	_ =	swait.ge [sflag:s22], s20  }
0x9f: {  	s3 =	ssub.s32 $0x0, s20;
	[sflag:s22] =	ssyncset.done $0x0  }
0xa0: {  	[sflag:s22] =	ssyncadd.s32 s3;
	_ =	sdelay $0x1  }
0xa1: {  	s23 =	simm.s32 $0x1B8B  }
0xa2: {  	_ =	swait.ge [sflag:s23], $0x1  }
0xa3: {  	[sflag:s23] =	ssyncset.done $0x0  }
0xa4: {  	s25 =	simm.s32 $0x1B8E;
	s24 =	sld [smem:$0x3FFE];
	[sflag:s23] =	ssyncadd.s32 $0xFFFFFFFF  }
0xa5: {  	s26 =	simm.s32 $execute0_lowered;
	[smem:$0x3FD2] =	sst s25  }
0xa6: {  	s4 =	sshll.u32 s26, $0x1;
	_ =	strace $0x80000046;
	[dreg:$0x1] =	wrdreg $0xFFFFFFFF  }
0xa7: {  	s28 =	simm.s32 $_size_execute0_lowered;
	s2 =	sadd.s32 s2, s4;
	[dreg:$0x0] =	wrdreg $0x0  }
0xa8: {  	s4 =	sshll.u32 s28, $0x1;
	[dreg:$0x2] =	wrdreg s2  }
0xa9: {  	[dreg:$0x3] =	wrdreg s4  }
0xaa: {  	[dreg:$0x4] =	wrdreg $0xC0  }
0xab: {  	_ =	task [dreg:s6], $0x5FFFF  }
0xac: {  	[dreg:$0x1] =	wrdreg $0xFFFFFFFF  }
0xad: {  	[dreg:$0x0] =	wrdreg $0x60  }
0xae: {  	[dreg:$0x2] =	wrdreg s24  }
0xaf: {  	[dreg:$0x3] =	wrdreg $0x28800  }
0xb0: {  	[dreg:$0x4] =	wrdreg $0x9  }
0xb1: {  	_ =	task.clear_ibuf [dreg:s6], $0x5FFFF;
	_ =	strace $0x90000046  }
0xb2: {  	s29 =	simm.s32 $0x9;
	_ =	strace $0x80000048  }
0xb3: {  	_ =	swait.ge [sflag:s29], $0x1  }
0xb4: {  	[sflag:s29] =	ssyncadd.s32 $0xFFFFFFFF  }
0xb5: {  	_ =	strace $0x90000048  }
0xb6: {  	_ =	sfence  }
0xb7: {  	s30 =	sld [smem:$0x0];
	_ =	sdelay $0x2  }
0xb8: {  	s31 =	sshll.u32 s1, $0xD;
	s1 =	sshrl.u32 s1, $0x2  }
0xb9: {  	s3 =	sand.u32 $0x4000, s31;
	s1 =	sadd.s32 s1, s30  }
0xba: {  	s0 =	sor.u32 s3, s0;
	s1 =	sshll.u32 s1, $0x11  }
0xbb: {  	s0 =	sor.u32 s1, s0  }
0xbc: {  	s0 =	sadd.s32 $0x8F2B, s0  }
0xbd: {  	[sflag:s0] =	ssyncadd.remote.s32 $0x1  }
0xbe: {  	_ =	sfence.sel $0xFFFF  }
0xbf: {  	[dreg:$0x0] =	wrdreg $0xFFFFFFFF;
	(pc) =	sbr.abs _section_cstart, $3  }
0xc0: {  	[dreg:$0x1] =	wrdreg $0xFFFFFFFF  }
0xc1: {  	_ =	task.clear_ibuf [dreg:s6], $0x2FFFF;
	_ =	strace $0x9FFFFFFF  }
0xc2: {  	(tm) =	ssettm $0x7FFFFFFF  }
0xc3: {  	_ =	shalt  }
tec
execute0_lowered:
.L_overlay_start_1:
0x0: {  	(tag) =	ssettag $0x1  }
0x1: {  	s1 =	srdreg.scid  }
0x2: {  	s1 =	sand.u32 $0x1, s1  }
0x3: {  	p0 =	seq.s32 s1, $0x1  }
.Ltmp0:
0x4: {  	_ = 	snop;
	(pc) =	sbr.rel @p0 .LBB2_4-.Ltmp0, $4  }
0x5: {  	s8 =	rddreg [dreg:$0x0]  }
0x6: {  	s2 =	rddreg [dreg:$0x1];
	s3 =	simm.s32 $0x0  }
0x7: {  	[smem:$0x7FF] =	sst s3  }
0x8: {  	s0 =	rddreg [dreg:$0x2];
	_ =	strace $0x80000047;
	s1 =	stileid.u32  }
0x9: {  	s4 =	smul.u32 $0x500, s1  }
0xa: {  	s5 =	sadd.s32 $0x1200, s8  }
0xb: {  	s6 =	simm.s32 $0x2;
	s4 =	sadd.s32 s5, s4  }
0xc: {  	[tilespmem:s3], [sflag:$0x2] =	stream.linear.gather [hbm4b:s4+s3], $0x2800, $0x38;
	[tilespmem:$0x2B00] =	vst v63  }
0xd: {  	_ =	swait.ge [sflag:s6], $0x2800  }
0xe: {  	s19 =	sadd.s32 $0x6800, s8;
	s7 =	sadd.s32 $0x6200, s8;
	[sflag:s6] =	ssyncset.done $0x0  }
0xf: {  	s9 =	smul.u32 $0x280, s1;
	s5 =	simm.s32 $0x2800;
	[sflag:s6] =	ssyncadd.s32 $0xFFFFD800  }
0x10: {  	[tilespmem:s5], [sflag:$0x2] =	stream.linear.gather [hbm4b:s19+s3], $0x80, $0x38;
	[tilespmem:$0x2B00] =	vst v63  }
0x11: {  	s21 =	sshll.u32 s1, $0x6;
	s10 =	sshrl.u32 s9, $0x3;
	_ =	swait.ge [sflag:s6], $0x80  }
0x12: {  	s20 =	sadd.s32 s9, s2;
	s7 =	sadd.s32 s7, s10;
	[sflag:s6] =	ssyncset.done $0x0  }
0x13: {  	s4 =	sshrl.u32 s20, $0x3;
	s3 =	sor.u32 $0x1C02, s21;
	[sflag:s6] =	ssyncadd.s32 $0xFFFFFF80  }
0x14: {  	[spmem:s4], [sflag:s3] =	dma.local [hbm:s7], $0x50  }
0x15: {  	_ =	swait.ge [sflag:s6], $0x50  }
0x16: {  	[sflag:s6] =	ssyncset.done $0x0  }
0x17: {  	[sflag:s6] =	ssyncadd.s32 $0xFFFFFFB0  }
0x18: {  	s22 =	simm.s32 $0x0;
	s7 =	simm.s32 $0x80;
	[bflag:$0x0] =	sbarrier.arrive $0xFFFF  }
0x19: {  	[spmem:s2] =	stream.indirect.scatter.add.f32 [tilespmem:s5], [sflag:$0x1], $0x1, s22, s7, $0xb8;
	[tilespmem:$0x2B00] =	vst v63  }
0x1a: {  	s23 =	simm.s32 $0x80  }
0x1b: {  	[spmem:s2] =	stream.indirect.scatter.add.f32 [tilespmem:s5], [sflag:$0x1], $0x1, s23, s7, $0xb8;
	[tilespmem:$0x2B00] =	vst v63  }
0x1c: {  	s24 =	simm.s32 $0x100  }
0x1d: {  	[spmem:s2] =	stream.indirect.scatter.add.f32 [tilespmem:s5], [sflag:$0x1], $0x1, s24, s7, $0xb8;
	[tilespmem:$0x2B00] =	vst v63  }
0x1e: {  	s25 =	simm.s32 $0x180  }
0x1f: {  	[spmem:s2] =	stream.indirect.scatter.add.f32 [tilespmem:s5], [sflag:$0x1], $0x1, s25, s7, $0xb8;
	[tilespmem:$0x2B00] =	vst v63  }
0x20: {  	s26 =	simm.s32 $0x200  }
0x21: {  	[spmem:s2] =	stream.indirect.scatter.add.f32 [tilespmem:s5], [sflag:$0x1], $0x1, s26, s7, $0xb8;
	[tilespmem:$0x2B00] =	vst v63  }
0x22: {  	s28 =	simm.s32 $0x280  }
0x23: {  	[spmem:s2] =	stream.indirect.scatter.add.f32 [tilespmem:s5], [sflag:$0x1], $0x1, s28, s7, $0xb8;
	[tilespmem:$0x2B00] =	vst v63  }
0x24: {  	s29 =	simm.s32 $0x300  }
0x25: {  	[spmem:s2] =	stream.indirect.scatter.add.f32 [tilespmem:s5], [sflag:$0x1], $0x1, s29, s7, $0xb8;
	[tilespmem:$0x2B00] =	vst v63  }
0x26: {  	s30 =	simm.s32 $0x380;
	s6 =	simm.s32 $0x1  }
0x27: {  	[spmem:s2] =	stream.indirect.scatter.add.f32 [tilespmem:s5], [sflag:$0x1], $0x1, s30, s7, $0xb8;
	[tilespmem:$0x2B00] =	vst v63  }
0x28: {  	_ =	swait.ge [sflag:s6], $0x80  }
0x29: {  	[sflag:s6] =	ssyncset.done $0x0  }
0x2a: {  	[sflag:s6] =	ssyncadd.s32 $0xFFFFFF80  }
0x2b: {  	_ =	swait.ge [sflag:s6], $0x80  }
0x2c: {  	[sflag:s6] =	ssyncset.done $0x0  }
0x2d: {  	[sflag:s6] =	ssyncadd.s32 $0xFFFFFF80  }
0x2e: {  	_ =	swait.ge [sflag:s6], $0x80  }
0x2f: {  	[sflag:s6] =	ssyncset.done $0x0  }
0x30: {  	[sflag:s6] =	ssyncadd.s32 $0xFFFFFF80  }
0x31: {  	_ =	swait.ge [sflag:s6], $0x80  }
0x32: {  	[sflag:s6] =	ssyncset.done $0x0  }
0x33: {  	[sflag:s6] =	ssyncadd.s32 $0xFFFFFF80  }
0x34: {  	_ =	swait.ge [sflag:s6], $0x80  }
0x35: {  	[sflag:s6] =	ssyncset.done $0x0  }
0x36: {  	[sflag:s6] =	ssyncadd.s32 $0xFFFFFF80  }
0x37: {  	_ =	swait.ge [sflag:s6], $0x80  }
0x38: {  	[sflag:s6] =	ssyncset.done $0x0  }
0x39: {  	[sflag:s6] =	ssyncadd.s32 $0xFFFFFF80  }
0x3a: {  	_ =	swait.ge [sflag:s6], $0x80  }
0x3b: {  	[sflag:s6] =	ssyncset.done $0x0  }
0x3c: {  	[sflag:s6] =	ssyncadd.s32 $0xFFFFFF80  }
0x3d: {  	s11 =	simm.s32 $0x2000;
	s31 =	sadd.s32 s10, s8;
	_ =	swait.ge [sflag:s6], $0x80  }
0x3e: {  	s9 =	simm.s32 $0x1000;
	s8 =	sadd.s32 $0x6A00, s31;
	[sflag:s6] =	ssyncset.done $0x0  }
.LBB2_2:
0x3f: {  	s12 =	sshra.s32 s9, $0x2  }
0x40: {  	[sflag:s6] =	ssyncadd.s32 $0xFFFFFF80;
	s9 =	smov.u32 s11;
	s10 =	sadd.s32 $0x1000, s11  }
0x41: {  	[spmem:s2] =	stream.indirect.scatter.add.f32 [tilespmem:s5], [sflag:$0x1], $0x1, s12, s7, $0xb8;
	[tilespmem:$0x2B00] =	vst v63  }
0x42: {  	p0 =	sne.s32 s11, $0x9000;
	s11 =	sadd.s32 $0x80, s12  }
0x43: {  	[spmem:s2] =	stream.indirect.scatter.add.f32 [tilespmem:s5], [sflag:$0x1], $0x1, s11, s7, $0xb8;
	[tilespmem:$0x2B00] =	vst v63  }
0x44: {  	s11 =	sadd.s32 $0x100, s12  }
0x45: {  	[spmem:s2] =	stream.indirect.scatter.add.f32 [tilespmem:s5], [sflag:$0x1], $0x1, s11, s7, $0xb8;
	[tilespmem:$0x2B00] =	vst v63  }
0x46: {  	s11 =	sadd.s32 $0x180, s12  }
0x47: {  	[spmem:s2] =	stream.indirect.scatter.add.f32 [tilespmem:s5], [sflag:$0x1], $0x1, s11, s7, $0xb8;
	[tilespmem:$0x2B00] =	vst v63  }
0x48: {  	s11 =	sadd.s32 $0x200, s12  }
0x49: {  	[spmem:s2] =	stream.indirect.scatter.add.f32 [tilespmem:s5], [sflag:$0x1], $0x1, s11, s7, $0xb8;
	[tilespmem:$0x2B00] =	vst v63  }
0x4a: {  	s11 =	sadd.s32 $0x280, s12  }
0x4b: {  	[spmem:s2] =	stream.indirect.scatter.add.f32 [tilespmem:s5], [sflag:$0x1], $0x1, s11, s7, $0xb8;
	[tilespmem:$0x2B00] =	vst v63  }
0x4c: {  	s11 =	sadd.s32 $0x300, s12  }
0x4d: {  	[spmem:s2] =	stream.indirect.scatter.add.f32 [tilespmem:s5], [sflag:$0x1], $0x1, s11, s7, $0xb8;
	[tilespmem:$0x2B00] =	vst v63  }
0x4e: {  	s11 =	sadd.s32 $0x380, s12  }
0x4f: {  	[spmem:s2] =	stream.indirect.scatter.add.f32 [tilespmem:s5], [sflag:$0x1], $0x1, s11, s7, $0xb8;
	[tilespmem:$0x2B00] =	vst v63  }
0x50: {  	_ =	swait.ge [sflag:s6], $0x80  }
0x51: {  	[sflag:s6] =	ssyncset.done $0x0  }
0x52: {  	[sflag:s6] =	ssyncadd.s32 $0xFFFFFF80  }
0x53: {  	_ =	swait.ge [sflag:s6], $0x80  }
0x54: {  	[sflag:s6] =	ssyncset.done $0x0  }
0x55: {  	[sflag:s6] =	ssyncadd.s32 $0xFFFFFF80  }
0x56: {  	_ =	swait.ge [sflag:s6], $0x80  }
0x57: {  	[sflag:s6] =	ssyncset.done $0x0  }
0x58: {  	[sflag:s6] =	ssyncadd.s32 $0xFFFFFF80  }
0x59: {  	_ =	swait.ge [sflag:s6], $0x80  }
0x5a: {  	[sflag:s6] =	ssyncset.done $0x0  }
0x5b: {  	[sflag:s6] =	ssyncadd.s32 $0xFFFFFF80  }
0x5c: {  	_ =	swait.ge [sflag:s6], $0x80  }
0x5d: {  	[sflag:s6] =	ssyncset.done $0x0  }
0x5e: {  	[sflag:s6] =	ssyncadd.s32 $0xFFFFFF80  }
0x5f: {  	_ =	swait.ge [sflag:s6], $0x80  }
0x60: {  	[sflag:s6] =	ssyncset.done $0x0  }
0x61: {  	[sflag:s6] =	ssyncadd.s32 $0xFFFFFF80  }
.Ltmp1:
0x62: {  	_ =	swait.ge [sflag:s6], $0x80;
	(pc) =	sbr.rel @p0 .LBB2_2-.Ltmp1, $4  }
0x63: {  	[sflag:s6] =	ssyncset.done $0x0  }
0x64: {  	[sflag:s6] =	ssyncadd.s32 $0xFFFFFF80  }
0x65: {  	_ =	swait.ge [sflag:s6], $0x80  }
0x66: {  	s11 =	smov.u32 s10;
	[sflag:s6] =	ssyncset.done $0x0  }
0x67: {  	s9 =	sshra.s32 s9, $0x2;
	[sflag:s6] =	ssyncadd.s32 $0xFFFFFF80  }
0x68: {  	[spmem:s2] =	stream.indirect.scatter.add.f32 [tilespmem:s5], [sflag:$0x1], $0x1, s9, s7, $0xb8;
	[tilespmem:$0x2B00] =	vst v63  }
0x69: {  	s10 =	sadd.s32 $0x80, s9  }
0x6a: {  	[spmem:s2] =	stream.indirect.scatter.add.f32 [tilespmem:s5], [sflag:$0x1], $0x1, s10, s7, $0xb8;
	[tilespmem:$0x2B00] =	vst v63  }
0x6b: {  	s25 =	sadd.s32 $0x100, s9  }
0x6c: {  	[spmem:s2] =	stream.indirect.scatter.add.f32 [tilespmem:s5], [sflag:$0x1], $0x1, s25, s7, $0xb8;
	[tilespmem:$0x2B00] =	vst v63  }
0x6d: {  	s26 =	sadd.s32 $0x180, s9  }
0x6e: {  	[spmem:s2] =	stream.indirect.scatter.add.f32 [tilespmem:s5], [sflag:$0x1], $0x1, s26, s7, $0xb8;
	[tilespmem:$0x2B00] =	vst v63  }
0x6f: {  	s28 =	sadd.s32 $0x200, s9  }
0x70: {  	[spmem:s2] =	stream.indirect.scatter.add.f32 [tilespmem:s5], [sflag:$0x1], $0x1, s28, s7, $0xb8;
	[tilespmem:$0x2B00] =	vst v63  }
0x71: {  	s29 =	sadd.s32 $0x280, s9  }
0x72: {  	[spmem:s2] =	stream.indirect.scatter.add.f32 [tilespmem:s5], [sflag:$0x1], $0x1, s29, s7, $0xb8;
	[tilespmem:$0x2B00] =	vst v63  }
0x73: {  	s30 =	sadd.s32 $0x300, s9  }
0x74: {  	[spmem:s2] =	stream.indirect.scatter.add.f32 [tilespmem:s5], [sflag:$0x1], $0x1, s30, s7, $0xb8;
	[tilespmem:$0x2B00] =	vst v63  }
0x75: {  	s9 =	sadd.s32 $0x380, s9  }
0x76: {  	[spmem:s2] =	stream.indirect.scatter.add.f32 [tilespmem:s5], [sflag:$0x1], $0x1, s9, s7, $0xb8;
	[tilespmem:$0x2B00] =	vst v63  }
0x77: {  	_ =	swait.ge [sflag:s6], $0x80  }
0x78: {  	[sflag:s6] =	ssyncset.done $0x0  }
0x79: {  	[sflag:s6] =	ssyncadd.s32 $0xFFFFFF80  }
0x7a: {  	_ =	swait.ge [sflag:s6], $0x80  }
0x7b: {  	[sflag:s6] =	ssyncset.done $0x0  }
0x7c: {  	[sflag:s6] =	ssyncadd.s32 $0xFFFFFF80  }
0x7d: {  	_ =	swait.ge [sflag:s6], $0x80  }
0x7e: {  	[sflag:s6] =	ssyncset.done $0x0  }
0x7f: {  	[sflag:s6] =	ssyncadd.s32 $0xFFFFFF80  }
0x80: {  	_ =	swait.ge [sflag:s6], $0x80  }
0x81: {  	[sflag:s6] =	ssyncset.done $0x0  }
0x82: {  	[sflag:s6] =	ssyncadd.s32 $0xFFFFFF80  }
0x83: {  	_ =	swait.ge [sflag:s6], $0x80  }
0x84: {  	[sflag:s6] =	ssyncset.done $0x0  }
0x85: {  	[sflag:s6] =	ssyncadd.s32 $0xFFFFFF80  }
0x86: {  	_ =	swait.ge [sflag:s6], $0x80  }
0x87: {  	[sflag:s6] =	ssyncset.done $0x0  }
0x88: {  	[sflag:s6] =	ssyncadd.s32 $0xFFFFFF80  }
0x89: {  	_ =	swait.ge [sflag:s6], $0x80  }
0x8a: {  	[sflag:s6] =	ssyncset.done $0x0  }
0x8b: {  	[sflag:s6] =	ssyncadd.s32 $0xFFFFFF80  }
0x8c: {  	_ =	swait.ge [sflag:s6], $0x80  }
0x8d: {  	[sflag:s6] =	ssyncset.done $0x0  }
0x8e: {  	[sflag:s6] =	ssyncadd.s32 $0xFFFFFF80  }
0x8f: {  	s31 =	simm.s32 $0x2;
	[bflag:$0x0] =	sbarrier.arrive $0xFFFF  }
0x90: {  	[hbm:s8], [sflag:s3] =	dma.local [spmem:s4], $0x50  }
0x91: {  	_ =	swait.ge [sflag:s31], $0x50  }
0x92: {  	[sflag:s31] =	ssyncset.done $0x0  }
0x93: {  	[sflag:s31] =	ssyncadd.s32 $0xFFFFFFB0  }
.LBB2_4:
0x94: {  	_ =	sfence.sel $0x180000  }
0x95: {  	[bflag:$0x0] =	sbarrier.arrive $0xFFFF  }
0x96: {  	p0 =	sne.s32 s1, $0x0;
	_ =	strace $0x90000047  }
0x97: {  	s0 =	sadd.s32 @!p0 $0x100000, s0;
	[bflag:$0x2] =	sbarrier.arrive $0xFFFF  }
0x98: {  	[sflag:s0] =	ssyncadd.tile.s32 @!p0 $0x1;
	_ =	shalt  }
.Lfunc_end2:
_tile_overlayer_lowered:
.L_overlay_start_2:
0x99: {  	(tag) =	ssettag $0x2  }
0x9a: {  	s0 =	rddreg [dreg:$0x0];
	s2 =	stileid.u32  }
0x9b: {  	s1 =	rddreg [dreg:$0x1];
	p0 =	sne.s32 s2, $0x0  }
0x9c: {  	s3 =	rddreg [dreg:$0x2];
	[bflag:$0x3] =	sbarrier.arrive $0xFFFF;
	s2 =	simm.s32 @!p0 $0x1C02  }
0x9d: {  	[timem:s3], [sflag:s2] =	dma.local @!p0 [hbm:s0], s1  }
0x9e: {  	s0 =	simm.s32 @!p0 $0x2  }
0x9f: {  	_ =	swait.ge @!p0 [sflag:s0], s1  }
0xa0: {  	s1 =	ssub.s32 @!p0 $0x0, s1;
	[sflag:s0] =	ssyncset.done @!p0 $0x0  }
0xa1: {  	[sflag:s0] =	ssyncadd.s32 @!p0 s1  }
0xa2: {  	[bflag:$0x3] =	sbarrier.arrive $0xFFFF  }
0xa3: {  	_ =	shalt  }

</sc_bundles>
